<compile_context>
chip_gen: v7x
topology: tpu7x:2x2x1
jax: 0.10.2.dev20260603
libtpu: 0.0.44.dev20260713+nightly
codegen_flags: <defaults>
</compile_context>

<pallas_src>
import functools

import jax
import jax.numpy as jnp
from jax import lax
from jax.experimental import pallas as pl
from jax.experimental.pallas import tpu as pltpu
from jax.experimental.pallas import tpu_sc as plsc

N_NODES = 10000
N_EDGES = 320000
D_IN = 128
D_HALF = 64
SPH_DIM = 9
D_EA = 4
EA_PAD = 16
K_BLOOM = 4
B_GRAPHS = 8

NC = 2
NS = 16
NW = NC * NS
G = 128
EPT = 10240
NGRP = EPT // G
EPT16 = 2 * EPT
NGRP16 = EPT16 // G
E_PAD = NW * EPT
N_ACC = 10240
ROWS_PT = N_ACC // NS
SINK = N_NODES
TBL_N = N_NODES + 16
TBL_W = TBL_N * 4
OUT2_R = EPT * 4 // 128


def _sc_mesh():
    return plsc.VectorSubcoreMesh(core_axis_name="c", subcore_axis_name="s")


def _aggx_body(xlo_hbm, xhi_hbm, src16_hbm, dst16_hbm, outx_hbm,
               srcA, dstA, srcB, dstB, rowsA, rowsB, srcS, dstS, accx,
               semA, semB):
    c = lax.axis_index("c")
    s = lax.axis_index("s")
    base = s * ROWS_PT

    def zero_body(i, _):
        zf = jnp.zeros((16,), jnp.float32)
        for t in range(D_HALF // 16):
            rowsA[i, pl.ds(t * 16, 16)] = zf
        return 0
    lax.fori_loop(0, G, zero_body, 0)
    for t in range(ROWS_PT // G):
        pltpu.sync_copy(rowsA, accx.at[pl.ds(base + t * G, G)])
    plsc.subcore_barrier()
    pltpu.sync_copy(src16_hbm.at[s], srcS)
    pltpu.sync_copy(dst16_hbm.at[s], dstS)

    def make_x_loop(x_half):
        def start(idxbuf, rows, sem, j):
            for t in range(G // 16):
                idxbuf[pl.ds(t * 16, 16)] = srcS[j, pl.ds(t * 16, 16)]
            pltpu.async_copy(x_half.at[idxbuf], rows, sem)

        def finish(idxbuf, dstbuf, rows, sem, j):
            for t in range(G // 16):
                dstbuf[pl.ds(t * 16, 16)] = dstS[j, pl.ds(t * 16, 16)]
            pltpu.make_async_copy(x_half.at[idxbuf], rows, sem).wait()
            pltpu.sync_copy(rows, accx.at[dstbuf], add=True)

        start(srcA, rowsA, semA, 0)

        def body(g, _):
            start(srcB, rowsB, semB, g + 1)
            finish(srcA, dstA, rowsA, semA, g)

            @pl.when(g + 2 < NGRP16)
            def _():
                start(srcA, rowsA, semA, g + 2)
            finish(srcB, dstB, rowsB, semB, g + 1)
            return 0
        lax.fori_loop(0, NGRP16 // 2, lambda g, u: body(g * 2, u), 0)

    @pl.when(c == 0)
    def _():
        make_x_loop(xlo_hbm)

    @pl.when(c == 1)
    def _():
        make_x_loop(xhi_hbm)

    plsc.subcore_barrier()
    pltpu.sync_copy(accx.at[pl.ds(base, ROWS_PT)],
                    outx_hbm.at[c, pl.ds(base, ROWS_PT)])


_sc_agg_x = functools.partial(
    pl.kernel,
    out_type=jax.ShapeDtypeStruct((NC, N_ACC, D_HALF), jnp.float32),
    mesh=_sc_mesh(),
    scratch_types=[
        pltpu.VMEM((G,), jnp.int32),
        pltpu.VMEM((G,), jnp.int32),
        pltpu.VMEM((G,), jnp.int32),
        pltpu.VMEM((G,), jnp.int32),
        pltpu.VMEM((G, D_HALF), jnp.float32),
        pltpu.VMEM((G, D_HALF), jnp.float32),
        pltpu.VMEM((NGRP16, G), jnp.int32),
        pltpu.VMEM((NGRP16, G), jnp.int32),
        pltpu.VMEM_SHARED((N_ACC, D_HALF), jnp.float32),
        pltpu.SemaphoreType.DMA,
        pltpu.SemaphoreType.DMA,
    ],
    compiler_params=pltpu.CompilerParams(use_tc_tiling_on_sc=False),
)(_aggx_body)


def _agge_body(dst16_hbm, ea_hbm, oute_hbm, dstA, eav, ebuf, dstS, acce, sem):
    c = lax.axis_index("c")
    s = lax.axis_index("s")
    w = s * NC + c
    base = s * ROWS_PT

    def zero_body(i, _):
        eav[i, pl.ds(0, 16)] = jnp.zeros((16,), jnp.float32)
        return 0
    lax.fori_loop(0, G, zero_body, 0)
    for t in range(ROWS_PT // G):
        pltpu.sync_copy(eav, acce.at[pl.ds(base + t * G, G)])
    plsc.subcore_barrier()
    iota = lax.iota(jnp.int32, 16)

    pltpu.sync_copy(ea_hbm.at[w], ebuf)
    pltpu.sync_copy(dst16_hbm.at[s, pl.ds(c * NGRP, NGRP)], dstS)

    def ea_body(j, _):
        for t in range(G // 16):
            dstA[pl.ds(t * 16, 16)] = dstS[j, pl.ds(t * 16, 16)]

        def fill(k, _):
            q = k * 16 + iota
            plsc.store_scatter(eav, [q >> 2, q & 3],
                               ebuf[pl.ds(j * G * D_EA + k * 16, 16)])
            return 0
        lax.fori_loop(0, G * D_EA // 16, fill, 0)
        pltpu.sync_copy(eav, acce.at[dstA], add=True)
        return 0
    lax.fori_loop(0, NGRP, ea_body, 0)

    plsc.subcore_barrier()
    pltpu.sync_copy(acce.at[pl.ds(base, ROWS_PT)],
                    oute_hbm.at[c, pl.ds(base, ROWS_PT)])


_sc_agg_e = functools.partial(
    pl.kernel,
    out_type=jax.ShapeDtypeStruct((NC, N_ACC, EA_PAD), jnp.float32),
    mesh=_sc_mesh(),
    scratch_types=[
        pltpu.VMEM((G,), jnp.int32),
        pltpu.VMEM((G, EA_PAD), jnp.float32),
        pltpu.VMEM((EPT * D_EA,), jnp.float32),
        pltpu.VMEM((NGRP, G), jnp.int32),
        pltpu.VMEM_SHARED((N_ACC, EA_PAD), jnp.float32),
        pltpu.SemaphoreType.DMA,
    ],
    compiler_params=pltpu.CompilerParams(
        use_tc_tiling_on_sc=False, needs_layout_passes=False),
)(_agge_body)


def _nea_body(tbl_hbm, src_hbm, dst_hbm, ox_hbm, oy_hbm, oz_hbm,
              srcv, dstv, tbl, ovx, ovy, ovz, sem):
    c = lax.axis_index("c")
    s = lax.axis_index("s")
    w = s * NC + c
    pltpu.sync_copy(tbl_hbm, tbl)
    pltpu.sync_copy(src_hbm.at[w], srcv)
    pltpu.sync_copy(dst_hbm.at[w], dstv)
    iota = lax.iota(jnp.int32, 16)

    def body(k, _):
        j = k // 8
        off = (k % 8) * 16
        si = srcv[j, pl.ds(off, 16)] * 4
        di = dstv[j, pl.ds(off, 16)] * 4
        eidx = k * 16 + iota
        for c3, ov in ((0, ovx), (1, ovy), (2, ovz)):
            a = plsc.load_gather(tbl, [si + c3])
            b = plsc.load_gather(tbl, [di + c3])
            plsc.store_scatter(ov, [eidx], b - a)
        return 0
    lax.fori_loop(0, EPT // 16, body, 0)
    pltpu.sync_copy(ovx, ox_hbm.at[pl.ds(w * EPT, EPT)])
    pltpu.sync_copy(ovy, oy_hbm.at[pl.ds(w * EPT, EPT)])
    pltpu.sync_copy(ovz, oz_hbm.at[pl.ds(w * EPT, EPT)])


_sc_edge_attr = functools.partial(
    pl.kernel,
    out_type=(
        jax.ShapeDtypeStruct((E_PAD,), jnp.float32),
        jax.ShapeDtypeStruct((E_PAD,), jnp.float32),
        jax.ShapeDtypeStruct((E_PAD,), jnp.float32),
    ),
    mesh=_sc_mesh(),
    scratch_types=[
        pltpu.VMEM((NGRP, G), jnp.int32),
        pltpu.VMEM((NGRP, G), jnp.int32),
        pltpu.VMEM((TBL_W,), jnp.float32),
        pltpu.VMEM((EPT,), jnp.float32),
        pltpu.VMEM((EPT,), jnp.float32),
        pltpu.VMEM((EPT,), jnp.float32),
        pltpu.SemaphoreType.DMA,
    ],
    compiler_params=pltpu.CompilerParams(needs_layout_passes=False),
)(_nea_body)


BN = 2000


def _dense_body(px, pe, pos4, batch2, w1s, w1h, w2s, w2h, wb4, wg1, wg2,
                xnew_ref, np_ref, gmax_ref):
    i = pl.program_id(0)
    dot = functools.partial(
        lax.dot_general,
        dimension_numbers=(((1,), (0,)), ((), ())),
        precision=lax.Precision.HIGHEST,
        preferred_element_type=jnp.float32,
    )
    ax = jnp.concatenate([px[0], px[1]], axis=1)
    ae = pe[0] + pe[1]
    sph = dot(ax, w1s[...]) + dot(ae, w2s[...])
    h = dot(ax, w1h[...]) + dot(ae, w2h[...])
    delta = dot(sph, wb4[...])
    np_ref[...] = pos4[...] + delta
    xnew_ref[...] = dot(h, wg1[...]) - dot(delta, wg2[...])
    nrm = jnp.sqrt(jnp.sum(delta * delta, axis=1, keepdims=True))
    bid = lax.broadcasted_iota(jnp.int32, (1, B_GRAPHS), 1)
    vals = jnp.where(batch2[...] == bid, nrm, -jnp.inf)
    bmax = jnp.max(vals, axis=0, keepdims=True)

    @pl.when(i == 0)
    def _():
        gmax_ref[...] = jnp.full((1, B_GRAPHS), -jnp.inf, jnp.float32)
    gmax_ref[...] = jnp.maximum(gmax_ref[...], bmax)


_tc_dense = pl.pallas_call(
    _dense_body,
    grid=(N_NODES // BN,),
    in_specs=[
        pl.BlockSpec((NC, BN, D_HALF), lambda i: (0, i, 0)),
        pl.BlockSpec((NC, BN, EA_PAD), lambda i: (0, i, 0)),
        pl.BlockSpec((BN, 4), lambda i: (i, 0)),
        pl.BlockSpec((BN, 1), lambda i: (i, 0)),
        pl.BlockSpec((D_IN, SPH_DIM), lambda i: (0, 0)),
        pl.BlockSpec((D_IN, D_IN), lambda i: (0, 0)),
        pl.BlockSpec((EA_PAD, SPH_DIM), lambda i: (0, 0)),
        pl.BlockSpec((EA_PAD, D_IN), lambda i: (0, 0)),
        pl.BlockSpec((SPH_DIM, 4), lambda i: (0, 0)),
        pl.BlockSpec((D_IN, D_IN), lambda i: (0, 0)),
        pl.BlockSpec((4, D_IN), lambda i: (0, 0)),
    ],
    out_specs=(
        pl.BlockSpec((BN, D_IN), lambda i: (i, 0)),
        pl.BlockSpec((BN, 4), lambda i: (i, 0)),
        pl.BlockSpec((1, B_GRAPHS), lambda i: (0, 0)),
    ),
    out_shape=(
        jax.ShapeDtypeStruct((N_NODES, D_IN), jnp.float32),
        jax.ShapeDtypeStruct((N_NODES, 4), jnp.float32),
        jax.ShapeDtypeStruct((1, B_GRAPHS), jnp.float32),
    ),
)


def kernel(x, pos, edge_index, edge_attr, batch, W_conv, W_bloom, W_gather):
    src, dst = edge_index[0], edge_index[1]
    npad = E_PAD - N_EDGES
    src_p = jnp.concatenate([src, jnp.zeros((npad,), jnp.int32)])
    dst_p = jnp.concatenate([dst, jnp.full((npad,), SINK, jnp.int32)])
    ea_flat = jnp.pad(edge_attr.reshape(N_EDGES * D_EA), (0, npad * D_EA))

    xlo = x[:, :D_HALF]
    xhi = x[:, D_HALF:]

    src16 = src_p.reshape(NS, NGRP16, G)
    dst16 = dst_p.reshape(NS, NGRP16, G)
    px = _sc_agg_x(xlo, xhi, src16, dst16)
    pe = _sc_agg_e(dst16, ea_flat.reshape(NW, EPT * D_EA))

    w1 = W_conv[:D_IN]
    w2 = jnp.pad(W_conv[D_IN:], ((0, EA_PAD - D_EA), (0, 0)))
    wb_red = W_bloom.reshape(SPH_DIM, K_BLOOM, 3).mean(axis=1)
    wb4 = jnp.pad(wb_red, ((0, 0), (0, 1)))
    wg = K_BLOOM * W_gather
    wg1 = wg[:D_IN]
    wg2 = jnp.pad(wg[D_IN:], ((0, 1), (0, 0)))

    pos4 = jnp.pad(pos, ((0, 0), (0, 1)))
    x_new, np4, gmax = _tc_dense(
        px, pe, pos4, batch[:, None],
        w1[:, :SPH_DIM], w1[:, SPH_DIM:],
        w2[:, :SPH_DIM], w2[:, SPH_DIM:],
        wb4, wg1, wg2,
    )

    tbl = jnp.pad(np4, ((0, TBL_N - N_NODES), (0, 0)))
    nx, ny, nz = _sc_edge_attr(tbl.reshape(TBL_W),
                               src_p.reshape(NW, NGRP, G),
                               dst_p.reshape(NW, NGRP, G))
    new_edge_attr = jnp.stack(
        [nx[:N_EDGES], ny[:N_EDGES], nz[:N_EDGES]], axis=-1)
    new_pos = np4[:, :3]
    return (x_new, new_pos, edge_index, new_edge_attr, batch, gmax[0])

# --- scband reference (transcript-rebuilt; emitter-appended) ---
"""Pipeline reference for scband-unpooling-58119497450175 (READ-ONLY COPY).

The authoritative reference and input builder live on the scoring server;
editing this copy changes nothing except your own understanding.
"""

import jax, jax.numpy as jnp
import numpy as np

N = 10000
E = 320000
D_IN = 128
D_OUT = 128
D_EDGE = 4
BLOOM_LMAX = 2
SPH = sum(2 * L + 1 for L in range(BLOOM_LMAX + 1))  # dim of Rs_bloom = 9
K = 4   # bloom points emitted per node
B = 8   # graphs in the batch
N_NORM = 1.0


def setup_inputs(seed: int = 0) -> dict:
    key = jax.random.key(seed)
    ks = jax.random.split(key, 8)
    x = jax.random.normal(ks[0], (N, D_IN), dtype=jnp.float32)
    pos = jax.random.normal(ks[1], (N, 3), dtype=jnp.float32)
    edge_index = jax.random.randint(ks[2], (2, E), 0, N, dtype=jnp.int32)
    edge_attr = jax.random.normal(ks[3], (E, D_EDGE), dtype=jnp.float32)
    batch = jnp.sort(jax.random.randint(ks[4], (N,), 0, B, dtype=jnp.int32))
    # learned params: bloom conv (Rs_in -> Rs_bloom + Rs_out), bloom projection, gather conv
    W_conv = jax.random.normal(ks[5], (D_IN + D_EDGE, SPH + D_OUT), dtype=jnp.float32) * 0.05
    W_bloom = jax.random.normal(ks[6], (SPH, K * 3), dtype=jnp.float32) * 0.05
    W_gather = jax.random.normal(ks[7], (D_OUT + 3, D_OUT), dtype=jnp.float32) * 0.05
    return {"x": x, "pos": pos, "edge_index": edge_index, "edge_attr": edge_attr,
            "batch": batch, "W_conv": W_conv, "W_bloom": W_bloom, "W_gather": W_gather}


def reference(x, pos, edge_index, edge_attr, batch, W_conv, W_bloom, W_gather):
    src = edge_index[0]
    dst = edge_index[1]
    # --- layers['conv']: edge-conditioned message passing (gather + scatter-add) ---
    msg = jnp.concatenate([jnp.take(x, src, axis=0), edge_attr], axis=-1) @ W_conv
    out = jax.ops.segment_sum(msg, dst, num_segments=N) / N_NORM
    sph = out[:, :SPH]
    h = out[:, SPH:]
    # --- layers['bloom']: each node blooms K candidate positions from its sph features ---
    bloom_off = (sph @ W_bloom).reshape(N, K, 3)
    bloom_pos = (pos[:, None, :] + bloom_off).reshape(N * K, 3)
    bloom_batch = jnp.repeat(jnp.arange(N, dtype=jnp.int32), K)  # bloom point -> source node
    # --- merge_clusters (static surrogate): bloom points of a node merge into one cluster ---
    cluster = bloom_batch  # pos_map[0]; C == N
    new_pos = jax.ops.segment_sum(bloom_pos, cluster, num_segments=N) / float(K)  # scatter_mean
    # --- layers['gather']: conv from original nodes onto merged clusters ---
    gather_attr = jnp.take(pos, bloom_batch, axis=0) - jnp.take(new_pos, cluster, axis=0)
    gmsg = jnp.concatenate([jnp.take(h, bloom_batch, axis=0), gather_attr], axis=-1) @ W_gather
    x_new = jax.ops.segment_sum(gmsg, cluster, num_segments=N) / N_NORM
    # per-graph max gather radius (scatter_max over batch assignment)
    gather_max = jax.ops.segment_max(jnp.linalg.norm(gather_attr, axis=-1),
                                     jnp.take(batch, bloom_batch, axis=0), num_segments=B)
    # --- new graph edges: static surrogate for per-graph radius_graph (reuse topology) ---
    new_edge_index = edge_index
    new_edge_attr = jnp.take(new_pos, new_edge_index[1], axis=0) - jnp.take(new_pos, new_edge_index[0], axis=0)
    new_batch = batch  # spspmm cluster->batch assignment; identity under static clustering
    return (x_new, new_pos, new_edge_index, new_edge_attr, new_batch, gather_max)

if __name__ == "__main__":
    import jax
    _d = setup_inputs()
    print(jax.jit(kernel)(*tuple(_d.values())))

</pallas_src>

<mosaic_0001>
#map = affine_map<(d0, d1) -> (0)>
#map1 = affine_map<(d0, d1) -> (0, 0, 0)>
module attributes {stable_mosaic.version = 14 : i64} {
  func.func @_nea_body(%arg0: i32, %arg1: i32, %arg2: memref<40064xf32, #tpu.memory_space<hbm>>, %arg3: memref<32x80x128xi32, #tpu.memory_space<hbm>>, %arg4: memref<32x80x128xi32, #tpu.memory_space<hbm>>, %arg5: memref<327680xf32, #tpu.memory_space<hbm>>, %arg6: memref<327680xf32, #tpu.memory_space<hbm>>, %arg7: memref<327680xf32, #tpu.memory_space<hbm>>, %arg8: memref<80x128xi32, #tpu.memory_space<vmem>>, %arg9: memref<80x128xi32, #tpu.memory_space<vmem>>, %arg10: memref<40064xf32, #tpu.memory_space<vmem>>, %arg11: memref<10240xf32, #tpu.memory_space<vmem>>, %arg12: memref<10240xf32, #tpu.memory_space<vmem>>, %arg13: memref<10240xf32, #tpu.memory_space<vmem>>, %arg14: memref<!tpu.dma_semaphore, #tpu.memory_space<semaphore_mem>>) attributes {dimension_semantics = [#tpu.dimension_semantics<core_parallel>, #tpu.dimension_semantics<subcore_parallel>], iteration_bounds = array<i64: 2, 16>, scalar_prefetch = 0 : i64, scratch_operands = 7 : i64, tpu.core_type = #tpu.core_type<sc_vector_subcore>, window_params = [{transform_indices = #map}, {transform_indices = #map1}, {transform_indices = #map1}, {transform_indices = #map}, {transform_indices = #map}, {transform_indices = #map}]} {
    %mul3A = arith.constant 2 : i32
    %mul3A_0 = arith.muli %arg1, %mul3A : i32
    %add3A = arith.addi %mul3A_0, %arg0 : i32
    "tpu.region"() ({
      %run_scoped3A = tpu.sem_alloc : memref<!tpu.dma_semaphore, #tpu.memory_space<semaphore_mem>>
      tpu.enqueue_dma source(%arg2 : memref<40064xf32, #tpu.memory_space<hbm>>) target(%arg10 : memref<40064xf32, #tpu.memory_space<vmem>>) target_semaphore(%run_scoped3A : memref<!tpu.dma_semaphore, #tpu.memory_space<semaphore_mem>>)
      tpu.wait_dma2 semaphore(%run_scoped3A : memref<!tpu.dma_semaphore, #tpu.memory_space<semaphore_mem>>) src(%arg2 : memref<40064xf32, #tpu.memory_space<hbm>>) dst(%arg10 : memref<40064xf32, #tpu.memory_space<vmem>>)
      tpu.yield
    }) : () -> ()
    "tpu.region"() ({
      %run_scoped3A = tpu.sem_alloc : memref<!tpu.dma_semaphore, #tpu.memory_space<semaphore_mem>>
      %dma_start3A = arith.constant 0 : i32
      %dma_start3A_13 = arith.constant 0 : i32
      %dma_start3A_14 = tpu.memref_slice %arg3[%add3A, %dma_start3A, %dma_start3A_13] : memref<32x80x128xi32, #tpu.memory_space<hbm>> -> memref<1x80x128xi32, #tpu.memory_space<hbm>>
      %dma_start3A_15 = tpu.memref_squeeze %dma_start3A_14 : memref<1x80x128xi32, #tpu.memory_space<hbm>> -> memref<80x128xi32, #tpu.memory_space<hbm>>
      %dma_start3A_16 = arith.constant 0 : i32
      %dma_start3A_17 = arith.constant 0 : i32
      %dma_start3A_18 = tpu.memref_slice %arg3[%add3A, %dma_start3A_16, %dma_start3A_17] : memref<32x80x128xi32, #tpu.memory_space<hbm>> -> memref<1x80x128xi32, #tpu.memory_space<hbm>>
      %dma_start3A_19 = tpu.memref_squeeze %dma_start3A_18 : memref<1x80x128xi32, #tpu.memory_space<hbm>> -> memref<80x128xi32, #tpu.memory_space<hbm>>
      tpu.enqueue_dma source(%dma_start3A_19 : memref<80x128xi32, #tpu.memory_space<hbm>>) target(%arg8 : memref<80x128xi32, #tpu.memory_space<vmem>>) target_semaphore(%run_scoped3A : memref<!tpu.dma_semaphore, #tpu.memory_space<semaphore_mem>>)
      %dma_wait3A = arith.constant 0 : i32
      %dma_wait3A_20 = arith.constant 0 : i32
      %dma_wait3A_21 = tpu.memref_slice %arg3[%add3A, %dma_wait3A, %dma_wait3A_20] : memref<32x80x128xi32, #tpu.memory_space<hbm>> -> memref<1x80x128xi32, #tpu.memory_space<hbm>>
      %dma_wait3A_22 = tpu.memref_squeeze %dma_wait3A_21 : memref<1x80x128xi32, #tpu.memory_space<hbm>> -> memref<80x128xi32, #tpu.memory_space<hbm>>
      %dma_wait3A_23 = arith.constant 0 : i32
      %dma_wait3A_24 = arith.constant 0 : i32
      %dma_wait3A_25 = tpu.memref_slice %arg3[%add3A, %dma_wait3A_23, %dma_wait3A_24] : memref<32x80x128xi32, #tpu.memory_space<hbm>> -> memref<1x80x128xi32, #tpu.memory_space<hbm>>
      %dma_wait3A_26 = tpu.memref_squeeze %dma_wait3A_25 : memref<1x80x128xi32, #tpu.memory_space<hbm>> -> memref<80x128xi32, #tpu.memory_space<hbm>>
      tpu.wait_dma2 semaphore(%run_scoped3A : memref<!tpu.dma_semaphore, #tpu.memory_space<semaphore_mem>>) src(%dma_wait3A_26 : memref<80x128xi32, #tpu.memory_space<hbm>>) dst(%arg8 : memref<80x128xi32, #tpu.memory_space<vmem>>)
      tpu.yield
    }) : () -> ()
    "tpu.region"() ({
      %run_scoped3A = tpu.sem_alloc : memref<!tpu.dma_semaphore, #tpu.memory_space<semaphore_mem>>
      %dma_start3A = arith.constant 0 : i32
      %dma_start3A_13 = arith.constant 0 : i32
      %dma_start3A_14 = tpu.memref_slice %arg4[%add3A, %dma_start3A, %dma_start3A_13] : memref<32x80x128xi32, #tpu.memory_space<hbm>> -> memref<1x80x128xi32, #tpu.memory_space<hbm>>
      %dma_start3A_15 = tpu.memref_squeeze %dma_start3A_14 : memref<1x80x128xi32, #tpu.memory_space<hbm>> -> memref<80x128xi32, #tpu.memory_space<hbm>>
      %dma_start3A_16 = arith.constant 0 : i32
      %dma_start3A_17 = arith.constant 0 : i32
      %dma_start3A_18 = tpu.memref_slice %arg4[%add3A, %dma_start3A_16, %dma_start3A_17] : memref<32x80x128xi32, #tpu.memory_space<hbm>> -> memref<1x80x128xi32, #tpu.memory_space<hbm>>
      %dma_start3A_19 = tpu.memref_squeeze %dma_start3A_18 : memref<1x80x128xi32, #tpu.memory_space<hbm>> -> memref<80x128xi32, #tpu.memory_space<hbm>>
      tpu.enqueue_dma source(%dma_start3A_19 : memref<80x128xi32, #tpu.memory_space<hbm>>) target(%arg9 : memref<80x128xi32, #tpu.memory_space<vmem>>) target_semaphore(%run_scoped3A : memref<!tpu.dma_semaphore, #tpu.memory_space<semaphore_mem>>)
      %dma_wait3A = arith.constant 0 : i32
      %dma_wait3A_20 = arith.constant 0 : i32
      %dma_wait3A_21 = tpu.memref_slice %arg4[%add3A, %dma_wait3A, %dma_wait3A_20] : memref<32x80x128xi32, #tpu.memory_space<hbm>> -> memref<1x80x128xi32, #tpu.memory_space<hbm>>
      %dma_wait3A_22 = tpu.memref_squeeze %dma_wait3A_21 : memref<1x80x128xi32, #tpu.memory_space<hbm>> -> memref<80x128xi32, #tpu.memory_space<hbm>>
      %dma_wait3A_23 = arith.constant 0 : i32
      %dma_wait3A_24 = arith.constant 0 : i32
      %dma_wait3A_25 = tpu.memref_slice %arg4[%add3A, %dma_wait3A_23, %dma_wait3A_24] : memref<32x80x128xi32, #tpu.memory_space<hbm>> -> memref<1x80x128xi32, #tpu.memory_space<hbm>>
      %dma_wait3A_26 = tpu.memref_squeeze %dma_wait3A_25 : memref<1x80x128xi32, #tpu.memory_space<hbm>> -> memref<80x128xi32, #tpu.memory_space<hbm>>
      tpu.wait_dma2 semaphore(%run_scoped3A : memref<!tpu.dma_semaphore, #tpu.memory_space<semaphore_mem>>) src(%dma_wait3A_26 : memref<80x128xi32, #tpu.memory_space<hbm>>) dst(%arg9 : memref<80x128xi32, #tpu.memory_space<vmem>>)
      tpu.yield
    }) : () -> ()
    %iota3A = tpu.iota {dimensions = array<i32: 0>} : vector<16xi32>
    %scan3A = arith.constant 0 : i32
    %scan3A_1 = arith.constant 0 : i32
    %scan3A_2 = arith.constant 640 : i32
    %scan3A_3 = arith.addi %scan3A_1, %scan3A_2 : i32
    %scan3A_4 = arith.constant 1 : i32
    %scan3A_5 = scf.for %scan3A_13 = %scan3A_1 to %scan3A_3 step %scan3A_4 iter_args(%scan3A_14 = %scan3A) -> (i32)  : i32 {
      %jit3A = arith.constant 8 : i32
      %div3A = arith.divsi %scan3A_13, %jit3A : i32
      %sign3A = arith.constant 0 : i32
      %sign3A_15 = arith.cmpi sgt, %scan3A_13, %sign3A : i32
      %sign3A_16 = arith.extui %sign3A_15 : i1 to i32
      %sign3A_17 = arith.constant 0 : i32
      %sign3A_18 = arith.cmpi slt, %scan3A_13, %sign3A_17 : i32
      %sign3A_19 = arith.extui %sign3A_18 : i1 to i32
      %sign3A_20 = arith.subi %sign3A_16, %sign3A_19 : i32
      %sign3A_21 = arith.constant 0 : i32
      %sign3A_22 = arith.cmpi sgt, %jit3A, %sign3A_21 : i32
      %sign3A_23 = arith.extui %sign3A_22 : i1 to i32
      %sign3A_24 = arith.constant 0 : i32
      %sign3A_25 = arith.cmpi slt, %jit3A, %sign3A_24 : i32
      %sign3A_26 = arith.extui %sign3A_25 : i1 to i32
      %sign3A_27 = arith.subi %sign3A_23, %sign3A_26 : i32
      %ne3A = arith.cmpi ne, %sign3A_20, %sign3A_27 : i32
      %rem3A = arith.remsi %scan3A_13, %jit3A : i32
      %ne3A_28 = arith.constant 0 : i32
      %ne3A_29 = arith.cmpi ne, %rem3A, %ne3A_28 : i32
      %and3A = arith.andi %ne3A, %ne3A_29 : i1
      %sub3A = arith.constant 1 : i32
      %sub3A_30 = arith.subi %div3A, %sub3A : i32
      %select_n3A = arith.select %and3A, %sub3A_30, %div3A : i32
      %jit3A_31 = arith.constant 8 : i32
      %eq3A = arith.constant 0 : i32
      %eq3A_32 = arith.cmpi eq, %jit3A_31, %eq3A : i32
      %jit3A_33 = arith.constant 1 : i32
      %select_n3A_34 = arith.select %eq3A_32, %jit3A_33, %jit3A_31 : i32
      %rem3A_35 = arith.remsi %scan3A_13, %select_n3A_34 : i32
      %ne3A_36 = arith.constant 0 : i32
      %ne3A_37 = arith.cmpi ne, %rem3A_35, %ne3A_36 : i32
      %lt3A = arith.constant 0 : i32
      %lt3A_38 = arith.cmpi slt, %rem3A_35, %lt3A : i32
      %lt3A_39 = arith.constant 0 : i32
      %lt3A_40 = arith.cmpi slt, %select_n3A_34, %lt3A_39 : i32
      %ne3A_41 = arith.xori %lt3A_38, %lt3A_40 : i1
      %and3A_42 = arith.andi %ne3A_41, %ne3A_37 : i1
      %add3A_43 = arith.addi %rem3A_35, %select_n3A_34 : i32
      %select_n3A_44 = arith.select %and3A_42, %add3A_43, %rem3A_35 : i32
      %mul3A_45 = arith.constant 16 : i32
      %mul3A_46 = arith.muli %select_n3A_44, %mul3A_45 : i32
      %get3A = arith.index_cast %select_n3A : i32 to index
      %get3A_47 = arith.index_cast %mul3A_46 : i32 to index
      %get3A_48 = tpu.vector_load %arg8[%get3A, %get3A_47] {strides = array<i32>} : memref<80x128xi32, #tpu.memory_space<vmem>>, vector<16xi32>,
      %mul3A_49 = arith.constant 4 : i32
      %mul3A_50 = vector.broadcast %mul3A_49 : i32 to vector<16xi32>
      %mul3A_51 = arith.muli %get3A_48, %mul3A_50 : vector<16xi32>
      %get3A_52 = arith.index_cast %select_n3A : i32 to index
      %get3A_53 = arith.index_cast %mul3A_46 : i32 to index
      %get3A_54 = tpu.vector_load %arg9[%get3A_52, %get3A_53] {strides = array<i32>} : memref<80x128xi32, #tpu.memory_space<vmem>>, vector<16xi32>,
      %mul3A_55 = arith.constant 4 : i32
      %mul3A_56 = vector.broadcast %mul3A_55 : i32 to vector<16xi32>
      %mul3A_57 = arith.muli %get3A_54, %mul3A_56 : vector<16xi32>
      %mul3A_58 = arith.constant 16 : i32
      %mul3A_59 = arith.muli %scan3A_13, %mul3A_58 : i32
      %add3A_60 = vector.broadcast %mul3A_59 : i32 to vector<16xi32>
      %add3A_61 = arith.addi %add3A_60, %iota3A : vector<16xi32>
      %add3A_62 = arith.constant 0 : i32
      %add3A_63 = vector.broadcast %add3A_62 : i32 to vector<16xi32>
      %add3A_64 = arith.addi %mul3A_51, %add3A_63 : vector<16xi32>
      %gather3A = tpu.vector_load_idx %arg10[%add3A_64] : memref<40064xf32, #tpu.memory_space<vmem>>[vector<16xi32>], vector<16xf32>,
      %add3A_65 = arith.constant 0 : i32
      %add3A_66 = vector.broadcast %add3A_65 : i32 to vector<16xi32>
      %add3A_67 = arith.addi %mul3A_57, %add3A_66 : vector<16xi32>
      %gather3A_68 = tpu.vector_load_idx %arg10[%add3A_67] : memref<40064xf32, #tpu.memory_space<vmem>>[vector<16xi32>], vector<16xf32>,
      %sub3A_69 = arith.subf %gather3A_68, %gather3A : vector<16xf32>
      tpu.vector_store_idx %arg11[%add3A_61], %sub3A_69 : memref<10240xf32, #tpu.memory_space<vmem>>[vector<16xi32>], vector<16xf32>,
      %add3A_70 = arith.constant 1 : i32
      %add3A_71 = vector.broadcast %add3A_70 : i32 to vector<16xi32>
      %add3A_72 = arith.addi %mul3A_51, %add3A_71 : vector<16xi32>
      %gather3A_73 = tpu.vector_load_idx %arg10[%add3A_72] : memref<40064xf32, #tpu.memory_space<vmem>>[vector<16xi32>], vector<16xf32>,
      %add3A_74 = arith.constant 1 : i32
      %add3A_75 = vector.broadcast %add3A_74 : i32 to vector<16xi32>
      %add3A_76 = arith.addi %mul3A_57, %add3A_75 : vector<16xi32>
      %gather3A_77 = tpu.vector_load_idx %arg10[%add3A_76] : memref<40064xf32, #tpu.memory_space<vmem>>[vector<16xi32>], vector<16xf32>,
      %sub3A_78 = arith.subf %gather3A_77, %gather3A_73 : vector<16xf32>
      tpu.vector_store_idx %arg12[%add3A_61], %sub3A_78 : memref<10240xf32, #tpu.memory_space<vmem>>[vector<16xi32>], vector<16xf32>,
      %add3A_79 = arith.constant 2 : i32
      %add3A_80 = vector.broadcast %add3A_79 : i32 to vector<16xi32>
      %add3A_81 = arith.addi %mul3A_51, %add3A_80 : vector<16xi32>
      %gather3A_82 = tpu.vector_load_idx %arg10[%add3A_81] : memref<40064xf32, #tpu.memory_space<vmem>>[vector<16xi32>], vector<16xf32>,
      %add3A_83 = arith.constant 2 : i32
      %add3A_84 = vector.broadcast %add3A_83 : i32 to vector<16xi32>
      %add3A_85 = arith.addi %mul3A_57, %add3A_84 : vector<16xi32>
      %gather3A_86 = tpu.vector_load_idx %arg10[%add3A_85] : memref<40064xf32, #tpu.memory_space<vmem>>[vector<16xi32>], vector<16xf32>,
      %sub3A_87 = arith.subf %gather3A_86, %gather3A_82 : vector<16xf32>
      tpu.vector_store_idx %arg13[%add3A_61], %sub3A_87 : memref<10240xf32, #tpu.memory_space<vmem>>[vector<16xi32>], vector<16xf32>,
      %scan3A_88 = arith.constant 0 : i32
      scf.yield %scan3A_88 : i32
    }
    %scan3A_6 = arith.constant 640 : i32
    %mul3A_7 = arith.constant 10240 : i32
    %mul3A_8 = arith.muli %add3A, %mul3A_7 : i32
    "tpu.region"() ({
      %run_scoped3A = tpu.sem_alloc : memref<!tpu.dma_semaphore, #tpu.memory_space<semaphore_mem>>
      %dma_start3A = tpu.memref_slice %arg5[%mul3A_8] : memref<327680xf32, #tpu.memory_space<hbm>> -> memref<10240xf32, #tpu.memory_space<hbm>>
      %dma_start3A_13 = tpu.memref_slice %arg5[%mul3A_8] : memref<327680xf32, #tpu.memory_space<hbm>> -> memref<10240xf32, #tpu.memory_space<hbm>>
      tpu.enqueue_dma source(%arg11 : memref<10240xf32, #tpu.memory_space<vmem>>) target(%dma_start3A_13 : memref<10240xf32, #tpu.memory_space<hbm>>) target_semaphore(%run_scoped3A : memref<!tpu.dma_semaphore, #tpu.memory_space<semaphore_mem>>)
      %dma_wait3A = tpu.memref_slice %arg5[%mul3A_8] : memref<327680xf32, #tpu.memory_space<hbm>> -> memref<10240xf32, #tpu.memory_space<hbm>>
      %dma_wait3A_14 = tpu.memref_slice %arg5[%mul3A_8] : memref<327680xf32, #tpu.memory_space<hbm>> -> memref<10240xf32, #tpu.memory_space<hbm>>
      tpu.wait_dma2 semaphore(%run_scoped3A : memref<!tpu.dma_semaphore, #tpu.memory_space<semaphore_mem>>) src(%arg11 : memref<10240xf32, #tpu.memory_space<vmem>>) dst(%dma_wait3A_14 : memref<10240xf32, #tpu.memory_space<hbm>>)
      tpu.yield
    }) : () -> ()
    %mul3A_9 = arith.constant 10240 : i32
    %mul3A_10 = arith.muli %add3A, %mul3A_9 : i32
    "tpu.region"() ({
      %run_scoped3A = tpu.sem_alloc : memref<!tpu.dma_semaphore, #tpu.memory_space<semaphore_mem>>
      %dma_start3A = tpu.memref_slice %arg6[%mul3A_10] : memref<327680xf32, #tpu.memory_space<hbm>> -> memref<10240xf32, #tpu.memory_space<hbm>>
      %dma_start3A_13 = tpu.memref_slice %arg6[%mul3A_10] : memref<327680xf32, #tpu.memory_space<hbm>> -> memref<10240xf32, #tpu.memory_space<hbm>>
      tpu.enqueue_dma source(%arg12 : memref<10240xf32, #tpu.memory_space<vmem>>) target(%dma_start3A_13 : memref<10240xf32, #tpu.memory_space<hbm>>) target_semaphore(%run_scoped3A : memref<!tpu.dma_semaphore, #tpu.memory_space<semaphore_mem>>)
      %dma_wait3A = tpu.memref_slice %arg6[%mul3A_10] : memref<327680xf32, #tpu.memory_space<hbm>> -> memref<10240xf32, #tpu.memory_space<hbm>>
      %dma_wait3A_14 = tpu.memref_slice %arg6[%mul3A_10] : memref<327680xf32, #tpu.memory_space<hbm>> -> memref<10240xf32, #tpu.memory_space<hbm>>
      tpu.wait_dma2 semaphore(%run_scoped3A : memref<!tpu.dma_semaphore, #tpu.memory_space<semaphore_mem>>) src(%arg12 : memref<10240xf32, #tpu.memory_space<vmem>>) dst(%dma_wait3A_14 : memref<10240xf32, #tpu.memory_space<hbm>>)
      tpu.yield
    }) : () -> ()
    %mul3A_11 = arith.constant 10240 : i32
    %mul3A_12 = arith.muli %add3A, %mul3A_11 : i32
    "tpu.region"() ({
      %run_scoped3A = tpu.sem_alloc : memref<!tpu.dma_semaphore, #tpu.memory_space<semaphore_mem>>
      %dma_start3A = tpu.memref_slice %arg7[%mul3A_12] : memref<327680xf32, #tpu.memory_space<hbm>> -> memref<10240xf32, #tpu.memory_space<hbm>>
      %dma_start3A_13 = tpu.memref_slice %arg7[%mul3A_12] : memref<327680xf32, #tpu.memory_space<hbm>> -> memref<10240xf32, #tpu.memory_space<hbm>>
      tpu.enqueue_dma source(%arg13 : memref<10240xf32, #tpu.memory_space<vmem>>) target(%dma_start3A_13 : memref<10240xf32, #tpu.memory_space<hbm>>) target_semaphore(%run_scoped3A : memref<!tpu.dma_semaphore, #tpu.memory_space<semaphore_mem>>)
      %dma_wait3A = tpu.memref_slice %arg7[%mul3A_12] : memref<327680xf32, #tpu.memory_space<hbm>> -> memref<10240xf32, #tpu.memory_space<hbm>>
      %dma_wait3A_14 = tpu.memref_slice %arg7[%mul3A_12] : memref<327680xf32, #tpu.memory_space<hbm>> -> memref<10240xf32, #tpu.memory_space<hbm>>
      tpu.wait_dma2 semaphore(%run_scoped3A : memref<!tpu.dma_semaphore, #tpu.memory_space<semaphore_mem>>) src(%arg13 : memref<10240xf32, #tpu.memory_space<vmem>>) dst(%dma_wait3A_14 : memref<10240xf32, #tpu.memory_space<hbm>>)
      tpu.yield
    }) : () -> ()
    return
  }
}

#map = affine_map<(d0, d1) -> (0, 0)>
#map1 = affine_map<(d0, d1) -> (0, 0, 0)>
module attributes {stable_mosaic.version = 14 : i64} {
  func.func @_aggx_body(%arg0: i32, %arg1: i32, %arg2: memref<10000x64xf32, #tpu.memory_space<hbm>>, %arg3: memref<10000x64xf32, #tpu.memory_space<hbm>>, %arg4: memref<16x160x128xi32, #tpu.memory_space<hbm>>, %arg5: memref<16x160x128xi32, #tpu.memory_space<hbm>>, %arg6: memref<2x10240x64xf32, #tpu.memory_space<hbm>>, %arg7: memref<128xi32, #tpu.memory_space<vmem>>, %arg8: memref<128xi32, #tpu.memory_space<vmem>>, %arg9: memref<128xi32, #tpu.memory_space<vmem>>, %arg10: memref<128xi32, #tpu.memory_space<vmem>>, %arg11: memref<128x64xf32, #tpu.memory_space<vmem>>, %arg12: memref<128x64xf32, #tpu.memory_space<vmem>>, %arg13: memref<160x128xi32, #tpu.memory_space<vmem>>, %arg14: memref<160x128xi32, #tpu.memory_space<vmem>>, %arg15: memref<10240x64xf32, #tpu.memory_space<vmem_shared>>, %arg16: memref<!tpu.dma_semaphore, #tpu.memory_space<semaphore_mem>>, %arg17: memref<!tpu.dma_semaphore, #tpu.memory_space<semaphore_mem>>) attributes {dimension_semantics = [#tpu.dimension_semantics<core_parallel>, #tpu.dimension_semantics<subcore_parallel>], iteration_bounds = array<i64: 2, 16>, scalar_prefetch = 0 : i64, scratch_operands = 11 : i64, tpu.core_type = #tpu.core_type<sc_vector_subcore>, window_params = [{transform_indices = #map}, {transform_indices = #map}, {transform_indices = #map1}, {transform_indices = #map1}, {transform_indices = #map1}]} {
    %mul3A = arith.constant 640 : i32
    %mul3A_0 = arith.muli %arg1, %mul3A : i32
    %scan3A = arith.constant 0 : i32
    %scan3A_1 = arith.constant 0 : i32
    %scan3A_2 = arith.constant 128 : i32
    %scan3A_3 = arith.addi %scan3A_1, %scan3A_2 : i32
    %scan3A_4 = arith.constant 1 : i32
    %scan3A_5 = scf.for %scan3A_24 = %scan3A_1 to %scan3A_3 step %scan3A_4 iter_args(%scan3A_25 = %scan3A) -> (i32)  : i32 {
      %broadcast_in_dim3A = arith.constant 0.000000e+00 : f32
      %broadcast_in_dim3A_26 = vector.broadcast %broadcast_in_dim3A : f32 to vector<16xf32>
      %swap3A = arith.index_cast %scan3A_24 : i32 to index
      %swap3A_27 = arith.constant 0 : index
      %swap3A_28 = tpu.vector_load %arg11[%swap3A, %swap3A_27] {strides = array<i32>} : memref<128x64xf32, #tpu.memory_space<vmem>>, vector<1x16xf32>,
      %swap3A_29 = vector.shape_cast %swap3A_28 : vector<1x16xf32> to vector<16xf32>
      %swap3A_30 = vector.shape_cast %broadcast_in_dim3A_26 : vector<16xf32> to vector<1x16xf32>
      tpu.vector_store %arg11[%swap3A, %swap3A_27], %swap3A_30 {strides = array<i32>} : memref<128x64xf32, #tpu.memory_space<vmem>>, vector<1x16xf32>,
      %swap3A_31 = arith.index_cast %scan3A_24 : i32 to index
      %swap3A_32 = arith.constant 16 : index
      %swap3A_33 = tpu.vector_load %arg11[%swap3A_31, %swap3A_32] {strides = array<i32>} : memref<128x64xf32, #tpu.memory_space<vmem>>, vector<1x16xf32>,
      %swap3A_34 = vector.shape_cast %swap3A_33 : vector<1x16xf32> to vector<16xf32>
      %swap3A_35 = vector.shape_cast %broadcast_in_dim3A_26 : vector<16xf32> to vector<1x16xf32>
      tpu.vector_store %arg11[%swap3A_31, %swap3A_32], %swap3A_35 {strides = array<i32>} : memref<128x64xf32, #tpu.memory_space<vmem>>, vector<1x16xf32>,
      %swap3A_36 = arith.index_cast %scan3A_24 : i32 to index
      %swap3A_37 = arith.constant 32 : index
      %swap3A_38 = tpu.vector_load %arg11[%swap3A_36, %swap3A_37] {strides = array<i32>} : memref<128x64xf32, #tpu.memory_space<vmem>>, vector<1x16xf32>,
      %swap3A_39 = vector.shape_cast %swap3A_38 : vector<1x16xf32> to vector<16xf32>
      %swap3A_40 = vector.shape_cast %broadcast_in_dim3A_26 : vector<16xf32> to vector<1x16xf32>
      tpu.vector_store %arg11[%swap3A_36, %swap3A_37], %swap3A_40 {strides = array<i32>} : memref<128x64xf32, #tpu.memory_space<vmem>>, vector<1x16xf32>,
      %swap3A_41 = arith.index_cast %scan3A_24 : i32 to index
      %swap3A_42 = arith.constant 48 : index
      %swap3A_43 = tpu.vector_load %arg11[%swap3A_41, %swap3A_42] {strides = array<i32>} : memref<128x64xf32, #tpu.memory_space<vmem>>, vector<1x16xf32>,
      %swap3A_44 = vector.shape_cast %swap3A_43 : vector<1x16xf32> to vector<16xf32>
      %swap3A_45 = vector.shape_cast %broadcast_in_dim3A_26 : vector<16xf32> to vector<1x16xf32>
      tpu.vector_store %arg11[%swap3A_41, %swap3A_42], %swap3A_45 {strides = array<i32>} : memref<128x64xf32, #tpu.memory_space<vmem>>, vector<1x16xf32>,
      %scan3A_46 = arith.constant 0 : i32
      scf.yield %scan3A_46 : i32
    }
    %scan3A_6 = arith.constant 128 : i32
    %add3A = arith.constant 0 : i32
    %add3A_7 = arith.addi %mul3A_0, %add3A : i32
    "tpu.region"() ({
      %run_scoped3A = tpu.sem_alloc : memref<!tpu.dma_semaphore, #tpu.memory_space<semaphore_mem>>
      %dma_start3A = arith.constant 0 : i32
      %dma_start3A_24 = tpu.memref_slice %arg15[%add3A_7, %dma_start3A] : memref<10240x64xf32, #tpu.memory_space<vmem_shared>> -> memref<128x64xf32, #tpu.memory_space<vmem_shared>>
      %dma_start3A_25 = arith.constant 0 : i32
      %dma_start3A_26 = tpu.memref_slice %arg15[%add3A_7, %dma_start3A_25] : memref<10240x64xf32, #tpu.memory_space<vmem_shared>> -> memref<128x64xf32, #tpu.memory_space<vmem_shared>>
      tpu.enqueue_dma source(%arg11 : memref<128x64xf32, #tpu.memory_space<vmem>>) target(%dma_start3A_26 : memref<128x64xf32, #tpu.memory_space<vmem_shared>>) target_semaphore(%run_scoped3A : memref<!tpu.dma_semaphore, #tpu.memory_space<semaphore_mem>>)
      %dma_wait3A = arith.constant 0 : i32
      %dma_wait3A_27 = tpu.memref_slice %arg15[%add3A_7, %dma_wait3A] : memref<10240x64xf32, #tpu.memory_space<vmem_shared>> -> memref<128x64xf32, #tpu.memory_space<vmem_shared>>
      %dma_wait3A_28 = arith.constant 0 : i32
      %dma_wait3A_29 = tpu.memref_slice %arg15[%add3A_7, %dma_wait3A_28] : memref<10240x64xf32, #tpu.memory_space<vmem_shared>> -> memref<128x64xf32, #tpu.memory_space<vmem_shared>>
      tpu.wait_dma2 semaphore(%run_scoped3A : memref<!tpu.dma_semaphore, #tpu.memory_space<semaphore_mem>>) src(%arg11 : memref<128x64xf32, #tpu.memory_space<vmem>>) dst(%dma_wait3A_29 : memref<128x64xf32, #tpu.memory_space<vmem_shared>>)
      tpu.yield
    }) : () -> ()
    %add3A_8 = arith.constant 128 : i32
    %add3A_9 = arith.addi %mul3A_0, %add3A_8 : i32
    "tpu.region"() ({
      %run_scoped3A = tpu.sem_alloc : memref<!tpu.dma_semaphore, #tpu.memory_space<semaphore_mem>>
      %dma_start3A = arith.constant 0 : i32
      %dma_start3A_24 = tpu.memref_slice %arg15[%add3A_9, %dma_start3A] : memref<10240x64xf32, #tpu.memory_space<vmem_shared>> -> memref<128x64xf32, #tpu.memory_space<vmem_shared>>
      %dma_start3A_25 = arith.constant 0 : i32
      %dma_start3A_26 = tpu.memref_slice %arg15[%add3A_9, %dma_start3A_25] : memref<10240x64xf32, #tpu.memory_space<vmem_shared>> -> memref<128x64xf32, #tpu.memory_space<vmem_shared>>
      tpu.enqueue_dma source(%arg11 : memref<128x64xf32, #tpu.memory_space<vmem>>) target(%dma_start3A_26 : memref<128x64xf32, #tpu.memory_space<vmem_shared>>) target_semaphore(%run_scoped3A : memref<!tpu.dma_semaphore, #tpu.memory_space<semaphore_mem>>)
      %dma_wait3A = arith.constant 0 : i32
      %dma_wait3A_27 = tpu.memref_slice %arg15[%add3A_9, %dma_wait3A] : memref<10240x64xf32, #tpu.memory_space<vmem_shared>> -> memref<128x64xf32, #tpu.memory_space<vmem_shared>>
      %dma_wait3A_28 = arith.constant 0 : i32
      %dma_wait3A_29 = tpu.memref_slice %arg15[%add3A_9, %dma_wait3A_28] : memref<10240x64xf32, #tpu.memory_space<vmem_shared>> -> memref<128x64xf32, #tpu.memory_space<vmem_shared>>
      tpu.wait_dma2 semaphore(%run_scoped3A : memref<!tpu.dma_semaphore, #tpu.memory_space<semaphore_mem>>) src(%arg11 : memref<128x64xf32, #tpu.memory_space<vmem>>) dst(%dma_wait3A_29 : memref<128x64xf32, #tpu.memory_space<vmem_shared>>)
      tpu.yield
    }) : () -> ()
    %add3A_10 = arith.constant 256 : i32
    %add3A_11 = arith.addi %mul3A_0, %add3A_10 : i32
    "tpu.region"() ({
      %run_scoped3A = tpu.sem_alloc : memref<!tpu.dma_semaphore, #tpu.memory_space<semaphore_mem>>
      %dma_start3A = arith.constant 0 : i32
      %dma_start3A_24 = tpu.memref_slice %arg15[%add3A_11, %dma_start3A] : memref<10240x64xf32, #tpu.memory_space<vmem_shared>> -> memref<128x64xf32, #tpu.memory_space<vmem_shared>>
      %dma_start3A_25 = arith.constant 0 : i32
      %dma_start3A_26 = tpu.memref_slice %arg15[%add3A_11, %dma_start3A_25] : memref<10240x64xf32, #tpu.memory_space<vmem_shared>> -> memref<128x64xf32, #tpu.memory_space<vmem_shared>>
      tpu.enqueue_dma source(%arg11 : memref<128x64xf32, #tpu.memory_space<vmem>>) target(%dma_start3A_26 : memref<128x64xf32, #tpu.memory_space<vmem_shared>>) target_semaphore(%run_scoped3A : memref<!tpu.dma_semaphore, #tpu.memory_space<semaphore_mem>>)
      %dma_wait3A = arith.constant 0 : i32
      %dma_wait3A_27 = tpu.memref_slice %arg15[%add3A_11, %dma_wait3A] : memref<10240x64xf32, #tpu.memory_space<vmem_shared>> -> memref<128x64xf32, #tpu.memory_space<vmem_shared>>
      %dma_wait3A_28 = arith.constant 0 : i32
      %dma_wait3A_29 = tpu.memref_slice %arg15[%add3A_11, %dma_wait3A_28] : memref<10240x64xf32, #tpu.memory_space<vmem_shared>> -> memref<128x64xf32, #tpu.memory_space<vmem_shared>>
      tpu.wait_dma2 semaphore(%run_scoped3A : memref<!tpu.dma_semaphore, #tpu.memory_space<semaphore_mem>>) src(%arg11 : memref<128x64xf32, #tpu.memory_space<vmem>>) dst(%dma_wait3A_29 : memref<128x64xf32, #tpu.memory_space<vmem_shared>>)
      tpu.yield
    }) : () -> ()
    %add3A_12 = arith.constant 384 : i32
    %add3A_13 = arith.addi %mul3A_0, %add3A_12 : i32
    "tpu.region"() ({
      %run_scoped3A = tpu.sem_alloc : memref<!tpu.dma_semaphore, #tpu.memory_space<semaphore_mem>>
      %dma_start3A = arith.constant 0 : i32
      %dma_start3A_24 = tpu.memref_slice %arg15[%add3A_13, %dma_start3A] : memref<10240x64xf32, #tpu.memory_space<vmem_shared>> -> memref<128x64xf32, #tpu.memory_space<vmem_shared>>
      %dma_start3A_25 = arith.constant 0 : i32
      %dma_start3A_26 = tpu.memref_slice %arg15[%add3A_13, %dma_start3A_25] : memref<10240x64xf32, #tpu.memory_space<vmem_shared>> -> memref<128x64xf32, #tpu.memory_space<vmem_shared>>
      tpu.enqueue_dma source(%arg11 : memref<128x64xf32, #tpu.memory_space<vmem>>) target(%dma_start3A_26 : memref<128x64xf32, #tpu.memory_space<vmem_shared>>) target_semaphore(%run_scoped3A : memref<!tpu.dma_semaphore, #tpu.memory_space<semaphore_mem>>)
      %dma_wait3A = arith.constant 0 : i32
      %dma_wait3A_27 = tpu.memref_slice %arg15[%add3A_13, %dma_wait3A] : memref<10240x64xf32, #tpu.memory_space<vmem_shared>> -> memref<128x64xf32, #tpu.memory_space<vmem_shared>>
      %dma_wait3A_28 = arith.constant 0 : i32
      %dma_wait3A_29 = tpu.memref_slice %arg15[%add3A_13, %dma_wait3A_28] : memref<10240x64xf32, #tpu.memory_space<vmem_shared>> -> memref<128x64xf32, #tpu.memory_space<vmem_shared>>
      tpu.wait_dma2 semaphore(%run_scoped3A : memref<!tpu.dma_semaphore, #tpu.memory_space<semaphore_mem>>) src(%arg11 : memref<128x64xf32, #tpu.memory_space<vmem>>) dst(%dma_wait3A_29 : memref<128x64xf32, #tpu.memory_space<vmem_shared>>)
      tpu.yield
    }) : () -> ()
    %add3A_14 = arith.constant 512 : i32
    %add3A_15 = arith.addi %mul3A_0, %add3A_14 : i32
    "tpu.region"() ({
      %run_scoped3A = tpu.sem_alloc : memref<!tpu.dma_semaphore, #tpu.memory_space<semaphore_mem>>
      %dma_start3A = arith.constant 0 : i32
      %dma_start3A_24 = tpu.memref_slice %arg15[%add3A_15, %dma_start3A] : memref<10240x64xf32, #tpu.memory_space<vmem_shared>> -> memref<128x64xf32, #tpu.memory_space<vmem_shared>>
      %dma_start3A_25 = arith.constant 0 : i32
      %dma_start3A_26 = tpu.memref_slice %arg15[%add3A_15, %dma_start3A_25] : memref<10240x64xf32, #tpu.memory_space<vmem_shared>> -> memref<128x64xf32, #tpu.memory_space<vmem_shared>>
      tpu.enqueue_dma source(%arg11 : memref<128x64xf32, #tpu.memory_space<vmem>>) target(%dma_start3A_26 : memref<128x64xf32, #tpu.memory_space<vmem_shared>>) target_semaphore(%run_scoped3A : memref<!tpu.dma_semaphore, #tpu.memory_space<semaphore_mem>>)
      %dma_wait3A = arith.constant 0 : i32
      %dma_wait3A_27 = tpu.memref_slice %arg15[%add3A_15, %dma_wait3A] : memref<10240x64xf32, #tpu.memory_space<vmem_shared>> -> memref<128x64xf32, #tpu.memory_space<vmem_shared>>
      %dma_wait3A_28 = arith.constant 0 : i32
      %dma_wait3A_29 = tpu.memref_slice %arg15[%add3A_15, %dma_wait3A_28] : memref<10240x64xf32, #tpu.memory_space<vmem_shared>> -> memref<128x64xf32, #tpu.memory_space<vmem_shared>>
      tpu.wait_dma2 semaphore(%run_scoped3A : memref<!tpu.dma_semaphore, #tpu.memory_space<semaphore_mem>>) src(%arg11 : memref<128x64xf32, #tpu.memory_space<vmem>>) dst(%dma_wait3A_29 : memref<128x64xf32, #tpu.memory_space<vmem_shared>>)
      tpu.yield
    }) : () -> ()
    %barrier3A = arith.constant 0 : index
    tpu.barrier barrier_id(%barrier3A)
    "tpu.region"() ({
      %run_scoped3A = tpu.sem_alloc : memref<!tpu.dma_semaphore, #tpu.memory_space<semaphore_mem>>
      %dma_start3A = arith.constant 0 : i32
      %dma_start3A_24 = arith.constant 0 : i32
      %dma_start3A_25 = tpu.memref_slice %arg4[%arg1, %dma_start3A, %dma_start3A_24] : memref<16x160x128xi32, #tpu.memory_space<hbm>> -> memref<1x160x128xi32, #tpu.memory_space<hbm>>
      %dma_start3A_26 = tpu.memref_squeeze %dma_start3A_25 : memref<1x160x128xi32, #tpu.memory_space<hbm>> -> memref<160x128xi32, #tpu.memory_space<hbm>>
      %dma_start3A_27 = arith.constant 0 : i32
      %dma_start3A_28 = arith.constant 0 : i32
      %dma_start3A_29 = tpu.memref_slice %arg4[%arg1, %dma_start3A_27, %dma_start3A_28] : memref<16x160x128xi32, #tpu.memory_space<hbm>> -> memref<1x160x128xi32, #tpu.memory_space<hbm>>
      %dma_start3A_30 = tpu.memref_squeeze %dma_start3A_29 : memref<1x160x128xi32, #tpu.memory_space<hbm>> -> memref<160x128xi32, #tpu.memory_space<hbm>>
      tpu.enqueue_dma source(%dma_start3A_30 : memref<160x128xi32, #tpu.memory_space<hbm>>) target(%arg13 : memref<160x128xi32, #tpu.memory_space<vmem>>) target_semaphore(%run_scoped3A : memref<!tpu.dma_semaphore, #tpu.memory_space<semaphore_mem>>)
      %dma_wait3A = arith.constant 0 : i32
      %dma_wait3A_31 = arith.constant 0 : i32
      %dma_wait3A_32 = tpu.memref_slice %arg4[%arg1, %dma_wait3A, %dma_wait3A_31] : memref<16x160x128xi32, #tpu.memory_space<hbm>> -> memref<1x160x128xi32, #tpu.memory_space<hbm>>
      %dma_wait3A_33 = tpu.memref_squeeze %dma_wait3A_32 : memref<1x160x128xi32, #tpu.memory_space<hbm>> -> memref<160x128xi32, #tpu.memory_space<hbm>>
      %dma_wait3A_34 = arith.constant 0 : i32
      %dma_wait3A_35 = arith.constant 0 : i32
      %dma_wait3A_36 = tpu.memref_slice %arg4[%arg1, %dma_wait3A_34, %dma_wait3A_35] : memref<16x160x128xi32, #tpu.memory_space<hbm>> -> memref<1x160x128xi32, #tpu.memory_space<hbm>>
      %dma_wait3A_37 = tpu.memref_squeeze %dma_wait3A_36 : memref<1x160x128xi32, #tpu.memory_space<hbm>> -> memref<160x128xi32, #tpu.memory_space<hbm>>
      tpu.wait_dma2 semaphore(%run_scoped3A : memref<!tpu.dma_semaphore, #tpu.memory_space<semaphore_mem>>) src(%dma_wait3A_37 : memref<160x128xi32, #tpu.memory_space<hbm>>) dst(%arg13 : memref<160x128xi32, #tpu.memory_space<vmem>>)
      tpu.yield
    }) : () -> ()
    "tpu.region"() ({
      %run_scoped3A = tpu.sem_alloc : memref<!tpu.dma_semaphore, #tpu.memory_space<semaphore_mem>>
      %dma_start3A = arith.constant 0 : i32
      %dma_start3A_24 = arith.constant 0 : i32
      %dma_start3A_25 = tpu.memref_slice %arg5[%arg1, %dma_start3A, %dma_start3A_24] : memref<16x160x128xi32, #tpu.memory_space<hbm>> -> memref<1x160x128xi32, #tpu.memory_space<hbm>>
      %dma_start3A_26 = tpu.memref_squeeze %dma_start3A_25 : memref<1x160x128xi32, #tpu.memory_space<hbm>> -> memref<160x128xi32, #tpu.memory_space<hbm>>
      %dma_start3A_27 = arith.constant 0 : i32
      %dma_start3A_28 = arith.constant 0 : i32
      %dma_start3A_29 = tpu.memref_slice %arg5[%arg1, %dma_start3A_27, %dma_start3A_28] : memref<16x160x128xi32, #tpu.memory_space<hbm>> -> memref<1x160x128xi32, #tpu.memory_space<hbm>>
      %dma_start3A_30 = tpu.memref_squeeze %dma_start3A_29 : memref<1x160x128xi32, #tpu.memory_space<hbm>> -> memref<160x128xi32, #tpu.memory_space<hbm>>
      tpu.enqueue_dma source(%dma_start3A_30 : memref<160x128xi32, #tpu.memory_space<hbm>>) target(%arg14 : memref<160x128xi32, #tpu.memory_space<vmem>>) target_semaphore(%run_scoped3A : memref<!tpu.dma_semaphore, #tpu.memory_space<semaphore_mem>>)
      %dma_wait3A = arith.constant 0 : i32
      %dma_wait3A_31 = arith.constant 0 : i32
      %dma_wait3A_32 = tpu.memref_slice %arg5[%arg1, %dma_wait3A, %dma_wait3A_31] : memref<16x160x128xi32, #tpu.memory_space<hbm>> -> memref<1x160x128xi32, #tpu.memory_space<hbm>>
      %dma_wait3A_33 = tpu.memref_squeeze %dma_wait3A_32 : memref<1x160x128xi32, #tpu.memory_space<hbm>> -> memref<160x128xi32, #tpu.memory_space<hbm>>
      %dma_wait3A_34 = arith.constant 0 : i32
      %dma_wait3A_35 = arith.constant 0 : i32
      %dma_wait3A_36 = tpu.memref_slice %arg5[%arg1, %dma_wait3A_34, %dma_wait3A_35] : memref<16x160x128xi32, #tpu.memory_space<hbm>> -> memref<1x160x128xi32, #tpu.memory_space<hbm>>
      %dma_wait3A_37 = tpu.memref_squeeze %dma_wait3A_36 : memref<1x160x128xi32, #tpu.memory_space<hbm>> -> memref<160x128xi32, #tpu.memory_space<hbm>>
      tpu.wait_dma2 semaphore(%run_scoped3A : memref<!tpu.dma_semaphore, #tpu.memory_space<semaphore_mem>>) src(%dma_wait3A_37 : memref<160x128xi32, #tpu.memory_space<hbm>>) dst(%arg14 : memref<160x128xi32, #tpu.memory_space<vmem>>)
      tpu.yield
    }) : () -> ()
    %eq3A = arith.constant 0 : i32
    %eq3A_16 = arith.cmpi eq, %arg0, %eq3A : i32
    %convert_element_type3A = arith.extui %eq3A_16 : i1 to i32
    %cond3A = arith.constant 0 : i32
    %cond3A_17 = arith.cmpi ne, %convert_element_type3A, %cond3A : i32
    scf.if %cond3A_17 {
      %get3A = arith.constant 0 : i32
      %get3A_24 = arith.index_cast %get3A : i32 to index
      %get3A_25 = arith.constant 0 : index
      %get3A_26 = tpu.vector_load %arg13[%get3A_24, %get3A_25] {strides = array<i32>} : memref<160x128xi32, #tpu.memory_space<vmem>>, vector<1x16xi32>,
      %get3A_27 = vector.shape_cast %get3A_26 : vector<1x16xi32> to vector<16xi32>
      %swap3A = arith.constant 0 : index
      %swap3A_28 = tpu.vector_load %arg7[%swap3A] {strides = array<i32>} : memref<128xi32, #tpu.memory_space<vmem>>, vector<16xi32>,
      %swap3A_29 = vector.shape_cast %swap3A_28 : vector<16xi32> to vector<16xi32>
      %swap3A_30 = vector.shape_cast %get3A_27 : vector<16xi32> to vector<16xi32>
      tpu.vector_store %arg7[%swap3A], %swap3A_30 {strides = array<i32>} : memref<128xi32, #tpu.memory_space<vmem>>, vector<16xi32>,
      %get3A_31 = arith.constant 0 : i32
      %get3A_32 = arith.index_cast %get3A_31 : i32 to index
      %get3A_33 = arith.constant 16 : index
      %get3A_34 = tpu.vector_load %arg13[%get3A_32, %get3A_33] {strides = array<i32>} : memref<160x128xi32, #tpu.memory_space<vmem>>, vector<1x16xi32>,
      %get3A_35 = vector.shape_cast %get3A_34 : vector<1x16xi32> to vector<16xi32>
      %swap3A_36 = arith.constant 16 : index
      %swap3A_37 = tpu.vector_load %arg7[%swap3A_36] {strides = array<i32>} : memref<128xi32, #tpu.memory_space<vmem>>, vector<16xi32>,
      %swap3A_38 = vector.shape_cast %swap3A_37 : vector<16xi32> to vector<16xi32>
      %swap3A_39 = vector.shape_cast %get3A_35 : vector<16xi32> to vector<16xi32>
      tpu.vector_store %arg7[%swap3A_36], %swap3A_39 {strides = array<i32>} : memref<128xi32, #tpu.memory_space<vmem>>, vector<16xi32>,
      %get3A_40 = arith.constant 0 : i32
      %get3A_41 = arith.index_cast %get3A_40 : i32 to index
      %get3A_42 = arith.constant 32 : index
      %get3A_43 = tpu.vector_load %arg13[%get3A_41, %get3A_42] {strides = array<i32>} : memref<160x128xi32, #tpu.memory_space<vmem>>, vector<1x16xi32>,
      %get3A_44 = vector.shape_cast %get3A_43 : vector<1x16xi32> to vector<16xi32>
      %swap3A_45 = arith.constant 32 : index
      %swap3A_46 = tpu.vector_load %arg7[%swap3A_45] {strides = array<i32>} : memref<128xi32, #tpu.memory_space<vmem>>, vector<16xi32>,
      %swap3A_47 = vector.shape_cast %swap3A_46 : vector<16xi32> to vector<16xi32>
      %swap3A_48 = vector.shape_cast %get3A_44 : vector<16xi32> to vector<16xi32>
      tpu.vector_store %arg7[%swap3A_45], %swap3A_48 {strides = array<i32>} : memref<128xi32, #tpu.memory_space<vmem>>, vector<16xi32>,
      %get3A_49 = arith.constant 0 : i32
      %get3A_50 = arith.index_cast %get3A_49 : i32 to index
      %get3A_51 = arith.constant 48 : index
      %get3A_52 = tpu.vector_load %arg13[%get3A_50, %get3A_51] {strides = array<i32>} : memref<160x128xi32, #tpu.memory_space<vmem>>, vector<1x16xi32>,
      %get3A_53 = vector.shape_cast %get3A_52 : vector<1x16xi32> to vector<16xi32>
      %swap3A_54 = arith.constant 48 : index
      %swap3A_55 = tpu.vector_load %arg7[%swap3A_54] {strides = array<i32>} : memref<128xi32, #tpu.memory_space<vmem>>, vector<16xi32>,
      %swap3A_56 = vector.shape_cast %swap3A_55 : vector<16xi32> to vector<16xi32>
      %swap3A_57 = vector.shape_cast %get3A_53 : vector<16xi32> to vector<16xi32>
      tpu.vector_store %arg7[%swap3A_54], %swap3A_57 {strides = array<i32>} : memref<128xi32, #tpu.memory_space<vmem>>, vector<16xi32>,
      %get3A_58 = arith.constant 0 : i32
      %get3A_59 = arith.index_cast %get3A_58 : i32 to index
      %get3A_60 = arith.constant 64 : index
      %get3A_61 = tpu.vector_load %arg13[%get3A_59, %get3A_60] {strides = array<i32>} : memref<160x128xi32, #tpu.memory_space<vmem>>, vector<1x16xi32>,
      %get3A_62 = vector.shape_cast %get3A_61 : vector<1x16xi32> to vector<16xi32>
      %swap3A_63 = arith.constant 64 : index
      %swap3A_64 = tpu.vector_load %arg7[%swap3A_63] {strides = array<i32>} : memref<128xi32, #tpu.memory_space<vmem>>, vector<16xi32>,
      %swap3A_65 = vector.shape_cast %swap3A_64 : vector<16xi32> to vector<16xi32>
      %swap3A_66 = vector.shape_cast %get3A_62 : vector<16xi32> to vector<16xi32>
      tpu.vector_store %arg7[%swap3A_63], %swap3A_66 {strides = array<i32>} : memref<128xi32, #tpu.memory_space<vmem>>, vector<16xi32>,
      %get3A_67 = arith.constant 0 : i32
      %get3A_68 = arith.index_cast %get3A_67 : i32 to index
      %get3A_69 = arith.constant 80 : index
      %get3A_70 = tpu.vector_load %arg13[%get3A_68, %get3A_69] {strides = array<i32>} : memref<160x128xi32, #tpu.memory_space<vmem>>, vector<1x16xi32>,
      %get3A_71 = vector.shape_cast %get3A_70 : vector<1x16xi32> to vector<16xi32>
      %swap3A_72 = arith.constant 80 : index
      %swap3A_73 = tpu.vector_load %arg7[%swap3A_72] {strides = array<i32>} : memref<128xi32, #tpu.memory_space<vmem>>, vector<16xi32>,
      %swap3A_74 = vector.shape_cast %swap3A_73 : vector<16xi32> to vector<16xi32>
      %swap3A_75 = vector.shape_cast %get3A_71 : vector<16xi32> to vector<16xi32>
      tpu.vector_store %arg7[%swap3A_72], %swap3A_75 {strides = array<i32>} : memref<128xi32, #tpu.memory_space<vmem>>, vector<16xi32>,
      %get3A_76 = arith.constant 0 : i32
      %get3A_77 = arith.index_cast %get3A_76 : i32 to index
      %get3A_78 = arith.constant 96 : index
      %get3A_79 = tpu.vector_load %arg13[%get3A_77, %get3A_78] {strides = array<i32>} : memref<160x128xi32, #tpu.memory_space<vmem>>, vector<1x16xi32>,
      %get3A_80 = vector.shape_cast %get3A_79 : vector<1x16xi32> to vector<16xi32>
      %swap3A_81 = arith.constant 96 : index
      %swap3A_82 = tpu.vector_load %arg7[%swap3A_81] {strides = array<i32>} : memref<128xi32, #tpu.memory_space<vmem>>, vector<16xi32>,
      %swap3A_83 = vector.shape_cast %swap3A_82 : vector<16xi32> to vector<16xi32>
      %swap3A_84 = vector.shape_cast %get3A_80 : vector<16xi32> to vector<16xi32>
      tpu.vector_store %arg7[%swap3A_81], %swap3A_84 {strides = array<i32>} : memref<128xi32, #tpu.memory_space<vmem>>, vector<16xi32>,
      %get3A_85 = arith.constant 0 : i32
      %get3A_86 = arith.index_cast %get3A_85 : i32 to index
      %get3A_87 = arith.constant 112 : index
      %get3A_88 = tpu.vector_load %arg13[%get3A_86, %get3A_87] {strides = array<i32>} : memref<160x128xi32, #tpu.memory_space<vmem>>, vector<1x16xi32>,
      %get3A_89 = vector.shape_cast %get3A_88 : vector<1x16xi32> to vector<16xi32>
      %swap3A_90 = arith.constant 112 : index
      %swap3A_91 = tpu.vector_load %arg7[%swap3A_90] {strides = array<i32>} : memref<128xi32, #tpu.memory_space<vmem>>, vector<16xi32>,
      %swap3A_92 = vector.shape_cast %swap3A_91 : vector<16xi32> to vector<16xi32>
      %swap3A_93 = vector.shape_cast %get3A_89 : vector<16xi32> to vector<16xi32>
      tpu.vector_store %arg7[%swap3A_90], %swap3A_93 {strides = array<i32>} : memref<128xi32, #tpu.memory_space<vmem>>, vector<16xi32>,
      %dma_start3A = arith.constant 0 : i32
      %dma_start3A_94 = arith.constant 0 : i32
      %dma_start3A_95 = tpu.memref_slice %arg2[%dma_start3A, %dma_start3A_94] : memref<10000x64xf32, #tpu.memory_space<hbm>> -> memref<10000x64xf32, #tpu.memory_space<hbm>>
      tpu.enqueue_indirect_dma source(%dma_start3A_95 : memref<10000x64xf32, #tpu.memory_space<hbm>>) target(%arg11 : memref<128x64xf32, #tpu.memory_space<vmem>>) offsets(%arg7 : memref<128xi32, #tpu.memory_space<vmem>>) semaphore(%arg16 : memref<!tpu.dma_semaphore, #tpu.memory_space<semaphore_mem>>)
      %scan3A_96 = arith.constant 0 : i32
      %scan3A_97 = arith.constant 0 : i32
      %scan3A_98 = arith.constant 80 : i32
      %scan3A_99 = arith.addi %scan3A_97, %scan3A_98 : i32
      %scan3A_100 = arith.constant 1 : i32
      %scan3A_101 = scf.for %scan3A_103 = %scan3A_97 to %scan3A_99 step %scan3A_100 iter_args(%scan3A_104 = %scan3A_96) -> (i32)  : i32 {
        %mul3A_105 = arith.constant 2 : i32
        %mul3A_106 = arith.muli %scan3A_103, %mul3A_105 : i32
        %add3A_107 = arith.constant 1 : i32
        %add3A_108 = arith.addi %mul3A_106, %add3A_107 : i32
        %get3A_109 = arith.index_cast %add3A_108 : i32 to index
        %get3A_110 = arith.constant 0 : index
        %get3A_111 = tpu.vector_load %arg13[%get3A_109, %get3A_110] {strides = array<i32>} : memref<160x128xi32, #tpu.memory_space<vmem>>, vector<1x16xi32>,
        %get3A_112 = vector.shape_cast %get3A_111 : vector<1x16xi32> to vector<16xi32>
        %swap3A_113 = arith.constant 0 : index
        %swap3A_114 = tpu.vector_load %arg9[%swap3A_113] {strides = array<i32>} : memref<128xi32, #tpu.memory_space<vmem>>, vector<16xi32>,
        %swap3A_115 = vector.shape_cast %swap3A_114 : vector<16xi32> to vector<16xi32>
        %swap3A_116 = vector.shape_cast %get3A_112 : vector<16xi32> to vector<16xi32>
        tpu.vector_store %arg9[%swap3A_113], %swap3A_116 {strides = array<i32>} : memref<128xi32, #tpu.memory_space<vmem>>, vector<16xi32>,
        %get3A_117 = arith.index_cast %add3A_108 : i32 to index
        %get3A_118 = arith.constant 16 : index
        %get3A_119 = tpu.vector_load %arg13[%get3A_117, %get3A_118] {strides = array<i32>} : memref<160x128xi32, #tpu.memory_space<vmem>>, vector<1x16xi32>,
        %get3A_120 = vector.shape_cast %get3A_119 : vector<1x16xi32> to vector<16xi32>
        %swap3A_121 = arith.constant 16 : index
        %swap3A_122 = tpu.vector_load %arg9[%swap3A_121] {strides = array<i32>} : memref<128xi32, #tpu.memory_space<vmem>>, vector<16xi32>,
        %swap3A_123 = vector.shape_cast %swap3A_122 : vector<16xi32> to vector<16xi32>
        %swap3A_124 = vector.shape_cast %get3A_120 : vector<16xi32> to vector<16xi32>
        tpu.vector_store %arg9[%swap3A_121], %swap3A_124 {strides = array<i32>} : memref<128xi32, #tpu.memory_space<vmem>>, vector<16xi32>,
        %get3A_125 = arith.index_cast %add3A_108 : i32 to index
        %get3A_126 = arith.constant 32 : index
        %get3A_127 = tpu.vector_load %arg13[%get3A_125, %get3A_126] {strides = array<i32>} : memref<160x128xi32, #tpu.memory_space<vmem>>, vector<1x16xi32>,
        %get3A_128 = vector.shape_cast %get3A_127 : vector<1x16xi32> to vector<16xi32>
        %swap3A_129 = arith.constant 32 : index
        %swap3A_130 = tpu.vector_load %arg9[%swap3A_129] {strides = array<i32>} : memref<128xi32, #tpu.memory_space<vmem>>, vector<16xi32>,
        %swap3A_131 = vector.shape_cast %swap3A_130 : vector<16xi32> to vector<16xi32>
        %swap3A_132 = vector.shape_cast %get3A_128 : vector<16xi32> to vector<16xi32>
        tpu.vector_store %arg9[%swap3A_129], %swap3A_132 {strides = array<i32>} : memref<128xi32, #tpu.memory_space<vmem>>, vector<16xi32>,
        %get3A_133 = arith.index_cast %add3A_108 : i32 to index
        %get3A_134 = arith.constant 48 : index
        %get3A_135 = tpu.vector_load %arg13[%get3A_133, %get3A_134] {strides = array<i32>} : memref<160x128xi32, #tpu.memory_space<vmem>>, vector<1x16xi32>,
        %get3A_136 = vector.shape_cast %get3A_135 : vector<1x16xi32> to vector<16xi32>
        %swap3A_137 = arith.constant 48 : index
        %swap3A_138 = tpu.vector_load %arg9[%swap3A_137] {strides = array<i32>} : memref<128xi32, #tpu.memory_space<vmem>>, vector<16xi32>,
        %swap3A_139 = vector.shape_cast %swap3A_138 : vector<16xi32> to vector<16xi32>
        %swap3A_140 = vector.shape_cast %get3A_136 : vector<16xi32> to vector<16xi32>
        tpu.vector_store %arg9[%swap3A_137], %swap3A_140 {strides = array<i32>} : memref<128xi32, #tpu.memory_space<vmem>>, vector<16xi32>,
        %get3A_141 = arith.index_cast %add3A_108 : i32 to index
        %get3A_142 = arith.constant 64 : index
        %get3A_143 = tpu.vector_load %arg13[%get3A_141, %get3A_142] {strides = array<i32>} : memref<160x128xi32, #tpu.memory_space<vmem>>, vector<1x16xi32>,
        %get3A_144 = vector.shape_cast %get3A_143 : vector<1x16xi32> to vector<16xi32>
        %swap3A_145 = arith.constant 64 : index
        %swap3A_146 = tpu.vector_load %arg9[%swap3A_145] {strides = array<i32>} : memref<128xi32, #tpu.memory_space<vmem>>, vector<16xi32>,
        %swap3A_147 = vector.shape_cast %swap3A_146 : vector<16xi32> to vector<16xi32>
        %swap3A_148 = vector.shape_cast %get3A_144 : vector<16xi32> to vector<16xi32>
        tpu.vector_store %arg9[%swap3A_145], %swap3A_148 {strides = array<i32>} : memref<128xi32, #tpu.memory_space<vmem>>, vector<16xi32>,
        %get3A_149 = arith.index_cast %add3A_108 : i32 to index
        %get3A_150 = arith.constant 80 : index
        %get3A_151 = tpu.vector_load %arg13[%get3A_149, %get3A_150] {strides = array<i32>} : memref<160x128xi32, #tpu.memory_space<vmem>>, vector<1x16xi32>,
        %get3A_152 = vector.shape_cast %get3A_151 : vector<1x16xi32> to vector<16xi32>
        %swap3A_153 = arith.constant 80 : index
        %swap3A_154 = tpu.vector_load %arg9[%swap3A_153] {strides = array<i32>} : memref<128xi32, #tpu.memory_space<vmem>>, vector<16xi32>,
        %swap3A_155 = vector.shape_cast %swap3A_154 : vector<16xi32> to vector<16xi32>
        %swap3A_156 = vector.shape_cast %get3A_152 : vector<16xi32> to vector<16xi32>
        tpu.vector_store %arg9[%swap3A_153], %swap3A_156 {strides = array<i32>} : memref<128xi32, #tpu.memory_space<vmem>>, vector<16xi32>,
        %get3A_157 = arith.index_cast %add3A_108 : i32 to index
        %get3A_158 = arith.constant 96 : index
        %get3A_159 = tpu.vector_load %arg13[%get3A_157, %get3A_158] {strides = array<i32>} : memref<160x128xi32, #tpu.memory_space<vmem>>, vector<1x16xi32>,
        %get3A_160 = vector.shape_cast %get3A_159 : vector<1x16xi32> to vector<16xi32>
        %swap3A_161 = arith.constant 96 : index
        %swap3A_162 = tpu.vector_load %arg9[%swap3A_161] {strides = array<i32>} : memref<128xi32, #tpu.memory_space<vmem>>, vector<16xi32>,
        %swap3A_163 = vector.shape_cast %swap3A_162 : vector<16xi32> to vector<16xi32>
        %swap3A_164 = vector.shape_cast %get3A_160 : vector<16xi32> to vector<16xi32>
        tpu.vector_store %arg9[%swap3A_161], %swap3A_164 {strides = array<i32>} : memref<128xi32, #tpu.memory_space<vmem>>, vector<16xi32>,
        %get3A_165 = arith.index_cast %add3A_108 : i32 to index
        %get3A_166 = arith.constant 112 : index
        %get3A_167 = tpu.vector_load %arg13[%get3A_165, %get3A_166] {strides = array<i32>} : memref<160x128xi32, #tpu.memory_space<vmem>>, vector<1x16xi32>,
        %get3A_168 = vector.shape_cast %get3A_167 : vector<1x16xi32> to vector<16xi32>
        %swap3A_169 = arith.constant 112 : index
        %swap3A_170 = tpu.vector_load %arg9[%swap3A_169] {strides = array<i32>} : memref<128xi32, #tpu.memory_space<vmem>>, vector<16xi32>,
        %swap3A_171 = vector.shape_cast %swap3A_170 : vector<16xi32> to vector<16xi32>
        %swap3A_172 = vector.shape_cast %get3A_168 : vector<16xi32> to vector<16xi32>
        tpu.vector_store %arg9[%swap3A_169], %swap3A_172 {strides = array<i32>} : memref<128xi32, #tpu.memory_space<vmem>>, vector<16xi32>,
        %dma_start3A_173 = arith.constant 0 : i32
        %dma_start3A_174 = arith.constant 0 : i32
        %dma_start3A_175 = tpu.memref_slice %arg2[%dma_start3A_173, %dma_start3A_174] : memref<10000x64xf32, #tpu.memory_space<hbm>> -> memref<10000x64xf32, #tpu.memory_space<hbm>>
        tpu.enqueue_indirect_dma source(%dma_start3A_175 : memref<10000x64xf32, #tpu.memory_space<hbm>>) target(%arg12 : memref<128x64xf32, #tpu.memory_space<vmem>>) offsets(%arg9 : memref<128xi32, #tpu.memory_space<vmem>>) semaphore(%arg17 : memref<!tpu.dma_semaphore, #tpu.memory_space<semaphore_mem>>)
        %get3A_176 = arith.index_cast %mul3A_106 : i32 to index
        %get3A_177 = arith.constant 0 : index
        %get3A_178 = tpu.vector_load %arg14[%get3A_176, %get3A_177] {strides = array<i32>} : memref<160x128xi32, #tpu.memory_space<vmem>>, vector<1x16xi32>,
        %get3A_179 = vector.shape_cast %get3A_178 : vector<1x16xi32> to vector<16xi32>
        %swap3A_180 = arith.constant 0 : index
        %swap3A_181 = tpu.vector_load %arg8[%swap3A_180] {strides = array<i32>} : memref<128xi32, #tpu.memory_space<vmem>>, vector<16xi32>,
        %swap3A_182 = vector.shape_cast %swap3A_181 : vector<16xi32> to vector<16xi32>
        %swap3A_183 = vector.shape_cast %get3A_179 : vector<16xi32> to vector<16xi32>
        tpu.vector_store %arg8[%swap3A_180], %swap3A_183 {strides = array<i32>} : memref<128xi32, #tpu.memory_space<vmem>>, vector<16xi32>,
        %get3A_184 = arith.index_cast %mul3A_106 : i32 to index
        %get3A_185 = arith.constant 16 : index
        %get3A_186 = tpu.vector_load %arg14[%get3A_184, %get3A_185] {strides = array<i32>} : memref<160x128xi32, #tpu.memory_space<vmem>>, vector<1x16xi32>,
        %get3A_187 = vector.shape_cast %get3A_186 : vector<1x16xi32> to vector<16xi32>
        %swap3A_188 = arith.constant 16 : index
        %swap3A_189 = tpu.vector_load %arg8[%swap3A_188] {strides = array<i32>} : memref<128xi32, #tpu.memory_space<vmem>>, vector<16xi32>,
        %swap3A_190 = vector.shape_cast %swap3A_189 : vector<16xi32> to vector<16xi32>
        %swap3A_191 = vector.shape_cast %get3A_187 : vector<16xi32> to vector<16xi32>
        tpu.vector_store %arg8[%swap3A_188], %swap3A_191 {strides = array<i32>} : memref<128xi32, #tpu.memory_space<vmem>>, vector<16xi32>,
        %get3A_192 = arith.index_cast %mul3A_106 : i32 to index
        %get3A_193 = arith.constant 32 : index
        %get3A_194 = tpu.vector_load %arg14[%get3A_192, %get3A_193] {strides = array<i32>} : memref<160x128xi32, #tpu.memory_space<vmem>>, vector<1x16xi32>,
        %get3A_195 = vector.shape_cast %get3A_194 : vector<1x16xi32> to vector<16xi32>
        %swap3A_196 = arith.constant 32 : index
        %swap3A_197 = tpu.vector_load %arg8[%swap3A_196] {strides = array<i32>} : memref<128xi32, #tpu.memory_space<vmem>>, vector<16xi32>,
        %swap3A_198 = vector.shape_cast %swap3A_197 : vector<16xi32> to vector<16xi32>
        %swap3A_199 = vector.shape_cast %get3A_195 : vector<16xi32> to vector<16xi32>
        tpu.vector_store %arg8[%swap3A_196], %swap3A_199 {strides = array<i32>} : memref<128xi32, #tpu.memory_space<vmem>>, vector<16xi32>,
        %get3A_200 = arith.index_cast %mul3A_106 : i32 to index
        %get3A_201 = arith.constant 48 : index
        %get3A_202 = tpu.vector_load %arg14[%get3A_200, %get3A_201] {strides = array<i32>} : memref<160x128xi32, #tpu.memory_space<vmem>>, vector<1x16xi32>,
        %get3A_203 = vector.shape_cast %get3A_202 : vector<1x16xi32> to vector<16xi32>
        %swap3A_204 = arith.constant 48 : index
        %swap3A_205 = tpu.vector_load %arg8[%swap3A_204] {strides = array<i32>} : memref<128xi32, #tpu.memory_space<vmem>>, vector<16xi32>,
        %swap3A_206 = vector.shape_cast %swap3A_205 : vector<16xi32> to vector<16xi32>
        %swap3A_207 = vector.shape_cast %get3A_203 : vector<16xi32> to vector<16xi32>
        tpu.vector_store %arg8[%swap3A_204], %swap3A_207 {strides = array<i32>} : memref<128xi32, #tpu.memory_space<vmem>>, vector<16xi32>,
        %get3A_208 = arith.index_cast %mul3A_106 : i32 to index
        %get3A_209 = arith.constant 64 : index
        %get3A_210 = tpu.vector_load %arg14[%get3A_208, %get3A_209] {strides = array<i32>} : memref<160x128xi32, #tpu.memory_space<vmem>>, vector<1x16xi32>,
        %get3A_211 = vector.shape_cast %get3A_210 : vector<1x16xi32> to vector<16xi32>
        %swap3A_212 = arith.constant 64 : index
        %swap3A_213 = tpu.vector_load %arg8[%swap3A_212] {strides = array<i32>} : memref<128xi32, #tpu.memory_space<vmem>>, vector<16xi32>,
        %swap3A_214 = vector.shape_cast %swap3A_213 : vector<16xi32> to vector<16xi32>
        %swap3A_215 = vector.shape_cast %get3A_211 : vector<16xi32> to vector<16xi32>
        tpu.vector_store %arg8[%swap3A_212], %swap3A_215 {strides = array<i32>} : memref<128xi32, #tpu.memory_space<vmem>>, vector<16xi32>,
        %get3A_216 = arith.index_cast %mul3A_106 : i32 to index
        %get3A_217 = arith.constant 80 : index
        %get3A_218 = tpu.vector_load %arg14[%get3A_216, %get3A_217] {strides = array<i32>} : memref<160x128xi32, #tpu.memory_space<vmem>>, vector<1x16xi32>,
        %get3A_219 = vector.shape_cast %get3A_218 : vector<1x16xi32> to vector<16xi32>
        %swap3A_220 = arith.constant 80 : index
        %swap3A_221 = tpu.vector_load %arg8[%swap3A_220] {strides = array<i32>} : memref<128xi32, #tpu.memory_space<vmem>>, vector<16xi32>,
        %swap3A_222 = vector.shape_cast %swap3A_221 : vector<16xi32> to vector<16xi32>
        %swap3A_223 = vector.shape_cast %get3A_219 : vector<16xi32> to vector<16xi32>
        tpu.vector_store %arg8[%swap3A_220], %swap3A_223 {strides = array<i32>} : memref<128xi32, #tpu.memory_space<vmem>>, vector<16xi32>,
        %get3A_224 = arith.index_cast %mul3A_106 : i32 to index
        %get3A_225 = arith.constant 96 : index
        %get3A_226 = tpu.vector_load %arg14[%get3A_224, %get3A_225] {strides = array<i32>} : memref<160x128xi32, #tpu.memory_space<vmem>>, vector<1x16xi32>,
        %get3A_227 = vector.shape_cast %get3A_226 : vector<1x16xi32> to vector<16xi32>
        %swap3A_228 = arith.constant 96 : index
        %swap3A_229 = tpu.vector_load %arg8[%swap3A_228] {strides = array<i32>} : memref<128xi32, #tpu.memory_space<vmem>>, vector<16xi32>,
        %swap3A_230 = vector.shape_cast %swap3A_229 : vector<16xi32> to vector<16xi32>
        %swap3A_231 = vector.shape_cast %get3A_227 : vector<16xi32> to vector<16xi32>
        tpu.vector_store %arg8[%swap3A_228], %swap3A_231 {strides = array<i32>} : memref<128xi32, #tpu.memory_space<vmem>>, vector<16xi32>,
        %get3A_232 = arith.index_cast %mul3A_106 : i32 to index
        %get3A_233 = arith.constant 112 : index
        %get3A_234 = tpu.vector_load %arg14[%get3A_232, %get3A_233] {strides = array<i32>} : memref<160x128xi32, #tpu.memory_space<vmem>>, vector<1x16xi32>,
        %get3A_235 = vector.shape_cast %get3A_234 : vector<1x16xi32> to vector<16xi32>
        %swap3A_236 = arith.constant 112 : index
        %swap3A_237 = tpu.vector_load %arg8[%swap3A_236] {strides = array<i32>} : memref<128xi32, #tpu.memory_space<vmem>>, vector<16xi32>,
        %swap3A_238 = vector.shape_cast %swap3A_237 : vector<16xi32> to vector<16xi32>
        %swap3A_239 = vector.shape_cast %get3A_235 : vector<16xi32> to vector<16xi32>
        tpu.vector_store %arg8[%swap3A_236], %swap3A_239 {strides = array<i32>} : memref<128xi32, #tpu.memory_space<vmem>>, vector<16xi32>,
        %dma_wait3A = arith.constant 0 : i32
        %dma_wait3A_240 = arith.constant 0 : i32
        %dma_wait3A_241 = tpu.memref_slice %arg2[%dma_wait3A, %dma_wait3A_240] : memref<10000x64xf32, #tpu.memory_space<hbm>> -> memref<10000x64xf32, #tpu.memory_space<hbm>>
        tpu.wait_indirect_dma semaphore(%arg16 : memref<!tpu.dma_semaphore, #tpu.memory_space<semaphore_mem>>) src(%dma_wait3A_241 : memref<10000x64xf32, #tpu.memory_space<hbm>>) dst(%arg11 : memref<128x64xf32, #tpu.memory_space<vmem>>)
        "tpu.region"() ({
          %run_scoped3A = tpu.sem_alloc : memref<!tpu.dma_semaphore, #tpu.memory_space<semaphore_mem>>
          %dma_start3A_318 = arith.constant 0 : i32
          %dma_start3A_319 = arith.constant 0 : i32
          %dma_start3A_320 = tpu.memref_slice %arg15[%dma_start3A_318, %dma_start3A_319] : memref<10240x64xf32, #tpu.memory_space<vmem_shared>> -> memref<10240x64xf32, #tpu.memory_space<vmem_shared>>
          tpu.enqueue_indirect_dma source(%arg11 : memref<128x64xf32, #tpu.memory_space<vmem>>) target(%dma_start3A_320 : memref<10240x64xf32, #tpu.memory_space<vmem_shared>>) offsets(%arg8 : memref<128xi32, #tpu.memory_space<vmem>>) semaphore(%run_scoped3A : memref<!tpu.dma_semaphore, #tpu.memory_space<semaphore_mem>>) {add = true}
          %dma_wait3A_321 = arith.constant 0 : i32
          %dma_wait3A_322 = arith.constant 0 : i32
          %dma_wait3A_323 = tpu.memref_slice %arg15[%dma_wait3A_321, %dma_wait3A_322] : memref<10240x64xf32, #tpu.memory_space<vmem_shared>> -> memref<10240x64xf32, #tpu.memory_space<vmem_shared>>
          tpu.wait_indirect_dma semaphore(%run_scoped3A : memref<!tpu.dma_semaphore, #tpu.memory_space<semaphore_mem>>) src(%arg11 : memref<128x64xf32, #tpu.memory_space<vmem>>) dst(%dma_wait3A_323 : memref<10240x64xf32, #tpu.memory_space<vmem_shared>>)
          tpu.yield
        }) : () -> ()
        %add3A_242 = arith.constant 2 : i32
        %add3A_243 = arith.addi %mul3A_106, %add3A_242 : i32
        %lt3A = arith.constant 160 : i32
        %lt3A_244 = arith.cmpi slt, %add3A_243, %lt3A : i32
        %convert_element_type3A_245 = arith.extui %lt3A_244 : i1 to i32
        %cond3A_246 = arith.constant 0 : i32
        %cond3A_247 = arith.cmpi ne, %convert_element_type3A_245, %cond3A_246 : i32
        scf.if %cond3A_247 {
          %add3A_318 = arith.constant 2 : i32
          %add3A_319 = arith.addi %mul3A_106, %add3A_318 : i32
          %get3A_320 = arith.index_cast %add3A_319 : i32 to index
          %get3A_321 = arith.constant 0 : index
          %get3A_322 = tpu.vector_load %arg13[%get3A_320, %get3A_321] {strides = array<i32>} : memref<160x128xi32, #tpu.memory_space<vmem>>, vector<1x16xi32>,
          %get3A_323 = vector.shape_cast %get3A_322 : vector<1x16xi32> to vector<16xi32>
          %swap3A_324 = arith.constant 0 : index
          %swap3A_325 = tpu.vector_load %arg7[%swap3A_324] {strides = array<i32>} : memref<128xi32, #tpu.memory_space<vmem>>, vector<16xi32>,
          %swap3A_326 = vector.shape_cast %swap3A_325 : vector<16xi32> to vector<16xi32>
          %swap3A_327 = vector.shape_cast %get3A_323 : vector<16xi32> to vector<16xi32>
          tpu.vector_store %arg7[%swap3A_324], %swap3A_327 {strides = array<i32>} : memref<128xi32, #tpu.memory_space<vmem>>, vector<16xi32>,
          %get3A_328 = arith.index_cast %add3A_319 : i32 to index
          %get3A_329 = arith.constant 16 : index
          %get3A_330 = tpu.vector_load %arg13[%get3A_328, %get3A_329] {strides = array<i32>} : memref<160x128xi32, #tpu.memory_space<vmem>>, vector<1x16xi32>,
          %get3A_331 = vector.shape_cast %get3A_330 : vector<1x16xi32> to vector<16xi32>
          %swap3A_332 = arith.constant 16 : index
          %swap3A_333 = tpu.vector_load %arg7[%swap3A_332] {strides = array<i32>} : memref<128xi32, #tpu.memory_space<vmem>>, vector<16xi32>,
          %swap3A_334 = vector.shape_cast %swap3A_333 : vector<16xi32> to vector<16xi32>
          %swap3A_335 = vector.shape_cast %get3A_331 : vector<16xi32> to vector<16xi32>
          tpu.vector_store %arg7[%swap3A_332], %swap3A_335 {strides = array<i32>} : memref<128xi32, #tpu.memory_space<vmem>>, vector<16xi32>,
          %get3A_336 = arith.index_cast %add3A_319 : i32 to index
          %get3A_337 = arith.constant 32 : index
          %get3A_338 = tpu.vector_load %arg13[%get3A_336, %get3A_337] {strides = array<i32>} : memref<160x128xi32, #tpu.memory_space<vmem>>, vector<1x16xi32>,
          %get3A_339 = vector.shape_cast %get3A_338 : vector<1x16xi32> to vector<16xi32>
          %swap3A_340 = arith.constant 32 : index
          %swap3A_341 = tpu.vector_load %arg7[%swap3A_340] {strides = array<i32>} : memref<128xi32, #tpu.memory_space<vmem>>, vector<16xi32>,
          %swap3A_342 = vector.shape_cast %swap3A_341 : vector<16xi32> to vector<16xi32>
          %swap3A_343 = vector.shape_cast %get3A_339 : vector<16xi32> to vector<16xi32>
          tpu.vector_store %arg7[%swap3A_340], %swap3A_343 {strides = array<i32>} : memref<128xi32, #tpu.memory_space<vmem>>, vector<16xi32>,
          %get3A_344 = arith.index_cast %add3A_319 : i32 to index
          %get3A_345 = arith.constant 48 : index
          %get3A_346 = tpu.vector_load %arg13[%get3A_344, %get3A_345] {strides = array<i32>} : memref<160x128xi32, #tpu.memory_space<vmem>>, vector<1x16xi32>,
          %get3A_347 = vector.shape_cast %get3A_346 : vector<1x16xi32> to vector<16xi32>
          %swap3A_348 = arith.constant 48 : index
          %swap3A_349 = tpu.vector_load %arg7[%swap3A_348] {strides = array<i32>} : memref<128xi32, #tpu.memory_space<vmem>>, vector<16xi32>,
          %swap3A_350 = vector.shape_cast %swap3A_349 : vector<16xi32> to vector<16xi32>
          %swap3A_351 = vector.shape_cast %get3A_347 : vector<16xi32> to vector<16xi32>
          tpu.vector_store %arg7[%swap3A_348], %swap3A_351 {strides = array<i32>} : memref<128xi32, #tpu.memory_space<vmem>>, vector<16xi32>,
          %get3A_352 = arith.index_cast %add3A_319 : i32 to index
          %get3A_353 = arith.constant 64 : index
          %get3A_354 = tpu.vector_load %arg13[%get3A_352, %get3A_353] {strides = array<i32>} : memref<160x128xi32, #tpu.memory_space<vmem>>, vector<1x16xi32>,
          %get3A_355 = vector.shape_cast %get3A_354 : vector<1x16xi32> to vector<16xi32>
          %swap3A_356 = arith.constant 64 : index
          %swap3A_357 = tpu.vector_load %arg7[%swap3A_356] {strides = array<i32>} : memref<128xi32, #tpu.memory_space<vmem>>, vector<16xi32>,
          %swap3A_358 = vector.shape_cast %swap3A_357 : vector<16xi32> to vector<16xi32>
          %swap3A_359 = vector.shape_cast %get3A_355 : vector<16xi32> to vector<16xi32>
          tpu.vector_store %arg7[%swap3A_356], %swap3A_359 {strides = array<i32>} : memref<128xi32, #tpu.memory_space<vmem>>, vector<16xi32>,
          %get3A_360 = arith.index_cast %add3A_319 : i32 to index
          %get3A_361 = arith.constant 80 : index
          %get3A_362 = tpu.vector_load %arg13[%get3A_360, %get3A_361] {strides = array<i32>} : memref<160x128xi32, #tpu.memory_space<vmem>>, vector<1x16xi32>,
          %get3A_363 = vector.shape_cast %get3A_362 : vector<1x16xi32> to vector<16xi32>
          %swap3A_364 = arith.constant 80 : index
          %swap3A_365 = tpu.vector_load %arg7[%swap3A_364] {strides = array<i32>} : memref<128xi32, #tpu.memory_space<vmem>>, vector<16xi32>,
          %swap3A_366 = vector.shape_cast %swap3A_365 : vector<16xi32> to vector<16xi32>
          %swap3A_367 = vector.shape_cast %get3A_363 : vector<16xi32> to vector<16xi32>
          tpu.vector_store %arg7[%swap3A_364], %swap3A_367 {strides = array<i32>} : memref<128xi32, #tpu.memory_space<vmem>>, vector<16xi32>,
          %get3A_368 = arith.index_cast %add3A_319 : i32 to index
          %get3A_369 = arith.constant 96 : index
          %get3A_370 = tpu.vector_load %arg13[%get3A_368, %get3A_369] {strides = array<i32>} : memref<160x128xi32, #tpu.memory_space<vmem>>, vector<1x16xi32>,
          %get3A_371 = vector.shape_cast %get3A_370 : vector<1x16xi32> to vector<16xi32>
          %swap3A_372 = arith.constant 96 : index
          %swap3A_373 = tpu.vector_load %arg7[%swap3A_372] {strides = array<i32>} : memref<128xi32, #tpu.memory_space<vmem>>, vector<16xi32>,
          %swap3A_374 = vector.shape_cast %swap3A_373 : vector<16xi32> to vector<16xi32>
          %swap3A_375 = vector.shape_cast %get3A_371 : vector<16xi32> to vector<16xi32>
          tpu.vector_store %arg7[%swap3A_372], %swap3A_375 {strides = array<i32>} : memref<128xi32, #tpu.memory_space<vmem>>, vector<16xi32>,
          %get3A_376 = arith.index_cast %add3A_319 : i32 to index
          %get3A_377 = arith.constant 112 : index
          %get3A_378 = tpu.vector_load %arg13[%get3A_376, %get3A_377] {strides = array<i32>} : memref<160x128xi32, #tpu.memory_space<vmem>>, vector<1x16xi32>,
          %get3A_379 = vector.shape_cast %get3A_378 : vector<1x16xi32> to vector<16xi32>
          %swap3A_380 = arith.constant 112 : index
          %swap3A_381 = tpu.vector_load %arg7[%swap3A_380] {strides = array<i32>} : memref<128xi32, #tpu.memory_space<vmem>>, vector<16xi32>,
          %swap3A_382 = vector.shape_cast %swap3A_381 : vector<16xi32> to vector<16xi32>
          %swap3A_383 = vector.shape_cast %get3A_379 : vector<16xi32> to vector<16xi32>
          tpu.vector_store %arg7[%swap3A_380], %swap3A_383 {strides = array<i32>} : memref<128xi32, #tpu.memory_space<vmem>>, vector<16xi32>,
          %dma_start3A_384 = arith.constant 0 : i32
          %dma_start3A_385 = arith.constant 0 : i32
          %dma_start3A_386 = tpu.memref_slice %arg2[%dma_start3A_384, %dma_start3A_385] : memref<10000x64xf32, #tpu.memory_space<hbm>> -> memref<10000x64xf32, #tpu.memory_space<hbm>>
          tpu.enqueue_indirect_dma source(%dma_start3A_386 : memref<10000x64xf32, #tpu.memory_space<hbm>>) target(%arg11 : memref<128x64xf32, #tpu.memory_space<vmem>>) offsets(%arg7 : memref<128xi32, #tpu.memory_space<vmem>>) semaphore(%arg16 : memref<!tpu.dma_semaphore, #tpu.memory_space<semaphore_mem>>)
        } else {
        }
        %add3A_248 = arith.constant 1 : i32
        %add3A_249 = arith.addi %mul3A_106, %add3A_248 : i32
        %get3A_250 = arith.index_cast %add3A_249 : i32 to index
        %get3A_251 = arith.constant 0 : index
        %get3A_252 = tpu.vector_load %arg14[%get3A_250, %get3A_251] {strides = array<i32>} : memref<160x128xi32, #tpu.memory_space<vmem>>, vector<1x16xi32>,
        %get3A_253 = vector.shape_cast %get3A_252 : vector<1x16xi32> to vector<16xi32>
        %swap3A_254 = arith.constant 0 : index
        %swap3A_255 = tpu.vector_load %arg10[%swap3A_254] {strides = array<i32>} : memref<128xi32, #tpu.memory_space<vmem>>, vector<16xi32>,
        %swap3A_256 = vector.shape_cast %swap3A_255 : vector<16xi32> to vector<16xi32>
        %swap3A_257 = vector.shape_cast %get3A_253 : vector<16xi32> to vector<16xi32>
        tpu.vector_store %arg10[%swap3A_254], %swap3A_257 {strides = array<i32>} : memref<128xi32, #tpu.memory_space<vmem>>, vector<16xi32>,
        %get3A_258 = arith.index_cast %add3A_249 : i32 to index
        %get3A_259 = arith.constant 16 : index
        %get3A_260 = tpu.vector_load %arg14[%get3A_258, %get3A_259] {strides = array<i32>} : memref<160x128xi32, #tpu.memory_space<vmem>>, vector<1x16xi32>,
        %get3A_261 = vector.shape_cast %get3A_260 : vector<1x16xi32> to vector<16xi32>
        %swap3A_262 = arith.constant 16 : index
        %swap3A_263 = tpu.vector_load %arg10[%swap3A_262] {strides = array<i32>} : memref<128xi32, #tpu.memory_space<vmem>>, vector<16xi32>,
        %swap3A_264 = vector.shape_cast %swap3A_263 : vector<16xi32> to vector<16xi32>
        %swap3A_265 = vector.shape_cast %get3A_261 : vector<16xi32> to vector<16xi32>
        tpu.vector_store %arg10[%swap3A_262], %swap3A_265 {strides = array<i32>} : memref<128xi32, #tpu.memory_space<vmem>>, vector<16xi32>,
        %get3A_266 = arith.index_cast %add3A_249 : i32 to index
        %get3A_267 = arith.constant 32 : index
        %get3A_268 = tpu.vector_load %arg14[%get3A_266, %get3A_267] {strides = array<i32>} : memref<160x128xi32, #tpu.memory_space<vmem>>, vector<1x16xi32>,
        %get3A_269 = vector.shape_cast %get3A_268 : vector<1x16xi32> to vector<16xi32>
        %swap3A_270 = arith.constant 32 : index
        %swap3A_271 = tpu.vector_load %arg10[%swap3A_270] {strides = array<i32>} : memref<128xi32, #tpu.memory_space<vmem>>, vector<16xi32>,
        %swap3A_272 = vector.shape_cast %swap3A_271 : vector<16xi32> to vector<16xi32>
        %swap3A_273 = vector.shape_cast %get3A_269 : vector<16xi32> to vector<16xi32>
        tpu.vector_store %arg10[%swap3A_270], %swap3A_273 {strides = array<i32>} : memref<128xi32, #tpu.memory_space<vmem>>, vector<16xi32>,
        %get3A_274 = arith.index_cast %add3A_249 : i32 to index
        %get3A_275 = arith.constant 48 : index
        %get3A_276 = tpu.vector_load %arg14[%get3A_274, %get3A_275] {strides = array<i32>} : memref<160x128xi32, #tpu.memory_space<vmem>>, vector<1x16xi32>,
        %get3A_277 = vector.shape_cast %get3A_276 : vector<1x16xi32> to vector<16xi32>
        %swap3A_278 = arith.constant 48 : index
        %swap3A_279 = tpu.vector_load %arg10[%swap3A_278] {strides = array<i32>} : memref<128xi32, #tpu.memory_space<vmem>>, vector<16xi32>,
        %swap3A_280 = vector.shape_cast %swap3A_279 : vector<16xi32> to vector<16xi32>
        %swap3A_281 = vector.shape_cast %get3A_277 : vector<16xi32> to vector<16xi32>
        tpu.vector_store %arg10[%swap3A_278], %swap3A_281 {strides = array<i32>} : memref<128xi32, #tpu.memory_space<vmem>>, vector<16xi32>,
        %get3A_282 = arith.index_cast %add3A_249 : i32 to index
        %get3A_283 = arith.constant 64 : index
        %get3A_284 = tpu.vector_load %arg14[%get3A_282, %get3A_283] {strides = array<i32>} : memref<160x128xi32, #tpu.memory_space<vmem>>, vector<1x16xi32>,
        %get3A_285 = vector.shape_cast %get3A_284 : vector<1x16xi32> to vector<16xi32>
        %swap3A_286 = arith.constant 64 : index
        %swap3A_287 = tpu.vector_load %arg10[%swap3A_286] {strides = array<i32>} : memref<128xi32, #tpu.memory_space<vmem>>, vector<16xi32>,
        %swap3A_288 = vector.shape_cast %swap3A_287 : vector<16xi32> to vector<16xi32>
        %swap3A_289 = vector.shape_cast %get3A_285 : vector<16xi32> to vector<16xi32>
        tpu.vector_store %arg10[%swap3A_286], %swap3A_289 {strides = array<i32>} : memref<128xi32, #tpu.memory_space<vmem>>, vector<16xi32>,
        %get3A_290 = arith.index_cast %add3A_249 : i32 to index
        %get3A_291 = arith.constant 80 : index
        %get3A_292 = tpu.vector_load %arg14[%get3A_290, %get3A_291] {strides = array<i32>} : memref<160x128xi32, #tpu.memory_space<vmem>>, vector<1x16xi32>,
        %get3A_293 = vector.shape_cast %get3A_292 : vector<1x16xi32> to vector<16xi32>
        %swap3A_294 = arith.constant 80 : index
        %swap3A_295 = tpu.vector_load %arg10[%swap3A_294] {strides = array<i32>} : memref<128xi32, #tpu.memory_space<vmem>>, vector<16xi32>,
        %swap3A_296 = vector.shape_cast %swap3A_295 : vector<16xi32> to vector<16xi32>
        %swap3A_297 = vector.shape_cast %get3A_293 : vector<16xi32> to vector<16xi32>
        tpu.vector_store %arg10[%swap3A_294], %swap3A_297 {strides = array<i32>} : memref<128xi32, #tpu.memory_space<vmem>>, vector<16xi32>,
        %get3A_298 = arith.index_cast %add3A_249 : i32 to index
        %get3A_299 = arith.constant 96 : index
        %get3A_300 = tpu.vector_load %arg14[%get3A_298, %get3A_299] {strides = array<i32>} : memref<160x128xi32, #tpu.memory_space<vmem>>, vector<1x16xi32>,
        %get3A_301 = vector.shape_cast %get3A_300 : vector<1x16xi32> to vector<16xi32>
        %swap3A_302 = arith.constant 96 : index
        %swap3A_303 = tpu.vector_load %arg10[%swap3A_302] {strides = array<i32>} : memref<128xi32, #tpu.memory_space<vmem>>, vector<16xi32>,
        %swap3A_304 = vector.shape_cast %swap3A_303 : vector<16xi32> to vector<16xi32>
        %swap3A_305 = vector.shape_cast %get3A_301 : vector<16xi32> to vector<16xi32>
        tpu.vector_store %arg10[%swap3A_302], %swap3A_305 {strides = array<i32>} : memref<128xi32, #tpu.memory_space<vmem>>, vector<16xi32>,
        %get3A_306 = arith.index_cast %add3A_249 : i32 to index
        %get3A_307 = arith.constant 112 : index
        %get3A_308 = tpu.vector_load %arg14[%get3A_306, %get3A_307] {strides = array<i32>} : memref<160x128xi32, #tpu.memory_space<vmem>>, vector<1x16xi32>,
        %get3A_309 = vector.shape_cast %get3A_308 : vector<1x16xi32> to vector<16xi32>
        %swap3A_310 = arith.constant 112 : index
        %swap3A_311 = tpu.vector_load %arg10[%swap3A_310] {strides = array<i32>} : memref<128xi32, #tpu.memory_space<vmem>>, vector<16xi32>,
        %swap3A_312 = vector.shape_cast %swap3A_311 : vector<16xi32> to vector<16xi32>
        %swap3A_313 = vector.shape_cast %get3A_309 : vector<16xi32> to vector<16xi32>
        tpu.vector_store %arg10[%swap3A_310], %swap3A_313 {strides = array<i32>} : memref<128xi32, #tpu.memory_space<vmem>>, vector<16xi32>,
        %dma_wait3A_314 = arith.constant 0 : i32
        %dma_wait3A_315 = arith.constant 0 : i32
        %dma_wait3A_316 = tpu.memref_slice %arg2[%dma_wait3A_314, %dma_wait3A_315] : memref<10000x64xf32, #tpu.memory_space<hbm>> -> memref<10000x64xf32, #tpu.memory_space<hbm>>
        tpu.wait_indirect_dma semaphore(%arg17 : memref<!tpu.dma_semaphore, #tpu.memory_space<semaphore_mem>>) src(%dma_wait3A_316 : memref<10000x64xf32, #tpu.memory_space<hbm>>) dst(%arg12 : memref<128x64xf32, #tpu.memory_space<vmem>>)
        "tpu.region"() ({
          %run_scoped3A = tpu.sem_alloc : memref<!tpu.dma_semaphore, #tpu.memory_space<semaphore_mem>>
          %dma_start3A_318 = arith.constant 0 : i32
          %dma_start3A_319 = arith.constant 0 : i32
          %dma_start3A_320 = tpu.memref_slice %arg15[%dma_start3A_318, %dma_start3A_319] : memref<10240x64xf32, #tpu.memory_space<vmem_shared>> -> memref<10240x64xf32, #tpu.memory_space<vmem_shared>>
          tpu.enqueue_indirect_dma source(%arg12 : memref<128x64xf32, #tpu.memory_space<vmem>>) target(%dma_start3A_320 : memref<10240x64xf32, #tpu.memory_space<vmem_shared>>) offsets(%arg10 : memref<128xi32, #tpu.memory_space<vmem>>) semaphore(%run_scoped3A : memref<!tpu.dma_semaphore, #tpu.memory_space<semaphore_mem>>) {add = true}
          %dma_wait3A_321 = arith.constant 0 : i32
          %dma_wait3A_322 = arith.constant 0 : i32
          %dma_wait3A_323 = tpu.memref_slice %arg15[%dma_wait3A_321, %dma_wait3A_322] : memref<10240x64xf32, #tpu.memory_space<vmem_shared>> -> memref<10240x64xf32, #tpu.memory_space<vmem_shared>>
          tpu.wait_indirect_dma semaphore(%run_scoped3A : memref<!tpu.dma_semaphore, #tpu.memory_space<semaphore_mem>>) src(%arg12 : memref<128x64xf32, #tpu.memory_space<vmem>>) dst(%dma_wait3A_323 : memref<10240x64xf32, #tpu.memory_space<vmem_shared>>)
          tpu.yield
        }) : () -> ()
        %scan3A_317 = arith.constant 0 : i32
        scf.yield %scan3A_317 : i32
      }
      %scan3A_102 = arith.constant 80 : i32
    } else {
    }
    %eq3A_18 = arith.constant 1 : i32
    %eq3A_19 = arith.cmpi eq, %arg0, %eq3A_18 : i32
    %convert_element_type3A_20 = arith.extui %eq3A_19 : i1 to i32
    %cond3A_21 = arith.constant 0 : i32
    %cond3A_22 = arith.cmpi ne, %convert_element_type3A_20, %cond3A_21 : i32
    scf.if %cond3A_22 {
      %get3A = arith.constant 0 : i32
      %get3A_24 = arith.index_cast %get3A : i32 to index
      %get3A_25 = arith.constant 0 : index
      %get3A_26 = tpu.vector_load %arg13[%get3A_24, %get3A_25] {strides = array<i32>} : memref<160x128xi32, #tpu.memory_space<vmem>>, vector<1x16xi32>,
      %get3A_27 = vector.shape_cast %get3A_26 : vector<1x16xi32> to vector<16xi32>
      %swap3A = arith.constant 0 : index
      %swap3A_28 = tpu.vector_load %arg7[%swap3A] {strides = array<i32>} : memref<128xi32, #tpu.memory_space<vmem>>, vector<16xi32>,
      %swap3A_29 = vector.shape_cast %swap3A_28 : vector<16xi32> to vector<16xi32>
      %swap3A_30 = vector.shape_cast %get3A_27 : vector<16xi32> to vector<16xi32>
      tpu.vector_store %arg7[%swap3A], %swap3A_30 {strides = array<i32>} : memref<128xi32, #tpu.memory_space<vmem>>, vector<16xi32>,
      %get3A_31 = arith.constant 0 : i32
      %get3A_32 = arith.index_cast %get3A_31 : i32 to index
      %get3A_33 = arith.constant 16 : index
      %get3A_34 = tpu.vector_load %arg13[%get3A_32, %get3A_33] {strides = array<i32>} : memref<160x128xi32, #tpu.memory_space<vmem>>, vector<1x16xi32>,
      %get3A_35 = vector.shape_cast %get3A_34 : vector<1x16xi32> to vector<16xi32>
      %swap3A_36 = arith.constant 16 : index
      %swap3A_37 = tpu.vector_load %arg7[%swap3A_36] {strides = array<i32>} : memref<128xi32, #tpu.memory_space<vmem>>, vector<16xi32>,
      %swap3A_38 = vector.shape_cast %swap3A_37 : vector<16xi32> to vector<16xi32>
      %swap3A_39 = vector.shape_cast %get3A_35 : vector<16xi32> to vector<16xi32>
      tpu.vector_store %arg7[%swap3A_36], %swap3A_39 {strides = array<i32>} : memref<128xi32, #tpu.memory_space<vmem>>, vector<16xi32>,
      %get3A_40 = arith.constant 0 : i32
      %get3A_41 = arith.index_cast %get3A_40 : i32 to index
      %get3A_42 = arith.constant 32 : index
      %get3A_43 = tpu.vector_load %arg13[%get3A_41, %get3A_42] {strides = array<i32>} : memref<160x128xi32, #tpu.memory_space<vmem>>, vector<1x16xi32>,
      %get3A_44 = vector.shape_cast %get3A_43 : vector<1x16xi32> to vector<16xi32>
      %swap3A_45 = arith.constant 32 : index
      %swap3A_46 = tpu.vector_load %arg7[%swap3A_45] {strides = array<i32>} : memref<128xi32, #tpu.memory_space<vmem>>, vector<16xi32>,
      %swap3A_47 = vector.shape_cast %swap3A_46 : vector<16xi32> to vector<16xi32>
      %swap3A_48 = vector.shape_cast %get3A_44 : vector<16xi32> to vector<16xi32>
      tpu.vector_store %arg7[%swap3A_45], %swap3A_48 {strides = array<i32>} : memref<128xi32, #tpu.memory_space<vmem>>, vector<16xi32>,
      %get3A_49 = arith.constant 0 : i32
      %get3A_50 = arith.index_cast %get3A_49 : i32 to index
      %get3A_51 = arith.constant 48 : index
      %get3A_52 = tpu.vector_load %arg13[%get3A_50, %get3A_51] {strides = array<i32>} : memref<160x128xi32, #tpu.memory_space<vmem>>, vector<1x16xi32>,
      %get3A_53 = vector.shape_cast %get3A_52 : vector<1x16xi32> to vector<16xi32>
      %swap3A_54 = arith.constant 48 : index
      %swap3A_55 = tpu.vector_load %arg7[%swap3A_54] {strides = array<i32>} : memref<128xi32, #tpu.memory_space<vmem>>, vector<16xi32>,
      %swap3A_56 = vector.shape_cast %swap3A_55 : vector<16xi32> to vector<16xi32>
      %swap3A_57 = vector.shape_cast %get3A_53 : vector<16xi32> to vector<16xi32>
      tpu.vector_store %arg7[%swap3A_54], %swap3A_57 {strides = array<i32>} : memref<128xi32, #tpu.memory_space<vmem>>, vector<16xi32>,
      %get3A_58 = arith.constant 0 : i32
      %get3A_59 = arith.index_cast %get3A_58 : i32 to index
      %get3A_60 = arith.constant 64 : index
      %get3A_61 = tpu.vector_load %arg13[%get3A_59, %get3A_60] {strides = array<i32>} : memref<160x128xi32, #tpu.memory_space<vmem>>, vector<1x16xi32>,
      %get3A_62 = vector.shape_cast %get3A_61 : vector<1x16xi32> to vector<16xi32>
      %swap3A_63 = arith.constant 64 : index
      %swap3A_64 = tpu.vector_load %arg7[%swap3A_63] {strides = array<i32>} : memref<128xi32, #tpu.memory_space<vmem>>, vector<16xi32>,
      %swap3A_65 = vector.shape_cast %swap3A_64 : vector<16xi32> to vector<16xi32>
      %swap3A_66 = vector.shape_cast %get3A_62 : vector<16xi32> to vector<16xi32>
      tpu.vector_store %arg7[%swap3A_63], %swap3A_66 {strides = array<i32>} : memref<128xi32, #tpu.memory_space<vmem>>, vector<16xi32>,
      %get3A_67 = arith.constant 0 : i32
      %get3A_68 = arith.index_cast %get3A_67 : i32 to index
      %get3A_69 = arith.constant 80 : index
      %get3A_70 = tpu.vector_load %arg13[%get3A_68, %get3A_69] {strides = array<i32>} : memref<160x128xi32, #tpu.memory_space<vmem>>, vector<1x16xi32>,
      %get3A_71 = vector.shape_cast %get3A_70 : vector<1x16xi32> to vector<16xi32>
      %swap3A_72 = arith.constant 80 : index
      %swap3A_73 = tpu.vector_load %arg7[%swap3A_72] {strides = array<i32>} : memref<128xi32, #tpu.memory_space<vmem>>, vector<16xi32>,
      %swap3A_74 = vector.shape_cast %swap3A_73 : vector<16xi32> to vector<16xi32>
      %swap3A_75 = vector.shape_cast %get3A_71 : vector<16xi32> to vector<16xi32>
      tpu.vector_store %arg7[%swap3A_72], %swap3A_75 {strides = array<i32>} : memref<128xi32, #tpu.memory_space<vmem>>, vector<16xi32>,
      %get3A_76 = arith.constant 0 : i32
      %get3A_77 = arith.index_cast %get3A_76 : i32 to index
      %get3A_78 = arith.constant 96 : index
      %get3A_79 = tpu.vector_load %arg13[%get3A_77, %get3A_78] {strides = array<i32>} : memref<160x128xi32, #tpu.memory_space<vmem>>, vector<1x16xi32>,
      %get3A_80 = vector.shape_cast %get3A_79 : vector<1x16xi32> to vector<16xi32>
      %swap3A_81 = arith.constant 96 : index
      %swap3A_82 = tpu.vector_load %arg7[%swap3A_81] {strides = array<i32>} : memref<128xi32, #tpu.memory_space<vmem>>, vector<16xi32>,
      %swap3A_83 = vector.shape_cast %swap3A_82 : vector<16xi32> to vector<16xi32>
      %swap3A_84 = vector.shape_cast %get3A_80 : vector<16xi32> to vector<16xi32>
      tpu.vector_store %arg7[%swap3A_81], %swap3A_84 {strides = array<i32>} : memref<128xi32, #tpu.memory_space<vmem>>, vector<16xi32>,
      %get3A_85 = arith.constant 0 : i32
      %get3A_86 = arith.index_cast %get3A_85 : i32 to index
      %get3A_87 = arith.constant 112 : index
      %get3A_88 = tpu.vector_load %arg13[%get3A_86, %get3A_87] {strides = array<i32>} : memref<160x128xi32, #tpu.memory_space<vmem>>, vector<1x16xi32>,
      %get3A_89 = vector.shape_cast %get3A_88 : vector<1x16xi32> to vector<16xi32>
      %swap3A_90 = arith.constant 112 : index
      %swap3A_91 = tpu.vector_load %arg7[%swap3A_90] {strides = array<i32>} : memref<128xi32, #tpu.memory_space<vmem>>, vector<16xi32>,
      %swap3A_92 = vector.shape_cast %swap3A_91 : vector<16xi32> to vector<16xi32>
      %swap3A_93 = vector.shape_cast %get3A_89 : vector<16xi32> to vector<16xi32>
      tpu.vector_store %arg7[%swap3A_90], %swap3A_93 {strides = array<i32>} : memref<128xi32, #tpu.memory_space<vmem>>, vector<16xi32>,
      %dma_start3A = arith.constant 0 : i32
      %dma_start3A_94 = arith.constant 0 : i32
      %dma_start3A_95 = tpu.memref_slice %arg3[%dma_start3A, %dma_start3A_94] : memref<10000x64xf32, #tpu.memory_space<hbm>> -> memref<10000x64xf32, #tpu.memory_space<hbm>>
      tpu.enqueue_indirect_dma source(%dma_start3A_95 : memref<10000x64xf32, #tpu.memory_space<hbm>>) target(%arg11 : memref<128x64xf32, #tpu.memory_space<vmem>>) offsets(%arg7 : memref<128xi32, #tpu.memory_space<vmem>>) semaphore(%arg16 : memref<!tpu.dma_semaphore, #tpu.memory_space<semaphore_mem>>)
      %scan3A_96 = arith.constant 0 : i32
      %scan3A_97 = arith.constant 0 : i32
      %scan3A_98 = arith.constant 80 : i32
      %scan3A_99 = arith.addi %scan3A_97, %scan3A_98 : i32
      %scan3A_100 = arith.constant 1 : i32
      %scan3A_101 = scf.for %scan3A_103 = %scan3A_97 to %scan3A_99 step %scan3A_100 iter_args(%scan3A_104 = %scan3A_96) -> (i32)  : i32 {
        %mul3A_105 = arith.constant 2 : i32
        %mul3A_106 = arith.muli %scan3A_103, %mul3A_105 : i32
        %add3A_107 = arith.constant 1 : i32
        %add3A_108 = arith.addi %mul3A_106, %add3A_107 : i32
        %get3A_109 = arith.index_cast %add3A_108 : i32 to index
        %get3A_110 = arith.constant 0 : index
        %get3A_111 = tpu.vector_load %arg13[%get3A_109, %get3A_110] {strides = array<i32>} : memref<160x128xi32, #tpu.memory_space<vmem>>, vector<1x16xi32>,
        %get3A_112 = vector.shape_cast %get3A_111 : vector<1x16xi32> to vector<16xi32>
        %swap3A_113 = arith.constant 0 : index
        %swap3A_114 = tpu.vector_load %arg9[%swap3A_113] {strides = array<i32>} : memref<128xi32, #tpu.memory_space<vmem>>, vector<16xi32>,
        %swap3A_115 = vector.shape_cast %swap3A_114 : vector<16xi32> to vector<16xi32>
        %swap3A_116 = vector.shape_cast %get3A_112 : vector<16xi32> to vector<16xi32>
        tpu.vector_store %arg9[%swap3A_113], %swap3A_116 {strides = array<i32>} : memref<128xi32, #tpu.memory_space<vmem>>, vector<16xi32>,
        %get3A_117 = arith.index_cast %add3A_108 : i32 to index
        %get3A_118 = arith.constant 16 : index
        %get3A_119 = tpu.vector_load %arg13[%get3A_117, %get3A_118] {strides = array<i32>} : memref<160x128xi32, #tpu.memory_space<vmem>>, vector<1x16xi32>,
        %get3A_120 = vector.shape_cast %get3A_119 : vector<1x16xi32> to vector<16xi32>
        %swap3A_121 = arith.constant 16 : index
        %swap3A_122 = tpu.vector_load %arg9[%swap3A_121] {strides = array<i32>} : memref<128xi32, #tpu.memory_space<vmem>>, vector<16xi32>,
        %swap3A_123 = vector.shape_cast %swap3A_122 : vector<16xi32> to vector<16xi32>
        %swap3A_124 = vector.shape_cast %get3A_120 : vector<16xi32> to vector<16xi32>
        tpu.vector_store %arg9[%swap3A_121], %swap3A_124 {strides = array<i32>} : memref<128xi32, #tpu.memory_space<vmem>>, vector<16xi32>,
        %get3A_125 = arith.index_cast %add3A_108 : i32 to index
        %get3A_126 = arith.constant 32 : index
        %get3A_127 = tpu.vector_load %arg13[%get3A_125, %get3A_126] {strides = array<i32>} : memref<160x128xi32, #tpu.memory_space<vmem>>, vector<1x16xi32>,
        %get3A_128 = vector.shape_cast %get3A_127 : vector<1x16xi32> to vector<16xi32>
        %swap3A_129 = arith.constant 32 : index
        %swap3A_130 = tpu.vector_load %arg9[%swap3A_129] {strides = array<i32>} : memref<128xi32, #tpu.memory_space<vmem>>, vector<16xi32>,
        %swap3A_131 = vector.shape_cast %swap3A_130 : vector<16xi32> to vector<16xi32>
        %swap3A_132 = vector.shape_cast %get3A_128 : vector<16xi32> to vector<16xi32>
        tpu.vector_store %arg9[%swap3A_129], %swap3A_132 {strides = array<i32>} : memref<128xi32, #tpu.memory_space<vmem>>, vector<16xi32>,
        %get3A_133 = arith.index_cast %add3A_108 : i32 to index
        %get3A_134 = arith.constant 48 : index
        %get3A_135 = tpu.vector_load %arg13[%get3A_133, %get3A_134] {strides = array<i32>} : memref<160x128xi32, #tpu.memory_space<vmem>>, vector<1x16xi32>,
        %get3A_136 = vector.shape_cast %get3A_135 : vector<1x16xi32> to vector<16xi32>
        %swap3A_137 = arith.constant 48 : index
        %swap3A_138 = tpu.vector_load %arg9[%swap3A_137] {strides = array<i32>} : memref<128xi32, #tpu.memory_space<vmem>>, vector<16xi32>,
        %swap3A_139 = vector.shape_cast %swap3A_138 : vector<16xi32> to vector<16xi32>
        %swap3A_140 = vector.shape_cast %get3A_136 : vector<16xi32> to vector<16xi32>
        tpu.vector_store %arg9[%swap3A_137], %swap3A_140 {strides = array<i32>} : memref<128xi32, #tpu.memory_space<vmem>>, vector<16xi32>,
        %get3A_141 = arith.index_cast %add3A_108 : i32 to index
        %get3A_142 = arith.constant 64 : index
        %get3A_143 = tpu.vector_load %arg13[%get3A_141, %get3A_142] {strides = array<i32>} : memref<160x128xi32, #tpu.memory_space<vmem>>, vector<1x16xi32>,
        %get3A_144 = vector.shape_cast %get3A_143 : vector<1x16xi32> to vector<16xi32>
        %swap3A_145 = arith.constant 64 : index
        %swap3A_146 = tpu.vector_load %arg9[%swap3A_145] {strides = array<i32>} : memref<128xi32, #tpu.memory_space<vmem>>, vector<16xi32>,
        %swap3A_147 = vector.shape_cast %swap3A_146 : vector<16xi32> to vector<16xi32>
        %swap3A_148 = vector.shape_cast %get3A_144 : vector<16xi32> to vector<16xi32>
        tpu.vector_store %arg9[%swap3A_145], %swap3A_148 {strides = array<i32>} : memref<128xi32, #tpu.memory_space<vmem>>, vector<16xi32>,
        %get3A_149 = arith.index_cast %add3A_108 : i32 to index
        %get3A_150 = arith.constant 80 : index
        %get3A_151 = tpu.vector_load %arg13[%get3A_149, %get3A_150] {strides = array<i32>} : memref<160x128xi32, #tpu.memory_space<vmem>>, vector<1x16xi32>,
        %get3A_152 = vector.shape_cast %get3A_151 : vector<1x16xi32> to vector<16xi32>
        %swap3A_153 = arith.constant 80 : index
        %swap3A_154 = tpu.vector_load %arg9[%swap3A_153] {strides = array<i32>} : memref<128xi32, #tpu.memory_space<vmem>>, vector<16xi32>,
        %swap3A_155 = vector.shape_cast %swap3A_154 : vector<16xi32> to vector<16xi32>
        %swap3A_156 = vector.shape_cast %get3A_152 : vector<16xi32> to vector<16xi32>
        tpu.vector_store %arg9[%swap3A_153], %swap3A_156 {strides = array<i32>} : memref<128xi32, #tpu.memory_space<vmem>>, vector<16xi32>,
        %get3A_157 = arith.index_cast %add3A_108 : i32 to index
        %get3A_158 = arith.constant 96 : index
        %get3A_159 = tpu.vector_load %arg13[%get3A_157, %get3A_158] {strides = array<i32>} : memref<160x128xi32, #tpu.memory_space<vmem>>, vector<1x16xi32>,
        %get3A_160 = vector.shape_cast %get3A_159 : vector<1x16xi32> to vector<16xi32>
        %swap3A_161 = arith.constant 96 : index
        %swap3A_162 = tpu.vector_load %arg9[%swap3A_161] {strides = array<i32>} : memref<128xi32, #tpu.memory_space<vmem>>, vector<16xi32>,
        %swap3A_163 = vector.shape_cast %swap3A_162 : vector<16xi32> to vector<16xi32>
        %swap3A_164 = vector.shape_cast %get3A_160 : vector<16xi32> to vector<16xi32>
        tpu.vector_store %arg9[%swap3A_161], %swap3A_164 {strides = array<i32>} : memref<128xi32, #tpu.memory_space<vmem>>, vector<16xi32>,
        %get3A_165 = arith.index_cast %add3A_108 : i32 to index
        %get3A_166 = arith.constant 112 : index
        %get3A_167 = tpu.vector_load %arg13[%get3A_165, %get3A_166] {strides = array<i32>} : memref<160x128xi32, #tpu.memory_space<vmem>>, vector<1x16xi32>,
        %get3A_168 = vector.shape_cast %get3A_167 : vector<1x16xi32> to vector<16xi32>
        %swap3A_169 = arith.constant 112 : index
        %swap3A_170 = tpu.vector_load %arg9[%swap3A_169] {strides = array<i32>} : memref<128xi32, #tpu.memory_space<vmem>>, vector<16xi32>,
        %swap3A_171 = vector.shape_cast %swap3A_170 : vector<16xi32> to vector<16xi32>
        %swap3A_172 = vector.shape_cast %get3A_168 : vector<16xi32> to vector<16xi32>
        tpu.vector_store %arg9[%swap3A_169], %swap3A_172 {strides = array<i32>} : memref<128xi32, #tpu.memory_space<vmem>>, vector<16xi32>,
        %dma_start3A_173 = arith.constant 0 : i32
        %dma_start3A_174 = arith.constant 0 : i32
        %dma_start3A_175 = tpu.memref_slice %arg3[%dma_start3A_173, %dma_start3A_174] : memref<10000x64xf32, #tpu.memory_space<hbm>> -> memref<10000x64xf32, #tpu.memory_space<hbm>>
        tpu.enqueue_indirect_dma source(%dma_start3A_175 : memref<10000x64xf32, #tpu.memory_space<hbm>>) target(%arg12 : memref<128x64xf32, #tpu.memory_space<vmem>>) offsets(%arg9 : memref<128xi32, #tpu.memory_space<vmem>>) semaphore(%arg17 : memref<!tpu.dma_semaphore, #tpu.memory_space<semaphore_mem>>)
        %get3A_176 = arith.index_cast %mul3A_106 : i32 to index
        %get3A_177 = arith.constant 0 : index
        %get3A_178 = tpu.vector_load %arg14[%get3A_176, %get3A_177] {strides = array<i32>} : memref<160x128xi32, #tpu.memory_space<vmem>>, vector<1x16xi32>,
        %get3A_179 = vector.shape_cast %get3A_178 : vector<1x16xi32> to vector<16xi32>
        %swap3A_180 = arith.constant 0 : index
        %swap3A_181 = tpu.vector_load %arg8[%swap3A_180] {strides = array<i32>} : memref<128xi32, #tpu.memory_space<vmem>>, vector<16xi32>,
        %swap3A_182 = vector.shape_cast %swap3A_181 : vector<16xi32> to vector<16xi32>
        %swap3A_183 = vector.shape_cast %get3A_179 : vector<16xi32> to vector<16xi32>
        tpu.vector_store %arg8[%swap3A_180], %swap3A_183 {strides = array<i32>} : memref<128xi32, #tpu.memory_space<vmem>>, vector<16xi32>,
        %get3A_184 = arith.index_cast %mul3A_106 : i32 to index
        %get3A_185 = arith.constant 16 : index
        %get3A_186 = tpu.vector_load %arg14[%get3A_184, %get3A_185] {strides = array<i32>} : memref<160x128xi32, #tpu.memory_space<vmem>>, vector<1x16xi32>,
        %get3A_187 = vector.shape_cast %get3A_186 : vector<1x16xi32> to vector<16xi32>
        %swap3A_188 = arith.constant 16 : index
        %swap3A_189 = tpu.vector_load %arg8[%swap3A_188] {strides = array<i32>} : memref<128xi32, #tpu.memory_space<vmem>>, vector<16xi32>,
        %swap3A_190 = vector.shape_cast %swap3A_189 : vector<16xi32> to vector<16xi32>
        %swap3A_191 = vector.shape_cast %get3A_187 : vector<16xi32> to vector<16xi32>
        tpu.vector_store %arg8[%swap3A_188], %swap3A_191 {strides = array<i32>} : memref<128xi32, #tpu.memory_space<vmem>>, vector<16xi32>,
        %get3A_192 = arith.index_cast %mul3A_106 : i32 to index
        %get3A_193 = arith.constant 32 : index
        %get3A_194 = tpu.vector_load %arg14[%get3A_192, %get3A_193] {strides = array<i32>} : memref<160x128xi32, #tpu.memory_space<vmem>>, vector<1x16xi32>,
        %get3A_195 = vector.shape_cast %get3A_194 : vector<1x16xi32> to vector<16xi32>
        %swap3A_196 = arith.constant 32 : index
        %swap3A_197 = tpu.vector_load %arg8[%swap3A_196] {strides = array<i32>} : memref<128xi32, #tpu.memory_space<vmem>>, vector<16xi32>,
        %swap3A_198 = vector.shape_cast %swap3A_197 : vector<16xi32> to vector<16xi32>
        %swap3A_199 = vector.shape_cast %get3A_195 : vector<16xi32> to vector<16xi32>
        tpu.vector_store %arg8[%swap3A_196], %swap3A_199 {strides = array<i32>} : memref<128xi32, #tpu.memory_space<vmem>>, vector<16xi32>,
        %get3A_200 = arith.index_cast %mul3A_106 : i32 to index
        %get3A_201 = arith.constant 48 : index
        %get3A_202 = tpu.vector_load %arg14[%get3A_200, %get3A_201] {strides = array<i32>} : memref<160x128xi32, #tpu.memory_space<vmem>>, vector<1x16xi32>,
        %get3A_203 = vector.shape_cast %get3A_202 : vector<1x16xi32> to vector<16xi32>
        %swap3A_204 = arith.constant 48 : index
        %swap3A_205 = tpu.vector_load %arg8[%swap3A_204] {strides = array<i32>} : memref<128xi32, #tpu.memory_space<vmem>>, vector<16xi32>,
        %swap3A_206 = vector.shape_cast %swap3A_205 : vector<16xi32> to vector<16xi32>
        %swap3A_207 = vector.shape_cast %get3A_203 : vector<16xi32> to vector<16xi32>
        tpu.vector_store %arg8[%swap3A_204], %swap3A_207 {strides = array<i32>} : memref<128xi32, #tpu.memory_space<vmem>>, vector<16xi32>,
        %get3A_208 = arith.index_cast %mul3A_106 : i32 to index
        %get3A_209 = arith.constant 64 : index
        %get3A_210 = tpu.vector_load %arg14[%get3A_208, %get3A_209] {strides = array<i32>} : memref<160x128xi32, #tpu.memory_space<vmem>>, vector<1x16xi32>,
        %get3A_211 = vector.shape_cast %get3A_210 : vector<1x16xi32> to vector<16xi32>
        %swap3A_212 = arith.constant 64 : index
        %swap3A_213 = tpu.vector_load %arg8[%swap3A_212] {strides = array<i32>} : memref<128xi32, #tpu.memory_space<vmem>>, vector<16xi32>,
        %swap3A_214 = vector.shape_cast %swap3A_213 : vector<16xi32> to vector<16xi32>
        %swap3A_215 = vector.shape_cast %get3A_211 : vector<16xi32> to vector<16xi32>
        tpu.vector_store %arg8[%swap3A_212], %swap3A_215 {strides = array<i32>} : memref<128xi32, #tpu.memory_space<vmem>>, vector<16xi32>,
        %get3A_216 = arith.index_cast %mul3A_106 : i32 to index
        %get3A_217 = arith.constant 80 : index
        %get3A_218 = tpu.vector_load %arg14[%get3A_216, %get3A_217] {strides = array<i32>} : memref<160x128xi32, #tpu.memory_space<vmem>>, vector<1x16xi32>,
        %get3A_219 = vector.shape_cast %get3A_218 : vector<1x16xi32> to vector<16xi32>
        %swap3A_220 = arith.constant 80 : index
        %swap3A_221 = tpu.vector_load %arg8[%swap3A_220] {strides = array<i32>} : memref<128xi32, #tpu.memory_space<vmem>>, vector<16xi32>,
        %swap3A_222 = vector.shape_cast %swap3A_221 : vector<16xi32> to vector<16xi32>
        %swap3A_223 = vector.shape_cast %get3A_219 : vector<16xi32> to vector<16xi32>
        tpu.vector_store %arg8[%swap3A_220], %swap3A_223 {strides = array<i32>} : memref<128xi32, #tpu.memory_space<vmem>>, vector<16xi32>,
        %get3A_224 = arith.index_cast %mul3A_106 : i32 to index
        %get3A_225 = arith.constant 96 : index
        %get3A_226 = tpu.vector_load %arg14[%get3A_224, %get3A_225] {strides = array<i32>} : memref<160x128xi32, #tpu.memory_space<vmem>>, vector<1x16xi32>,
        %get3A_227 = vector.shape_cast %get3A_226 : vector<1x16xi32> to vector<16xi32>
        %swap3A_228 = arith.constant 96 : index
        %swap3A_229 = tpu.vector_load %arg8[%swap3A_228] {strides = array<i32>} : memref<128xi32, #tpu.memory_space<vmem>>, vector<16xi32>,
        %swap3A_230 = vector.shape_cast %swap3A_229 : vector<16xi32> to vector<16xi32>
        %swap3A_231 = vector.shape_cast %get3A_227 : vector<16xi32> to vector<16xi32>
        tpu.vector_store %arg8[%swap3A_228], %swap3A_231 {strides = array<i32>} : memref<128xi32, #tpu.memory_space<vmem>>, vector<16xi32>,
        %get3A_232 = arith.index_cast %mul3A_106 : i32 to index
        %get3A_233 = arith.constant 112 : index
        %get3A_234 = tpu.vector_load %arg14[%get3A_232, %get3A_233] {strides = array<i32>} : memref<160x128xi32, #tpu.memory_space<vmem>>, vector<1x16xi32>,
        %get3A_235 = vector.shape_cast %get3A_234 : vector<1x16xi32> to vector<16xi32>
        %swap3A_236 = arith.constant 112 : index
        %swap3A_237 = tpu.vector_load %arg8[%swap3A_236] {strides = array<i32>} : memref<128xi32, #tpu.memory_space<vmem>>, vector<16xi32>,
        %swap3A_238 = vector.shape_cast %swap3A_237 : vector<16xi32> to vector<16xi32>
        %swap3A_239 = vector.shape_cast %get3A_235 : vector<16xi32> to vector<16xi32>
        tpu.vector_store %arg8[%swap3A_236], %swap3A_239 {strides = array<i32>} : memref<128xi32, #tpu.memory_space<vmem>>, vector<16xi32>,
        %dma_wait3A = arith.constant 0 : i32
        %dma_wait3A_240 = arith.constant 0 : i32
        %dma_wait3A_241 = tpu.memref_slice %arg3[%dma_wait3A, %dma_wait3A_240] : memref<10000x64xf32, #tpu.memory_space<hbm>> -> memref<10000x64xf32, #tpu.memory_space<hbm>>
        tpu.wait_indirect_dma semaphore(%arg16 : memref<!tpu.dma_semaphore, #tpu.memory_space<semaphore_mem>>) src(%dma_wait3A_241 : memref<10000x64xf32, #tpu.memory_space<hbm>>) dst(%arg11 : memref<128x64xf32, #tpu.memory_space<vmem>>)
        "tpu.region"() ({
          %run_scoped3A = tpu.sem_alloc : memref<!tpu.dma_semaphore, #tpu.memory_space<semaphore_mem>>
          %dma_start3A_318 = arith.constant 0 : i32
          %dma_start3A_319 = arith.constant 0 : i32
          %dma_start3A_320 = tpu.memref_slice %arg15[%dma_start3A_318, %dma_start3A_319] : memref<10240x64xf32, #tpu.memory_space<vmem_shared>> -> memref<10240x64xf32, #tpu.memory_space<vmem_shared>>
          tpu.enqueue_indirect_dma source(%arg11 : memref<128x64xf32, #tpu.memory_space<vmem>>) target(%dma_start3A_320 : memref<10240x64xf32, #tpu.memory_space<vmem_shared>>) offsets(%arg8 : memref<128xi32, #tpu.memory_space<vmem>>) semaphore(%run_scoped3A : memref<!tpu.dma_semaphore, #tpu.memory_space<semaphore_mem>>) {add = true}
          %dma_wait3A_321 = arith.constant 0 : i32
          %dma_wait3A_322 = arith.constant 0 : i32
          %dma_wait3A_323 = tpu.memref_slice %arg15[%dma_wait3A_321, %dma_wait3A_322] : memref<10240x64xf32, #tpu.memory_space<vmem_shared>> -> memref<10240x64xf32, #tpu.memory_space<vmem_shared>>
          tpu.wait_indirect_dma semaphore(%run_scoped3A : memref<!tpu.dma_semaphore, #tpu.memory_space<semaphore_mem>>) src(%arg11 : memref<128x64xf32, #tpu.memory_space<vmem>>) dst(%dma_wait3A_323 : memref<10240x64xf32, #tpu.memory_space<vmem_shared>>)
          tpu.yield
        }) : () -> ()
        %add3A_242 = arith.constant 2 : i32
        %add3A_243 = arith.addi %mul3A_106, %add3A_242 : i32
        %lt3A = arith.constant 160 : i32
        %lt3A_244 = arith.cmpi slt, %add3A_243, %lt3A : i32
        %convert_element_type3A_245 = arith.extui %lt3A_244 : i1 to i32
        %cond3A_246 = arith.constant 0 : i32
        %cond3A_247 = arith.cmpi ne, %convert_element_type3A_245, %cond3A_246 : i32
        scf.if %cond3A_247 {
          %add3A_318 = arith.constant 2 : i32
          %add3A_319 = arith.addi %mul3A_106, %add3A_318 : i32
          %get3A_320 = arith.index_cast %add3A_319 : i32 to index
          %get3A_321 = arith.constant 0 : index
          %get3A_322 = tpu.vector_load %arg13[%get3A_320, %get3A_321] {strides = array<i32>} : memref<160x128xi32, #tpu.memory_space<vmem>>, vector<1x16xi32>,
          %get3A_323 = vector.shape_cast %get3A_322 : vector<1x16xi32> to vector<16xi32>
          %swap3A_324 = arith.constant 0 : index
          %swap3A_325 = tpu.vector_load %arg7[%swap3A_324] {strides = array<i32>} : memref<128xi32, #tpu.memory_space<vmem>>, vector<16xi32>,
          %swap3A_326 = vector.shape_cast %swap3A_325 : vector<16xi32> to vector<16xi32>
          %swap3A_327 = vector.shape_cast %get3A_323 : vector<16xi32> to vector<16xi32>
          tpu.vector_store %arg7[%swap3A_324], %swap3A_327 {strides = array<i32>} : memref<128xi32, #tpu.memory_space<vmem>>, vector<16xi32>,
          %get3A_328 = arith.index_cast %add3A_319 : i32 to index
          %get3A_329 = arith.constant 16 : index
          %get3A_330 = tpu.vector_load %arg13[%get3A_328, %get3A_329] {strides = array<i32>} : memref<160x128xi32, #tpu.memory_space<vmem>>, vector<1x16xi32>,
          %get3A_331 = vector.shape_cast %get3A_330 : vector<1x16xi32> to vector<16xi32>
          %swap3A_332 = arith.constant 16 : index
          %swap3A_333 = tpu.vector_load %arg7[%swap3A_332] {strides = array<i32>} : memref<128xi32, #tpu.memory_space<vmem>>, vector<16xi32>,
          %swap3A_334 = vector.shape_cast %swap3A_333 : vector<16xi32> to vector<16xi32>
          %swap3A_335 = vector.shape_cast %get3A_331 : vector<16xi32> to vector<16xi32>
          tpu.vector_store %arg7[%swap3A_332], %swap3A_335 {strides = array<i32>} : memref<128xi32, #tpu.memory_space<vmem>>, vector<16xi32>,
          %get3A_336 = arith.index_cast %add3A_319 : i32 to index
          %get3A_337 = arith.constant 32 : index
          %get3A_338 = tpu.vector_load %arg13[%get3A_336, %get3A_337] {strides = array<i32>} : memref<160x128xi32, #tpu.memory_space<vmem>>, vector<1x16xi32>,
          %get3A_339 = vector.shape_cast %get3A_338 : vector<1x16xi32> to vector<16xi32>
          %swap3A_340 = arith.constant 32 : index
          %swap3A_341 = tpu.vector_load %arg7[%swap3A_340] {strides = array<i32>} : memref<128xi32, #tpu.memory_space<vmem>>, vector<16xi32>,
          %swap3A_342 = vector.shape_cast %swap3A_341 : vector<16xi32> to vector<16xi32>
          %swap3A_343 = vector.shape_cast %get3A_339 : vector<16xi32> to vector<16xi32>
          tpu.vector_store %arg7[%swap3A_340], %swap3A_343 {strides = array<i32>} : memref<128xi32, #tpu.memory_space<vmem>>, vector<16xi32>,
          %get3A_344 = arith.index_cast %add3A_319 : i32 to index
          %get3A_345 = arith.constant 48 : index
          %get3A_346 = tpu.vector_load %arg13[%get3A_344, %get3A_345] {strides = array<i32>} : memref<160x128xi32, #tpu.memory_space<vmem>>, vector<1x16xi32>,
          %get3A_347 = vector.shape_cast %get3A_346 : vector<1x16xi32> to vector<16xi32>
          %swap3A_348 = arith.constant 48 : index
          %swap3A_349 = tpu.vector_load %arg7[%swap3A_348] {strides = array<i32>} : memref<128xi32, #tpu.memory_space<vmem>>, vector<16xi32>,
          %swap3A_350 = vector.shape_cast %swap3A_349 : vector<16xi32> to vector<16xi32>
          %swap3A_351 = vector.shape_cast %get3A_347 : vector<16xi32> to vector<16xi32>
          tpu.vector_store %arg7[%swap3A_348], %swap3A_351 {strides = array<i32>} : memref<128xi32, #tpu.memory_space<vmem>>, vector<16xi32>,
          %get3A_352 = arith.index_cast %add3A_319 : i32 to index
          %get3A_353 = arith.constant 64 : index
          %get3A_354 = tpu.vector_load %arg13[%get3A_352, %get3A_353] {strides = array<i32>} : memref<160x128xi32, #tpu.memory_space<vmem>>, vector<1x16xi32>,
          %get3A_355 = vector.shape_cast %get3A_354 : vector<1x16xi32> to vector<16xi32>
          %swap3A_356 = arith.constant 64 : index
          %swap3A_357 = tpu.vector_load %arg7[%swap3A_356] {strides = array<i32>} : memref<128xi32, #tpu.memory_space<vmem>>, vector<16xi32>,
          %swap3A_358 = vector.shape_cast %swap3A_357 : vector<16xi32> to vector<16xi32>
          %swap3A_359 = vector.shape_cast %get3A_355 : vector<16xi32> to vector<16xi32>
          tpu.vector_store %arg7[%swap3A_356], %swap3A_359 {strides = array<i32>} : memref<128xi32, #tpu.memory_space<vmem>>, vector<16xi32>,
          %get3A_360 = arith.index_cast %add3A_319 : i32 to index
          %get3A_361 = arith.constant 80 : index
          %get3A_362 = tpu.vector_load %arg13[%get3A_360, %get3A_361] {strides = array<i32>} : memref<160x128xi32, #tpu.memory_space<vmem>>, vector<1x16xi32>,
          %get3A_363 = vector.shape_cast %get3A_362 : vector<1x16xi32> to vector<16xi32>
          %swap3A_364 = arith.constant 80 : index
          %swap3A_365 = tpu.vector_load %arg7[%swap3A_364] {strides = array<i32>} : memref<128xi32, #tpu.memory_space<vmem>>, vector<16xi32>,
          %swap3A_366 = vector.shape_cast %swap3A_365 : vector<16xi32> to vector<16xi32>
          %swap3A_367 = vector.shape_cast %get3A_363 : vector<16xi32> to vector<16xi32>
          tpu.vector_store %arg7[%swap3A_364], %swap3A_367 {strides = array<i32>} : memref<128xi32, #tpu.memory_space<vmem>>, vector<16xi32>,
          %get3A_368 = arith.index_cast %add3A_319 : i32 to index
          %get3A_369 = arith.constant 96 : index
          %get3A_370 = tpu.vector_load %arg13[%get3A_368, %get3A_369] {strides = array<i32>} : memref<160x128xi32, #tpu.memory_space<vmem>>, vector<1x16xi32>,
          %get3A_371 = vector.shape_cast %get3A_370 : vector<1x16xi32> to vector<16xi32>
          %swap3A_372 = arith.constant 96 : index
          %swap3A_373 = tpu.vector_load %arg7[%swap3A_372] {strides = array<i32>} : memref<128xi32, #tpu.memory_space<vmem>>, vector<16xi32>,
          %swap3A_374 = vector.shape_cast %swap3A_373 : vector<16xi32> to vector<16xi32>
          %swap3A_375 = vector.shape_cast %get3A_371 : vector<16xi32> to vector<16xi32>
          tpu.vector_store %arg7[%swap3A_372], %swap3A_375 {strides = array<i32>} : memref<128xi32, #tpu.memory_space<vmem>>, vector<16xi32>,
          %get3A_376 = arith.index_cast %add3A_319 : i32 to index
          %get3A_377 = arith.constant 112 : index
          %get3A_378 = tpu.vector_load %arg13[%get3A_376, %get3A_377] {strides = array<i32>} : memref<160x128xi32, #tpu.memory_space<vmem>>, vector<1x16xi32>,
          %get3A_379 = vector.shape_cast %get3A_378 : vector<1x16xi32> to vector<16xi32>
          %swap3A_380 = arith.constant 112 : index
          %swap3A_381 = tpu.vector_load %arg7[%swap3A_380] {strides = array<i32>} : memref<128xi32, #tpu.memory_space<vmem>>, vector<16xi32>,
          %swap3A_382 = vector.shape_cast %swap3A_381 : vector<16xi32> to vector<16xi32>
          %swap3A_383 = vector.shape_cast %get3A_379 : vector<16xi32> to vector<16xi32>
          tpu.vector_store %arg7[%swap3A_380], %swap3A_383 {strides = array<i32>} : memref<128xi32, #tpu.memory_space<vmem>>, vector<16xi32>,
          %dma_start3A_384 = arith.constant 0 : i32
          %dma_start3A_385 = arith.constant 0 : i32
          %dma_start3A_386 = tpu.memref_slice %arg3[%dma_start3A_384, %dma_start3A_385] : memref<10000x64xf32, #tpu.memory_space<hbm>> -> memref<10000x64xf32, #tpu.memory_space<hbm>>
          tpu.enqueue_indirect_dma source(%dma_start3A_386 : memref<10000x64xf32, #tpu.memory_space<hbm>>) target(%arg11 : memref<128x64xf32, #tpu.memory_space<vmem>>) offsets(%arg7 : memref<128xi32, #tpu.memory_space<vmem>>) semaphore(%arg16 : memref<!tpu.dma_semaphore, #tpu.memory_space<semaphore_mem>>)
        } else {
        }
        %add3A_248 = arith.constant 1 : i32
        %add3A_249 = arith.addi %mul3A_106, %add3A_248 : i32
        %get3A_250 = arith.index_cast %add3A_249 : i32 to index
        %get3A_251 = arith.constant 0 : index
        %get3A_252 = tpu.vector_load %arg14[%get3A_250, %get3A_251] {strides = array<i32>} : memref<160x128xi32, #tpu.memory_space<vmem>>, vector<1x16xi32>,
        %get3A_253 = vector.shape_cast %get3A_252 : vector<1x16xi32> to vector<16xi32>
        %swap3A_254 = arith.constant 0 : index
        %swap3A_255 = tpu.vector_load %arg10[%swap3A_254] {strides = array<i32>} : memref<128xi32, #tpu.memory_space<vmem>>, vector<16xi32>,
        %swap3A_256 = vector.shape_cast %swap3A_255 : vector<16xi32> to vector<16xi32>
        %swap3A_257 = vector.shape_cast %get3A_253 : vector<16xi32> to vector<16xi32>
        tpu.vector_store %arg10[%swap3A_254], %swap3A_257 {strides = array<i32>} : memref<128xi32, #tpu.memory_space<vmem>>, vector<16xi32>,
        %get3A_258 = arith.index_cast %add3A_249 : i32 to index
        %get3A_259 = arith.constant 16 : index
        %get3A_260 = tpu.vector_load %arg14[%get3A_258, %get3A_259] {strides = array<i32>} : memref<160x128xi32, #tpu.memory_space<vmem>>, vector<1x16xi32>,
        %get3A_261 = vector.shape_cast %get3A_260 : vector<1x16xi32> to vector<16xi32>
        %swap3A_262 = arith.constant 16 : index
        %swap3A_263 = tpu.vector_load %arg10[%swap3A_262] {strides = array<i32>} : memref<128xi32, #tpu.memory_space<vmem>>, vector<16xi32>,
        %swap3A_264 = vector.shape_cast %swap3A_263 : vector<16xi32> to vector<16xi32>
        %swap3A_265 = vector.shape_cast %get3A_261 : vector<16xi32> to vector<16xi32>
        tpu.vector_store %arg10[%swap3A_262], %swap3A_265 {strides = array<i32>} : memref<128xi32, #tpu.memory_space<vmem>>, vector<16xi32>,
        %get3A_266 = arith.index_cast %add3A_249 : i32 to index
        %get3A_267 = arith.constant 32 : index
        %get3A_268 = tpu.vector_load %arg14[%get3A_266, %get3A_267] {strides = array<i32>} : memref<160x128xi32, #tpu.memory_space<vmem>>, vector<1x16xi32>,
        %get3A_269 = vector.shape_cast %get3A_268 : vector<1x16xi32> to vector<16xi32>
        %swap3A_270 = arith.constant 32 : index
        %swap3A_271 = tpu.vector_load %arg10[%swap3A_270] {strides = array<i32>} : memref<128xi32, #tpu.memory_space<vmem>>, vector<16xi32>,
        %swap3A_272 = vector.shape_cast %swap3A_271 : vector<16xi32> to vector<16xi32>
        %swap3A_273 = vector.shape_cast %get3A_269 : vector<16xi32> to vector<16xi32>
        tpu.vector_store %arg10[%swap3A_270], %swap3A_273 {strides = array<i32>} : memref<128xi32, #tpu.memory_space<vmem>>, vector<16xi32>,
        %get3A_274 = arith.index_cast %add3A_249 : i32 to index
        %get3A_275 = arith.constant 48 : index
        %get3A_276 = tpu.vector_load %arg14[%get3A_274, %get3A_275] {strides = array<i32>} : memref<160x128xi32, #tpu.memory_space<vmem>>, vector<1x16xi32>,
        %get3A_277 = vector.shape_cast %get3A_276 : vector<1x16xi32> to vector<16xi32>
        %swap3A_278 = arith.constant 48 : index
        %swap3A_279 = tpu.vector_load %arg10[%swap3A_278] {strides = array<i32>} : memref<128xi32, #tpu.memory_space<vmem>>, vector<16xi32>,
        %swap3A_280 = vector.shape_cast %swap3A_279 : vector<16xi32> to vector<16xi32>
        %swap3A_281 = vector.shape_cast %get3A_277 : vector<16xi32> to vector<16xi32>
        tpu.vector_store %arg10[%swap3A_278], %swap3A_281 {strides = array<i32>} : memref<128xi32, #tpu.memory_space<vmem>>, vector<16xi32>,
        %get3A_282 = arith.index_cast %add3A_249 : i32 to index
        %get3A_283 = arith.constant 64 : index
        %get3A_284 = tpu.vector_load %arg14[%get3A_282, %get3A_283] {strides = array<i32>} : memref<160x128xi32, #tpu.memory_space<vmem>>, vector<1x16xi32>,
        %get3A_285 = vector.shape_cast %get3A_284 : vector<1x16xi32> to vector<16xi32>
        %swap3A_286 = arith.constant 64 : index
        %swap3A_287 = tpu.vector_load %arg10[%swap3A_286] {strides = array<i32>} : memref<128xi32, #tpu.memory_space<vmem>>, vector<16xi32>,
        %swap3A_288 = vector.shape_cast %swap3A_287 : vector<16xi32> to vector<16xi32>
        %swap3A_289 = vector.shape_cast %get3A_285 : vector<16xi32> to vector<16xi32>
        tpu.vector_store %arg10[%swap3A_286], %swap3A_289 {strides = array<i32>} : memref<128xi32, #tpu.memory_space<vmem>>, vector<16xi32>,
        %get3A_290 = arith.index_cast %add3A_249 : i32 to index
        %get3A_291 = arith.constant 80 : index
        %get3A_292 = tpu.vector_load %arg14[%get3A_290, %get3A_291] {strides = array<i32>} : memref<160x128xi32, #tpu.memory_space<vmem>>, vector<1x16xi32>,
        %get3A_293 = vector.shape_cast %get3A_292 : vector<1x16xi32> to vector<16xi32>
        %swap3A_294 = arith.constant 80 : index
        %swap3A_295 = tpu.vector_load %arg10[%swap3A_294] {strides = array<i32>} : memref<128xi32, #tpu.memory_space<vmem>>, vector<16xi32>,
        %swap3A_296 = vector.shape_cast %swap3A_295 : vector<16xi32> to vector<16xi32>
        %swap3A_297 = vector.shape_cast %get3A_293 : vector<16xi32> to vector<16xi32>
        tpu.vector_store %arg10[%swap3A_294], %swap3A_297 {strides = array<i32>} : memref<128xi32, #tpu.memory_space<vmem>>, vector<16xi32>,
        %get3A_298 = arith.index_cast %add3A_249 : i32 to index
        %get3A_299 = arith.constant 96 : index
        %get3A_300 = tpu.vector_load %arg14[%get3A_298, %get3A_299] {strides = array<i32>} : memref<160x128xi32, #tpu.memory_space<vmem>>, vector<1x16xi32>,
        %get3A_301 = vector.shape_cast %get3A_300 : vector<1x16xi32> to vector<16xi32>
        %swap3A_302 = arith.constant 96 : index
        %swap3A_303 = tpu.vector_load %arg10[%swap3A_302] {strides = array<i32>} : memref<128xi32, #tpu.memory_space<vmem>>, vector<16xi32>,
        %swap3A_304 = vector.shape_cast %swap3A_303 : vector<16xi32> to vector<16xi32>
        %swap3A_305 = vector.shape_cast %get3A_301 : vector<16xi32> to vector<16xi32>
        tpu.vector_store %arg10[%swap3A_302], %swap3A_305 {strides = array<i32>} : memref<128xi32, #tpu.memory_space<vmem>>, vector<16xi32>,
        %get3A_306 = arith.index_cast %add3A_249 : i32 to index
        %get3A_307 = arith.constant 112 : index
        %get3A_308 = tpu.vector_load %arg14[%get3A_306, %get3A_307] {strides = array<i32>} : memref<160x128xi32, #tpu.memory_space<vmem>>, vector<1x16xi32>,
        %get3A_309 = vector.shape_cast %get3A_308 : vector<1x16xi32> to vector<16xi32>
        %swap3A_310 = arith.constant 112 : index
        %swap3A_311 = tpu.vector_load %arg10[%swap3A_310] {strides = array<i32>} : memref<128xi32, #tpu.memory_space<vmem>>, vector<16xi32>,
        %swap3A_312 = vector.shape_cast %swap3A_311 : vector<16xi32> to vector<16xi32>
        %swap3A_313 = vector.shape_cast %get3A_309 : vector<16xi32> to vector<16xi32>
        tpu.vector_store %arg10[%swap3A_310], %swap3A_313 {strides = array<i32>} : memref<128xi32, #tpu.memory_space<vmem>>, vector<16xi32>,
        %dma_wait3A_314 = arith.constant 0 : i32
        %dma_wait3A_315 = arith.constant 0 : i32
        %dma_wait3A_316 = tpu.memref_slice %arg3[%dma_wait3A_314, %dma_wait3A_315] : memref<10000x64xf32, #tpu.memory_space<hbm>> -> memref<10000x64xf32, #tpu.memory_space<hbm>>
        tpu.wait_indirect_dma semaphore(%arg17 : memref<!tpu.dma_semaphore, #tpu.memory_space<semaphore_mem>>) src(%dma_wait3A_316 : memref<10000x64xf32, #tpu.memory_space<hbm>>) dst(%arg12 : memref<128x64xf32, #tpu.memory_space<vmem>>)
        "tpu.region"() ({
          %run_scoped3A = tpu.sem_alloc : memref<!tpu.dma_semaphore, #tpu.memory_space<semaphore_mem>>
          %dma_start3A_318 = arith.constant 0 : i32
          %dma_start3A_319 = arith.constant 0 : i32
          %dma_start3A_320 = tpu.memref_slice %arg15[%dma_start3A_318, %dma_start3A_319] : memref<10240x64xf32, #tpu.memory_space<vmem_shared>> -> memref<10240x64xf32, #tpu.memory_space<vmem_shared>>
          tpu.enqueue_indirect_dma source(%arg12 : memref<128x64xf32, #tpu.memory_space<vmem>>) target(%dma_start3A_320 : memref<10240x64xf32, #tpu.memory_space<vmem_shared>>) offsets(%arg10 : memref<128xi32, #tpu.memory_space<vmem>>) semaphore(%run_scoped3A : memref<!tpu.dma_semaphore, #tpu.memory_space<semaphore_mem>>) {add = true}
          %dma_wait3A_321 = arith.constant 0 : i32
          %dma_wait3A_322 = arith.constant 0 : i32
          %dma_wait3A_323 = tpu.memref_slice %arg15[%dma_wait3A_321, %dma_wait3A_322] : memref<10240x64xf32, #tpu.memory_space<vmem_shared>> -> memref<10240x64xf32, #tpu.memory_space<vmem_shared>>
          tpu.wait_indirect_dma semaphore(%run_scoped3A : memref<!tpu.dma_semaphore, #tpu.memory_space<semaphore_mem>>) src(%arg12 : memref<128x64xf32, #tpu.memory_space<vmem>>) dst(%dma_wait3A_323 : memref<10240x64xf32, #tpu.memory_space<vmem_shared>>)
          tpu.yield
        }) : () -> ()
        %scan3A_317 = arith.constant 0 : i32
        scf.yield %scan3A_317 : i32
      }
      %scan3A_102 = arith.constant 80 : i32
    } else {
    }
    %barrier3A_23 = arith.constant 0 : index
    tpu.barrier barrier_id(%barrier3A_23)
    "tpu.region"() ({
      %run_scoped3A = tpu.sem_alloc : memref<!tpu.dma_semaphore, #tpu.memory_space<semaphore_mem>>
      %dma_start3A = arith.constant 0 : i32
      %dma_start3A_24 = tpu.memref_slice %arg6[%arg0, %mul3A_0, %dma_start3A] : memref<2x10240x64xf32, #tpu.memory_space<hbm>> -> memref<1x640x64xf32, #tpu.memory_space<hbm>>
      %dma_start3A_25 = tpu.memref_squeeze %dma_start3A_24 : memref<1x640x64xf32, #tpu.memory_space<hbm>> -> memref<640x64xf32, #tpu.memory_space<hbm>>
      %dma_start3A_26 = arith.constant 0 : i32
      %dma_start3A_27 = tpu.memref_slice %arg15[%mul3A_0, %dma_start3A_26] : memref<10240x64xf32, #tpu.memory_space<vmem_shared>> -> memref<640x64xf32, #tpu.memory_space<vmem_shared>>
      tpu.enqueue_dma source(%dma_start3A_27 : memref<640x64xf32, #tpu.memory_space<vmem_shared>>) target(%dma_start3A_25 : memref<640x64xf32, #tpu.memory_space<hbm>>) target_semaphore(%run_scoped3A : memref<!tpu.dma_semaphore, #tpu.memory_space<semaphore_mem>>)
      %dma_wait3A = arith.constant 0 : i32
      %dma_wait3A_28 = tpu.memref_slice %arg6[%arg0, %mul3A_0, %dma_wait3A] : memref<2x10240x64xf32, #tpu.memory_space<hbm>> -> memref<1x640x64xf32, #tpu.memory_space<hbm>>
      %dma_wait3A_29 = tpu.memref_squeeze %dma_wait3A_28 : memref<1x640x64xf32, #tpu.memory_space<hbm>> -> memref<640x64xf32, #tpu.memory_space<hbm>>
      %dma_wait3A_30 = arith.constant 0 : i32
      %dma_wait3A_31 = tpu.memref_slice %arg15[%mul3A_0, %dma_wait3A_30] : memref<10240x64xf32, #tpu.memory_space<vmem_shared>> -> memref<640x64xf32, #tpu.memory_space<vmem_shared>>
      tpu.wait_dma2 semaphore(%run_scoped3A : memref<!tpu.dma_semaphore, #tpu.memory_space<semaphore_mem>>) src(%dma_wait3A_31 : memref<640x64xf32, #tpu.memory_space<vmem_shared>>) dst(%dma_wait3A_29 : memref<640x64xf32, #tpu.memory_space<hbm>>)
      tpu.yield
    }) : () -> ()
    return
  }
}

#map = affine_map<(d0, d1) -> (0, 0, 0)>
#map1 = affine_map<(d0, d1) -> (0, 0)>
module attributes {stable_mosaic.version = 14 : i64} {
  func.func @_agge_body(%arg0: i32, %arg1: i32, %arg2: memref<16x160x128xi32, #tpu.memory_space<hbm>>, %arg3: memref<32x40960xf32, #tpu.memory_space<hbm>>, %arg4: memref<2x10240x16xf32, #tpu.memory_space<hbm>>, %arg5: memref<128xi32, #tpu.memory_space<vmem>>, %arg6: memref<128x16xf32, #tpu.memory_space<vmem>>, %arg7: memref<40960xf32, #tpu.memory_space<vmem>>, %arg8: memref<80x128xi32, #tpu.memory_space<vmem>>, %arg9: memref<10240x16xf32, #tpu.memory_space<vmem_shared>>, %arg10: memref<!tpu.dma_semaphore, #tpu.memory_space<semaphore_mem>>) attributes {dimension_semantics = [#tpu.dimension_semantics<core_parallel>, #tpu.dimension_semantics<subcore_parallel>], iteration_bounds = array<i64: 2, 16>, scalar_prefetch = 0 : i64, scratch_operands = 6 : i64, tpu.core_type = #tpu.core_type<sc_vector_subcore>, window_params = [{transform_indices = #map}, {transform_indices = #map1}, {transform_indices = #map}]} {
    %mul3A = arith.constant 2 : i32
    %mul3A_0 = arith.muli %arg1, %mul3A : i32
    %add3A = arith.addi %mul3A_0, %arg0 : i32
    %mul3A_1 = arith.constant 640 : i32
    %mul3A_2 = arith.muli %arg1, %mul3A_1 : i32
    %scan3A = arith.constant 0 : i32
    %scan3A_3 = arith.constant 0 : i32
    %scan3A_4 = arith.constant 128 : i32
    %scan3A_5 = arith.addi %scan3A_3, %scan3A_4 : i32
    %scan3A_6 = arith.constant 1 : i32
    %scan3A_7 = scf.for %scan3A_29 = %scan3A_3 to %scan3A_5 step %scan3A_6 iter_args(%scan3A_30 = %scan3A) -> (i32)  : i32 {
      %broadcast_in_dim3A = arith.constant 0.000000e+00 : f32
      %broadcast_in_dim3A_31 = vector.broadcast %broadcast_in_dim3A : f32 to vector<16xf32>
      %swap3A = arith.index_cast %scan3A_29 : i32 to index
      %swap3A_32 = arith.constant 0 : index
      %swap3A_33 = tpu.vector_load %arg6[%swap3A, %swap3A_32] {strides = array<i32>} : memref<128x16xf32, #tpu.memory_space<vmem>>, vector<16xf32>,
      tpu.vector_store %arg6[%swap3A, %swap3A_32], %broadcast_in_dim3A_31 {strides = array<i32>} : memref<128x16xf32, #tpu.memory_space<vmem>>, vector<16xf32>,
      %scan3A_34 = arith.constant 0 : i32
      scf.yield %scan3A_34 : i32
    }
    %scan3A_8 = arith.constant 128 : i32
    %add3A_9 = arith.constant 0 : i32
    %add3A_10 = arith.addi %mul3A_2, %add3A_9 : i32
    "tpu.region"() ({
      %run_scoped3A = tpu.sem_alloc : memref<!tpu.dma_semaphore, #tpu.memory_space<semaphore_mem>>
      %dma_start3A = arith.constant 0 : i32
      %dma_start3A_29 = tpu.memref_slice %arg9[%add3A_10, %dma_start3A] : memref<10240x16xf32, #tpu.memory_space<vmem_shared>> -> memref<128x16xf32, #tpu.memory_space<vmem_shared>>
      %dma_start3A_30 = arith.constant 0 : i32
      %dma_start3A_31 = tpu.memref_slice %arg9[%add3A_10, %dma_start3A_30] : memref<10240x16xf32, #tpu.memory_space<vmem_shared>> -> memref<128x16xf32, #tpu.memory_space<vmem_shared>>
      tpu.enqueue_dma source(%arg6 : memref<128x16xf32, #tpu.memory_space<vmem>>) target(%dma_start3A_31 : memref<128x16xf32, #tpu.memory_space<vmem_shared>>) target_semaphore(%run_scoped3A : memref<!tpu.dma_semaphore, #tpu.memory_space<semaphore_mem>>)
      %dma_wait3A = arith.constant 0 : i32
      %dma_wait3A_32 = tpu.memref_slice %arg9[%add3A_10, %dma_wait3A] : memref<10240x16xf32, #tpu.memory_space<vmem_shared>> -> memref<128x16xf32, #tpu.memory_space<vmem_shared>>
      %dma_wait3A_33 = arith.constant 0 : i32
      %dma_wait3A_34 = tpu.memref_slice %arg9[%add3A_10, %dma_wait3A_33] : memref<10240x16xf32, #tpu.memory_space<vmem_shared>> -> memref<128x16xf32, #tpu.memory_space<vmem_shared>>
      tpu.wait_dma2 semaphore(%run_scoped3A : memref<!tpu.dma_semaphore, #tpu.memory_space<semaphore_mem>>) src(%arg6 : memref<128x16xf32, #tpu.memory_space<vmem>>) dst(%dma_wait3A_34 : memref<128x16xf32, #tpu.memory_space<vmem_shared>>)
      tpu.yield
    }) : () -> ()
    %add3A_11 = arith.constant 128 : i32
    %add3A_12 = arith.addi %mul3A_2, %add3A_11 : i32
    "tpu.region"() ({
      %run_scoped3A = tpu.sem_alloc : memref<!tpu.dma_semaphore, #tpu.memory_space<semaphore_mem>>
      %dma_start3A = arith.constant 0 : i32
      %dma_start3A_29 = tpu.memref_slice %arg9[%add3A_12, %dma_start3A] : memref<10240x16xf32, #tpu.memory_space<vmem_shared>> -> memref<128x16xf32, #tpu.memory_space<vmem_shared>>
      %dma_start3A_30 = arith.constant 0 : i32
      %dma_start3A_31 = tpu.memref_slice %arg9[%add3A_12, %dma_start3A_30] : memref<10240x16xf32, #tpu.memory_space<vmem_shared>> -> memref<128x16xf32, #tpu.memory_space<vmem_shared>>
      tpu.enqueue_dma source(%arg6 : memref<128x16xf32, #tpu.memory_space<vmem>>) target(%dma_start3A_31 : memref<128x16xf32, #tpu.memory_space<vmem_shared>>) target_semaphore(%run_scoped3A : memref<!tpu.dma_semaphore, #tpu.memory_space<semaphore_mem>>)
      %dma_wait3A = arith.constant 0 : i32
      %dma_wait3A_32 = tpu.memref_slice %arg9[%add3A_12, %dma_wait3A] : memref<10240x16xf32, #tpu.memory_space<vmem_shared>> -> memref<128x16xf32, #tpu.memory_space<vmem_shared>>
      %dma_wait3A_33 = arith.constant 0 : i32
      %dma_wait3A_34 = tpu.memref_slice %arg9[%add3A_12, %dma_wait3A_33] : memref<10240x16xf32, #tpu.memory_space<vmem_shared>> -> memref<128x16xf32, #tpu.memory_space<vmem_shared>>
      tpu.wait_dma2 semaphore(%run_scoped3A : memref<!tpu.dma_semaphore, #tpu.memory_space<semaphore_mem>>) src(%arg6 : memref<128x16xf32, #tpu.memory_space<vmem>>) dst(%dma_wait3A_34 : memref<128x16xf32, #tpu.memory_space<vmem_shared>>)
      tpu.yield
    }) : () -> ()
    %add3A_13 = arith.constant 256 : i32
    %add3A_14 = arith.addi %mul3A_2, %add3A_13 : i32
    "tpu.region"() ({
      %run_scoped3A = tpu.sem_alloc : memref<!tpu.dma_semaphore, #tpu.memory_space<semaphore_mem>>
      %dma_start3A = arith.constant 0 : i32
      %dma_start3A_29 = tpu.memref_slice %arg9[%add3A_14, %dma_start3A] : memref<10240x16xf32, #tpu.memory_space<vmem_shared>> -> memref<128x16xf32, #tpu.memory_space<vmem_shared>>
      %dma_start3A_30 = arith.constant 0 : i32
      %dma_start3A_31 = tpu.memref_slice %arg9[%add3A_14, %dma_start3A_30] : memref<10240x16xf32, #tpu.memory_space<vmem_shared>> -> memref<128x16xf32, #tpu.memory_space<vmem_shared>>
      tpu.enqueue_dma source(%arg6 : memref<128x16xf32, #tpu.memory_space<vmem>>) target(%dma_start3A_31 : memref<128x16xf32, #tpu.memory_space<vmem_shared>>) target_semaphore(%run_scoped3A : memref<!tpu.dma_semaphore, #tpu.memory_space<semaphore_mem>>)
      %dma_wait3A = arith.constant 0 : i32
      %dma_wait3A_32 = tpu.memref_slice %arg9[%add3A_14, %dma_wait3A] : memref<10240x16xf32, #tpu.memory_space<vmem_shared>> -> memref<128x16xf32, #tpu.memory_space<vmem_shared>>
      %dma_wait3A_33 = arith.constant 0 : i32
      %dma_wait3A_34 = tpu.memref_slice %arg9[%add3A_14, %dma_wait3A_33] : memref<10240x16xf32, #tpu.memory_space<vmem_shared>> -> memref<128x16xf32, #tpu.memory_space<vmem_shared>>
      tpu.wait_dma2 semaphore(%run_scoped3A : memref<!tpu.dma_semaphore, #tpu.memory_space<semaphore_mem>>) src(%arg6 : memref<128x16xf32, #tpu.memory_space<vmem>>) dst(%dma_wait3A_34 : memref<128x16xf32, #tpu.memory_space<vmem_shared>>)
      tpu.yield
    }) : () -> ()
    %add3A_15 = arith.constant 384 : i32
    %add3A_16 = arith.addi %mul3A_2, %add3A_15 : i32
    "tpu.region"() ({
      %run_scoped3A = tpu.sem_alloc : memref<!tpu.dma_semaphore, #tpu.memory_space<semaphore_mem>>
      %dma_start3A = arith.constant 0 : i32
      %dma_start3A_29 = tpu.memref_slice %arg9[%add3A_16, %dma_start3A] : memref<10240x16xf32, #tpu.memory_space<vmem_shared>> -> memref<128x16xf32, #tpu.memory_space<vmem_shared>>
      %dma_start3A_30 = arith.constant 0 : i32
      %dma_start3A_31 = tpu.memref_slice %arg9[%add3A_16, %dma_start3A_30] : memref<10240x16xf32, #tpu.memory_space<vmem_shared>> -> memref<128x16xf32, #tpu.memory_space<vmem_shared>>
      tpu.enqueue_dma source(%arg6 : memref<128x16xf32, #tpu.memory_space<vmem>>) target(%dma_start3A_31 : memref<128x16xf32, #tpu.memory_space<vmem_shared>>) target_semaphore(%run_scoped3A : memref<!tpu.dma_semaphore, #tpu.memory_space<semaphore_mem>>)
      %dma_wait3A = arith.constant 0 : i32
      %dma_wait3A_32 = tpu.memref_slice %arg9[%add3A_16, %dma_wait3A] : memref<10240x16xf32, #tpu.memory_space<vmem_shared>> -> memref<128x16xf32, #tpu.memory_space<vmem_shared>>
      %dma_wait3A_33 = arith.constant 0 : i32
      %dma_wait3A_34 = tpu.memref_slice %arg9[%add3A_16, %dma_wait3A_33] : memref<10240x16xf32, #tpu.memory_space<vmem_shared>> -> memref<128x16xf32, #tpu.memory_space<vmem_shared>>
      tpu.wait_dma2 semaphore(%run_scoped3A : memref<!tpu.dma_semaphore, #tpu.memory_space<semaphore_mem>>) src(%arg6 : memref<128x16xf32, #tpu.memory_space<vmem>>) dst(%dma_wait3A_34 : memref<128x16xf32, #tpu.memory_space<vmem_shared>>)
      tpu.yield
    }) : () -> ()
    %add3A_17 = arith.constant 512 : i32
    %add3A_18 = arith.addi %mul3A_2, %add3A_17 : i32
    "tpu.region"() ({
      %run_scoped3A = tpu.sem_alloc : memref<!tpu.dma_semaphore, #tpu.memory_space<semaphore_mem>>
      %dma_start3A = arith.constant 0 : i32
      %dma_start3A_29 = tpu.memref_slice %arg9[%add3A_18, %dma_start3A] : memref<10240x16xf32, #tpu.memory_space<vmem_shared>> -> memref<128x16xf32, #tpu.memory_space<vmem_shared>>
      %dma_start3A_30 = arith.constant 0 : i32
      %dma_start3A_31 = tpu.memref_slice %arg9[%add3A_18, %dma_start3A_30] : memref<10240x16xf32, #tpu.memory_space<vmem_shared>> -> memref<128x16xf32, #tpu.memory_space<vmem_shared>>
      tpu.enqueue_dma source(%arg6 : memref<128x16xf32, #tpu.memory_space<vmem>>) target(%dma_start3A_31 : memref<128x16xf32, #tpu.memory_space<vmem_shared>>) target_semaphore(%run_scoped3A : memref<!tpu.dma_semaphore, #tpu.memory_space<semaphore_mem>>)
      %dma_wait3A = arith.constant 0 : i32
      %dma_wait3A_32 = tpu.memref_slice %arg9[%add3A_18, %dma_wait3A] : memref<10240x16xf32, #tpu.memory_space<vmem_shared>> -> memref<128x16xf32, #tpu.memory_space<vmem_shared>>
      %dma_wait3A_33 = arith.constant 0 : i32
      %dma_wait3A_34 = tpu.memref_slice %arg9[%add3A_18, %dma_wait3A_33] : memref<10240x16xf32, #tpu.memory_space<vmem_shared>> -> memref<128x16xf32, #tpu.memory_space<vmem_shared>>
      tpu.wait_dma2 semaphore(%run_scoped3A : memref<!tpu.dma_semaphore, #tpu.memory_space<semaphore_mem>>) src(%arg6 : memref<128x16xf32, #tpu.memory_space<vmem>>) dst(%dma_wait3A_34 : memref<128x16xf32, #tpu.memory_space<vmem_shared>>)
      tpu.yield
    }) : () -> ()
    %barrier3A = arith.constant 0 : index
    tpu.barrier barrier_id(%barrier3A)
    %iota3A = tpu.iota {dimensions = array<i32: 0>} : vector<16xi32>
    "tpu.region"() ({
      %run_scoped3A = tpu.sem_alloc : memref<!tpu.dma_semaphore, #tpu.memory_space<semaphore_mem>>
      %dma_start3A = arith.constant 0 : i32
      %dma_start3A_29 = tpu.memref_slice %arg3[%add3A, %dma_start3A] : memref<32x40960xf32, #tpu.memory_space<hbm>> -> memref<1x40960xf32, #tpu.memory_space<hbm>>
      %dma_start3A_30 = tpu.memref_squeeze %dma_start3A_29 : memref<1x40960xf32, #tpu.memory_space<hbm>> -> memref<40960xf32, #tpu.memory_space<hbm>>
      %dma_start3A_31 = arith.constant 0 : i32
      %dma_start3A_32 = tpu.memref_slice %arg3[%add3A, %dma_start3A_31] : memref<32x40960xf32, #tpu.memory_space<hbm>> -> memref<1x40960xf32, #tpu.memory_space<hbm>>
      %dma_start3A_33 = tpu.memref_squeeze %dma_start3A_32 : memref<1x40960xf32, #tpu.memory_space<hbm>> -> memref<40960xf32, #tpu.memory_space<hbm>>
      tpu.enqueue_dma source(%dma_start3A_33 : memref<40960xf32, #tpu.memory_space<hbm>>) target(%arg7 : memref<40960xf32, #tpu.memory_space<vmem>>) target_semaphore(%run_scoped3A : memref<!tpu.dma_semaphore, #tpu.memory_space<semaphore_mem>>)
      %dma_wait3A = arith.constant 0 : i32
      %dma_wait3A_34 = tpu.memref_slice %arg3[%add3A, %dma_wait3A] : memref<32x40960xf32, #tpu.memory_space<hbm>> -> memref<1x40960xf32, #tpu.memory_space<hbm>>
      %dma_wait3A_35 = tpu.memref_squeeze %dma_wait3A_34 : memref<1x40960xf32, #tpu.memory_space<hbm>> -> memref<40960xf32, #tpu.memory_space<hbm>>
      %dma_wait3A_36 = arith.constant 0 : i32
      %dma_wait3A_37 = tpu.memref_slice %arg3[%add3A, %dma_wait3A_36] : memref<32x40960xf32, #tpu.memory_space<hbm>> -> memref<1x40960xf32, #tpu.memory_space<hbm>>
      %dma_wait3A_38 = tpu.memref_squeeze %dma_wait3A_37 : memref<1x40960xf32, #tpu.memory_space<hbm>> -> memref<40960xf32, #tpu.memory_space<hbm>>
      tpu.wait_dma2 semaphore(%run_scoped3A : memref<!tpu.dma_semaphore, #tpu.memory_space<semaphore_mem>>) src(%dma_wait3A_38 : memref<40960xf32, #tpu.memory_space<hbm>>) dst(%arg7 : memref<40960xf32, #tpu.memory_space<vmem>>)
      tpu.yield
    }) : () -> ()
    %mul3A_19 = arith.constant 80 : i32
    %mul3A_20 = arith.muli %arg0, %mul3A_19 : i32
    "tpu.region"() ({
      %run_scoped3A = tpu.sem_alloc : memref<!tpu.dma_semaphore, #tpu.memory_space<semaphore_mem>>
      %dma_start3A = arith.constant 0 : i32
      %dma_start3A_29 = tpu.memref_slice %arg2[%arg1, %mul3A_20, %dma_start3A] : memref<16x160x128xi32, #tpu.memory_space<hbm>> -> memref<1x80x128xi32, #tpu.memory_space<hbm>>
      %dma_start3A_30 = tpu.memref_squeeze %dma_start3A_29 : memref<1x80x128xi32, #tpu.memory_space<hbm>> -> memref<80x128xi32, #tpu.memory_space<hbm>>
      %dma_start3A_31 = arith.constant 0 : i32
      %dma_start3A_32 = tpu.memref_slice %arg2[%arg1, %mul3A_20, %dma_start3A_31] : memref<16x160x128xi32, #tpu.memory_space<hbm>> -> memref<1x80x128xi32, #tpu.memory_space<hbm>>
      %dma_start3A_33 = tpu.memref_squeeze %dma_start3A_32 : memref<1x80x128xi32, #tpu.memory_space<hbm>> -> memref<80x128xi32, #tpu.memory_space<hbm>>
      tpu.enqueue_dma source(%dma_start3A_33 : memref<80x128xi32, #tpu.memory_space<hbm>>) target(%arg8 : memref<80x128xi32, #tpu.memory_space<vmem>>) target_semaphore(%run_scoped3A : memref<!tpu.dma_semaphore, #tpu.memory_space<semaphore_mem>>)
      %dma_wait3A = arith.constant 0 : i32
      %dma_wait3A_34 = tpu.memref_slice %arg2[%arg1, %mul3A_20, %dma_wait3A] : memref<16x160x128xi32, #tpu.memory_space<hbm>> -> memref<1x80x128xi32, #tpu.memory_space<hbm>>
      %dma_wait3A_35 = tpu.memref_squeeze %dma_wait3A_34 : memref<1x80x128xi32, #tpu.memory_space<hbm>> -> memref<80x128xi32, #tpu.memory_space<hbm>>
      %dma_wait3A_36 = arith.constant 0 : i32
      %dma_wait3A_37 = tpu.memref_slice %arg2[%arg1, %mul3A_20, %dma_wait3A_36] : memref<16x160x128xi32, #tpu.memory_space<hbm>> -> memref<1x80x128xi32, #tpu.memory_space<hbm>>
      %dma_wait3A_38 = tpu.memref_squeeze %dma_wait3A_37 : memref<1x80x128xi32, #tpu.memory_space<hbm>> -> memref<80x128xi32, #tpu.memory_space<hbm>>
      tpu.wait_dma2 semaphore(%run_scoped3A : memref<!tpu.dma_semaphore, #tpu.memory_space<semaphore_mem>>) src(%dma_wait3A_38 : memref<80x128xi32, #tpu.memory_space<hbm>>) dst(%arg8 : memref<80x128xi32, #tpu.memory_space<vmem>>)
      tpu.yield
    }) : () -> ()
    %scan3A_21 = arith.constant 0 : i32
    %scan3A_22 = arith.constant 0 : i32
    %scan3A_23 = arith.constant 80 : i32
    %scan3A_24 = arith.addi %scan3A_22, %scan3A_23 : i32
    %scan3A_25 = arith.constant 1 : i32
    %scan3A_26 = scf.for %scan3A_29 = %scan3A_22 to %scan3A_24 step %scan3A_25 iter_args(%scan3A_30 = %scan3A_21) -> (i32)  : i32 {
      %get3A = arith.index_cast %scan3A_29 : i32 to index
      %get3A_31 = arith.constant 0 : index
      %get3A_32 = tpu.vector_load %arg8[%get3A, %get3A_31] {strides = array<i32>} : memref<80x128xi32, #tpu.memory_space<vmem>>, vector<16xi32>,
      %swap3A = arith.constant 0 : index
      %swap3A_33 = tpu.vector_load %arg5[%swap3A] {strides = array<i32>} : memref<128xi32, #tpu.memory_space<vmem>>, vector<16xi32>,
      %swap3A_34 = vector.shape_cast %swap3A_33 : vector<16xi32> to vector<16xi32>
      %swap3A_35 = vector.shape_cast %get3A_32 : vector<16xi32> to vector<16xi32>
      tpu.vector_store %arg5[%swap3A], %swap3A_35 {strides = array<i32>} : memref<128xi32, #tpu.memory_space<vmem>>, vector<16xi32>,
      %get3A_36 = arith.index_cast %scan3A_29 : i32 to index
      %get3A_37 = arith.constant 16 : index
      %get3A_38 = tpu.vector_load %arg8[%get3A_36, %get3A_37] {strides = array<i32>} : memref<80x128xi32, #tpu.memory_space<vmem>>, vector<16xi32>,
      %swap3A_39 = arith.constant 16 : index
      %swap3A_40 = tpu.vector_load %arg5[%swap3A_39] {strides = array<i32>} : memref<128xi32, #tpu.memory_space<vmem>>, vector<16xi32>,
      %swap3A_41 = vector.shape_cast %swap3A_40 : vector<16xi32> to vector<16xi32>
      %swap3A_42 = vector.shape_cast %get3A_38 : vector<16xi32> to vector<16xi32>
      tpu.vector_store %arg5[%swap3A_39], %swap3A_42 {strides = array<i32>} : memref<128xi32, #tpu.memory_space<vmem>>, vector<16xi32>,
      %get3A_43 = arith.index_cast %scan3A_29 : i32 to index
      %get3A_44 = arith.constant 32 : index
      %get3A_45 = tpu.vector_load %arg8[%get3A_43, %get3A_44] {strides = array<i32>} : memref<80x128xi32, #tpu.memory_space<vmem>>, vector<16xi32>,
      %swap3A_46 = arith.constant 32 : index
      %swap3A_47 = tpu.vector_load %arg5[%swap3A_46] {strides = array<i32>} : memref<128xi32, #tpu.memory_space<vmem>>, vector<16xi32>,
      %swap3A_48 = vector.shape_cast %swap3A_47 : vector<16xi32> to vector<16xi32>
      %swap3A_49 = vector.shape_cast %get3A_45 : vector<16xi32> to vector<16xi32>
      tpu.vector_store %arg5[%swap3A_46], %swap3A_49 {strides = array<i32>} : memref<128xi32, #tpu.memory_space<vmem>>, vector<16xi32>,
      %get3A_50 = arith.index_cast %scan3A_29 : i32 to index
      %get3A_51 = arith.constant 48 : index
      %get3A_52 = tpu.vector_load %arg8[%get3A_50, %get3A_51] {strides = array<i32>} : memref<80x128xi32, #tpu.memory_space<vmem>>, vector<16xi32>,
      %swap3A_53 = arith.constant 48 : index
      %swap3A_54 = tpu.vector_load %arg5[%swap3A_53] {strides = array<i32>} : memref<128xi32, #tpu.memory_space<vmem>>, vector<16xi32>,
      %swap3A_55 = vector.shape_cast %swap3A_54 : vector<16xi32> to vector<16xi32>
      %swap3A_56 = vector.shape_cast %get3A_52 : vector<16xi32> to vector<16xi32>
      tpu.vector_store %arg5[%swap3A_53], %swap3A_56 {strides = array<i32>} : memref<128xi32, #tpu.memory_space<vmem>>, vector<16xi32>,
      %get3A_57 = arith.index_cast %scan3A_29 : i32 to index
      %get3A_58 = arith.constant 64 : index
      %get3A_59 = tpu.vector_load %arg8[%get3A_57, %get3A_58] {strides = array<i32>} : memref<80x128xi32, #tpu.memory_space<vmem>>, vector<16xi32>,
      %swap3A_60 = arith.constant 64 : index
      %swap3A_61 = tpu.vector_load %arg5[%swap3A_60] {strides = array<i32>} : memref<128xi32, #tpu.memory_space<vmem>>, vector<16xi32>,
      %swap3A_62 = vector.shape_cast %swap3A_61 : vector<16xi32> to vector<16xi32>
      %swap3A_63 = vector.shape_cast %get3A_59 : vector<16xi32> to vector<16xi32>
      tpu.vector_store %arg5[%swap3A_60], %swap3A_63 {strides = array<i32>} : memref<128xi32, #tpu.memory_space<vmem>>, vector<16xi32>,
      %get3A_64 = arith.index_cast %scan3A_29 : i32 to index
      %get3A_65 = arith.constant 80 : index
      %get3A_66 = tpu.vector_load %arg8[%get3A_64, %get3A_65] {strides = array<i32>} : memref<80x128xi32, #tpu.memory_space<vmem>>, vector<16xi32>,
      %swap3A_67 = arith.constant 80 : index
      %swap3A_68 = tpu.vector_load %arg5[%swap3A_67] {strides = array<i32>} : memref<128xi32, #tpu.memory_space<vmem>>, vector<16xi32>,
      %swap3A_69 = vector.shape_cast %swap3A_68 : vector<16xi32> to vector<16xi32>
      %swap3A_70 = vector.shape_cast %get3A_66 : vector<16xi32> to vector<16xi32>
      tpu.vector_store %arg5[%swap3A_67], %swap3A_70 {strides = array<i32>} : memref<128xi32, #tpu.memory_space<vmem>>, vector<16xi32>,
      %get3A_71 = arith.index_cast %scan3A_29 : i32 to index
      %get3A_72 = arith.constant 96 : index
      %get3A_73 = tpu.vector_load %arg8[%get3A_71, %get3A_72] {strides = array<i32>} : memref<80x128xi32, #tpu.memory_space<vmem>>, vector<16xi32>,
      %swap3A_74 = arith.constant 96 : index
      %swap3A_75 = tpu.vector_load %arg5[%swap3A_74] {strides = array<i32>} : memref<128xi32, #tpu.memory_space<vmem>>, vector<16xi32>,
      %swap3A_76 = vector.shape_cast %swap3A_75 : vector<16xi32> to vector<16xi32>
      %swap3A_77 = vector.shape_cast %get3A_73 : vector<16xi32> to vector<16xi32>
      tpu.vector_store %arg5[%swap3A_74], %swap3A_77 {strides = array<i32>} : memref<128xi32, #tpu.memory_space<vmem>>, vector<16xi32>,
      %get3A_78 = arith.index_cast %scan3A_29 : i32 to index
      %get3A_79 = arith.constant 112 : index
      %get3A_80 = tpu.vector_load %arg8[%get3A_78, %get3A_79] {strides = array<i32>} : memref<80x128xi32, #tpu.memory_space<vmem>>, vector<16xi32>,
      %swap3A_81 = arith.constant 112 : index
      %swap3A_82 = tpu.vector_load %arg5[%swap3A_81] {strides = array<i32>} : memref<128xi32, #tpu.memory_space<vmem>>, vector<16xi32>,
      %swap3A_83 = vector.shape_cast %swap3A_82 : vector<16xi32> to vector<16xi32>
      %swap3A_84 = vector.shape_cast %get3A_80 : vector<16xi32> to vector<16xi32>
      tpu.vector_store %arg5[%swap3A_81], %swap3A_84 {strides = array<i32>} : memref<128xi32, #tpu.memory_space<vmem>>, vector<16xi32>,
      %scan3A_85 = arith.constant 0 : i32
      %scan3A_86 = arith.constant 0 : i32
      %scan3A_87 = arith.constant 32 : i32
      %scan3A_88 = arith.addi %scan3A_86, %scan3A_87 : i32
      %scan3A_89 = arith.constant 1 : i32
      %scan3A_90 = scf.for %scan3A_93 = %scan3A_86 to %scan3A_88 step %scan3A_89 iter_args(%scan3A_94 = %scan3A_85) -> (i32)  : i32 {
        %mul3A_95 = arith.constant 16 : i32
        %mul3A_96 = arith.muli %scan3A_93, %mul3A_95 : i32
        %add3A_97 = vector.broadcast %mul3A_96 : i32 to vector<16xi32>
        %add3A_98 = arith.addi %add3A_97, %iota3A : vector<16xi32>
        %shift_right_arithmetic3A = arith.constant 2 : i32
        %shift_right_arithmetic3A_99 = vector.broadcast %shift_right_arithmetic3A : i32 to vector<16xi32>
        %shift_right_arithmetic3A_100 = arith.shrsi %add3A_98, %shift_right_arithmetic3A_99 : vector<16xi32>
        %and3A = arith.constant 3 : i32
        %and3A_101 = vector.broadcast %and3A : i32 to vector<16xi32>
        %and3A_102 = arith.andi %add3A_98, %and3A_101 : vector<16xi32>
        %mul3A_103 = arith.constant 128 : i32
        %mul3A_104 = arith.muli %scan3A_29, %mul3A_103 : i32
        %mul3A_105 = arith.constant 4 : i32
        %mul3A_106 = arith.muli %mul3A_104, %mul3A_105 : i32
        %mul3A_107 = arith.constant 16 : i32
        %mul3A_108 = arith.muli %scan3A_93, %mul3A_107 : i32
        %add3A_109 = arith.addi %mul3A_106, %mul3A_108 : i32
        %get3A_110 = arith.index_cast %add3A_109 : i32 to index
        %get3A_111 = tpu.vector_load %arg7[%get3A_110] {strides = array<i32>} : memref<40960xf32, #tpu.memory_space<vmem>>, vector<16xf32>,
        tpu.vector_store_idx %arg6[%shift_right_arithmetic3A_100, %and3A_102], %get3A_111 : memref<128x16xf32, #tpu.memory_space<vmem>>[vector<16xi32>, vector<16xi32>], vector<16xf32>,
        %scan3A_112 = arith.constant 0 : i32
        scf.yield %scan3A_112 : i32
      }
      %scan3A_91 = arith.constant 32 : i32
      "tpu.region"() ({
        %run_scoped3A = tpu.sem_alloc : memref<!tpu.dma_semaphore, #tpu.memory_space<semaphore_mem>>
        %dma_start3A = arith.constant 0 : i32
        %dma_start3A_93 = arith.constant 0 : i32
        %dma_start3A_94 = tpu.memref_slice %arg9[%dma_start3A, %dma_start3A_93] : memref<10240x16xf32, #tpu.memory_space<vmem_shared>> -> memref<10240x16xf32, #tpu.memory_space<vmem_shared>>
        tpu.enqueue_indirect_dma source(%arg6 : memref<128x16xf32, #tpu.memory_space<vmem>>) target(%dma_start3A_94 : memref<10240x16xf32, #tpu.memory_space<vmem_shared>>) offsets(%arg5 : memref<128xi32, #tpu.memory_space<vmem>>) semaphore(%run_scoped3A : memref<!tpu.dma_semaphore, #tpu.memory_space<semaphore_mem>>) {add = true}
        %dma_wait3A = arith.constant 0 : i32
        %dma_wait3A_95 = arith.constant 0 : i32
        %dma_wait3A_96 = tpu.memref_slice %arg9[%dma_wait3A, %dma_wait3A_95] : memref<10240x16xf32, #tpu.memory_space<vmem_shared>> -> memref<10240x16xf32, #tpu.memory_space<vmem_shared>>
        tpu.wait_indirect_dma semaphore(%run_scoped3A : memref<!tpu.dma_semaphore, #tpu.memory_space<semaphore_mem>>) src(%arg6 : memref<128x16xf32, #tpu.memory_space<vmem>>) dst(%dma_wait3A_96 : memref<10240x16xf32, #tpu.memory_space<vmem_shared>>)
        tpu.yield
      }) : () -> ()
      %scan3A_92 = arith.constant 0 : i32
      scf.yield %scan3A_92 : i32
    }
    %scan3A_27 = arith.constant 80 : i32
    %barrier3A_28 = arith.constant 0 : index
    tpu.barrier barrier_id(%barrier3A_28)
    "tpu.region"() ({
      %run_scoped3A = tpu.sem_alloc : memref<!tpu.dma_semaphore, #tpu.memory_space<semaphore_mem>>
      %dma_start3A = arith.constant 0 : i32
      %dma_start3A_29 = tpu.memref_slice %arg4[%arg0, %mul3A_2, %dma_start3A] : memref<2x10240x16xf32, #tpu.memory_space<hbm>> -> memref<1x640x16xf32, #tpu.memory_space<hbm>>
      %dma_start3A_30 = tpu.memref_squeeze %dma_start3A_29 : memref<1x640x16xf32, #tpu.memory_space<hbm>> -> memref<640x16xf32, #tpu.memory_space<hbm>>
      %dma_start3A_31 = arith.constant 0 : i32
      %dma_start3A_32 = tpu.memref_slice %arg9[%mul3A_2, %dma_start3A_31] : memref<10240x16xf32, #tpu.memory_space<vmem_shared>> -> memref<640x16xf32, #tpu.memory_space<vmem_shared>>
      tpu.enqueue_dma source(%dma_start3A_32 : memref<640x16xf32, #tpu.memory_space<vmem_shared>>) target(%dma_start3A_30 : memref<640x16xf32, #tpu.memory_space<hbm>>) target_semaphore(%run_scoped3A : memref<!tpu.dma_semaphore, #tpu.memory_space<semaphore_mem>>)
      %dma_wait3A = arith.constant 0 : i32
      %dma_wait3A_33 = tpu.memref_slice %arg4[%arg0, %mul3A_2, %dma_wait3A] : memref<2x10240x16xf32, #tpu.memory_space<hbm>> -> memref<1x640x16xf32, #tpu.memory_space<hbm>>
      %dma_wait3A_34 = tpu.memref_squeeze %dma_wait3A_33 : memref<1x640x16xf32, #tpu.memory_space<hbm>> -> memref<640x16xf32, #tpu.memory_space<hbm>>
      %dma_wait3A_35 = arith.constant 0 : i32
      %dma_wait3A_36 = tpu.memref_slice %arg9[%mul3A_2, %dma_wait3A_35] : memref<10240x16xf32, #tpu.memory_space<vmem_shared>> -> memref<640x16xf32, #tpu.memory_space<vmem_shared>>
      tpu.wait_dma2 semaphore(%run_scoped3A : memref<!tpu.dma_semaphore, #tpu.memory_space<semaphore_mem>>) src(%dma_wait3A_36 : memref<640x16xf32, #tpu.memory_space<vmem_shared>>) dst(%dma_wait3A_34 : memref<640x16xf32, #tpu.memory_space<hbm>>)
      tpu.yield
    }) : () -> ()
    return
  }
}

module attributes {stable_mosaic.version = 14 : i64} {
  func.func @_dense_body(%arg0: i32, %arg1: memref<2x2000x64xf32, #tpu.memory_space<vmem>>, %arg2: memref<2x2000x16xf32, #tpu.memory_space<vmem>>, %arg3: memref<2000x4xf32, #tpu.memory_space<vmem>>, %arg4: memref<2000x1xi32, #tpu.memory_space<vmem>>, %arg5: memref<128x9xf32, #tpu.memory_space<vmem>>, %arg6: memref<128x128xf32, #tpu.memory_space<vmem>>, %arg7: memref<16x9xf32, #tpu.memory_space<vmem>>, %arg8: memref<16x128xf32, #tpu.memory_space<vmem>>, %arg9: memref<9x4xf32, #tpu.memory_space<vmem>>, %arg10: memref<128x128xf32, #tpu.memory_space<vmem>>, %arg11: memref<4x128xf32, #tpu.memory_space<vmem>>, %arg12: memref<2000x128xf32, #tpu.memory_space<vmem>>, %arg13: memref<2000x4xf32, #tpu.memory_space<vmem>>, %arg14: memref<1x8xf32, #tpu.memory_space<vmem>>) attributes {dimension_semantics = [#tpu.dimension_semantics<arbitrary>], iteration_bounds = array<i64: 5>, scalar_prefetch = 0 : i64, scratch_operands = 0 : i64, tpu.core_type = #tpu.core_type<tc>, window_params = [{transform_indices = @transform_0, window_bounds = array<i64: 2, 2000, 64>}, {transform_indices = @transform_1, window_bounds = array<i64: 2, 2000, 16>}, {transform_indices = @transform_2, window_bounds = array<i64: 2000, 4>}, {transform_indices = @transform_3, window_bounds = array<i64: 2000, 1>}, {pipeline_mode = #tpu.pipeline_mode<synchronous>, transform_indices = @transform_4, window_bounds = array<i64: 128, 9>}, {pipeline_mode = #tpu.pipeline_mode<synchronous>, transform_indices = @transform_5, window_bounds = array<i64: 128, 128>}, {pipeline_mode = #tpu.pipeline_mode<synchronous>, transform_indices = @transform_6, window_bounds = array<i64: 16, 9>}, {pipeline_mode = #tpu.pipeline_mode<synchronous>, transform_indices = @transform_7, window_bounds = array<i64: 16, 128>}, {pipeline_mode = #tpu.pipeline_mode<synchronous>, transform_indices = @transform_8, window_bounds = array<i64: 9, 4>}, {pipeline_mode = #tpu.pipeline_mode<synchronous>, transform_indices = @transform_9, window_bounds = array<i64: 128, 128>}, {pipeline_mode = #tpu.pipeline_mode<synchronous>, transform_indices = @transform_10, window_bounds = array<i64: 4, 128>}, {transform_indices = @transform_11, window_bounds = array<i64: 2000, 128>}, {transform_indices = @transform_12, window_bounds = array<i64: 2000, 4>}, {pipeline_mode = #tpu.pipeline_mode<synchronous>, transform_indices = @transform_13, window_bounds = array<i64: 1, 8>}]} {
    %get3A = arith.constant 0 : index
    %get3A_0 = arith.constant 0 : index
    %get3A_1 = arith.constant 0 : index
    %get3A_2 = vector.load %arg1[%get3A, %get3A_0, %get3A_1] : memref<2x2000x64xf32, #tpu.memory_space<vmem>>, vector<1x2000x64xf32>
    %get3A_3 = vector.shape_cast %get3A_2 : vector<1x2000x64xf32> to vector<2000x64xf32>
    %get3A_4 = arith.constant 1 : index
    %get3A_5 = arith.constant 0 : index
    %get3A_6 = arith.constant 0 : index
    %get3A_7 = vector.load %arg1[%get3A_4, %get3A_5, %get3A_6] : memref<2x2000x64xf32, #tpu.memory_space<vmem>>, vector<1x2000x64xf32>
    %get3A_8 = vector.shape_cast %get3A_7 : vector<1x2000x64xf32> to vector<2000x64xf32>
    %concatenate3A = tpu.concatenate %get3A_3, %get3A_8 in 1 : vector<2000x64xf32>, vector<2000x64xf32> -> vector<2000x128xf32>
    %get3A_9 = arith.constant 0 : index
    %get3A_10 = arith.constant 0 : index
    %get3A_11 = arith.constant 0 : index
    %get3A_12 = vector.load %arg2[%get3A_9, %get3A_10, %get3A_11] : memref<2x2000x16xf32, #tpu.memory_space<vmem>>, vector<1x2000x16xf32>
    %get3A_13 = vector.shape_cast %get3A_12 : vector<1x2000x16xf32> to vector<2000x16xf32>
    %get3A_14 = arith.constant 1 : index
    %get3A_15 = arith.constant 0 : index
    %get3A_16 = arith.constant 0 : index
    %get3A_17 = vector.load %arg2[%get3A_14, %get3A_15, %get3A_16] : memref<2x2000x16xf32, #tpu.memory_space<vmem>>, vector<1x2000x16xf32>
    %get3A_18 = vector.shape_cast %get3A_17 : vector<1x2000x16xf32> to vector<2000x16xf32>
    %add3A = arith.addf %get3A_13, %get3A_18 : vector<2000x16xf32>
    %get3A_19 = arith.constant 0 : index
    %get3A_20 = arith.constant 0 : index
    %get3A_21 = vector.load %arg5[%get3A_19, %get3A_20] : memref<128x9xf32, #tpu.memory_space<vmem>>, vector<128x9xf32>
    %dot_general3A = arith.constant dense<0.000000e+00> : vector<2000x9xf32>
    %dot_general3A_22 = tpu.matmul %concatenate3A, %get3A_21, %dot_general3A {dimension_numbers = #tpu.dot_dimension_numbers<[1], [0], [0], [1], [0, 0, 1, 1], [], []>, precision = #tpu.contract_precision<fp32>, transpose_lhs_hint = false} : vector<2000x128xf32>, vector<128x9xf32>, vector<2000x9xf32> -> vector<2000x9xf32>
    %get3A_23 = arith.constant 0 : index
    %get3A_24 = arith.constant 0 : index
    %get3A_25 = vector.load %arg7[%get3A_23, %get3A_24] : memref<16x9xf32, #tpu.memory_space<vmem>>, vector<16x9xf32>
    %dot_general3A_26 = arith.constant dense<0.000000e+00> : vector<2000x9xf32>
    %dot_general3A_27 = tpu.matmul %add3A, %get3A_25, %dot_general3A_26 {dimension_numbers = #tpu.dot_dimension_numbers<[1], [0], [0], [1], [0, 0, 1, 1], [], []>, precision = #tpu.contract_precision<fp32>, transpose_lhs_hint = false} : vector<2000x16xf32>, vector<16x9xf32>, vector<2000x9xf32> -> vector<2000x9xf32>
    %add3A_28 = arith.addf %dot_general3A_22, %dot_general3A_27 : vector<2000x9xf32>
    %get3A_29 = arith.constant 0 : index
    %get3A_30 = arith.constant 0 : index
    %get3A_31 = vector.load %arg6[%get3A_29, %get3A_30] : memref<128x128xf32, #tpu.memory_space<vmem>>, vector<128x128xf32>
    %dot_general3A_32 = arith.constant dense<0.000000e+00> : vector<2000x128xf32>
    %dot_general3A_33 = tpu.matmul %concatenate3A, %get3A_31, %dot_general3A_32 {dimension_numbers = #tpu.dot_dimension_numbers<[1], [0], [0], [1], [0, 0, 1, 1], [], []>, precision = #tpu.contract_precision<fp32>, transpose_lhs_hint = false} : vector<2000x128xf32>, vector<128x128xf32>, vector<2000x128xf32> -> vector<2000x128xf32>
    %get3A_34 = arith.constant 0 : index
    %get3A_35 = arith.constant 0 : index
    %get3A_36 = vector.load %arg8[%get3A_34, %get3A_35] : memref<16x128xf32, #tpu.memory_space<vmem>>, vector<16x128xf32>
    %dot_general3A_37 = arith.constant dense<0.000000e+00> : vector<2000x128xf32>
    %dot_general3A_38 = tpu.matmul %add3A, %get3A_36, %dot_general3A_37 {dimension_numbers = #tpu.dot_dimension_numbers<[1], [0], [0], [1], [0, 0, 1, 1], [], []>, precision = #tpu.contract_precision<fp32>, transpose_lhs_hint = false} : vector<2000x16xf32>, vector<16x128xf32>, vector<2000x128xf32> -> vector<2000x128xf32>
    %add3A_39 = arith.addf %dot_general3A_33, %dot_general3A_38 : vector<2000x128xf32>
    %get3A_40 = arith.constant 0 : index
    %get3A_41 = arith.constant 0 : index
    %get3A_42 = vector.load %arg9[%get3A_40, %get3A_41] : memref<9x4xf32, #tpu.memory_space<vmem>>, vector<9x4xf32>
    %dot_general3A_43 = arith.constant dense<0.000000e+00> : vector<2000x4xf32>
    %dot_general3A_44 = tpu.matmul %add3A_28, %get3A_42, %dot_general3A_43 {dimension_numbers = #tpu.dot_dimension_numbers<[1], [0], [0], [1], [0, 0, 1, 1], [], []>, precision = #tpu.contract_precision<fp32>, transpose_lhs_hint = false} : vector<2000x9xf32>, vector<9x4xf32>, vector<2000x4xf32> -> vector<2000x4xf32>
    %get3A_45 = arith.constant 0 : index
    %get3A_46 = arith.constant 0 : index
    %get3A_47 = vector.load %arg3[%get3A_45, %get3A_46] : memref<2000x4xf32, #tpu.memory_space<vmem>>, vector<2000x4xf32>
    %add3A_48 = arith.addf %get3A_47, %dot_general3A_44 : vector<2000x4xf32>
    %swap3A = arith.constant 0 : index
    %swap3A_49 = arith.constant 0 : index
    %swap3A_50 = vector.load %arg13[%swap3A, %swap3A_49] : memref<2000x4xf32, #tpu.memory_space<vmem>>, vector<2000x4xf32>
    tpu.vector_store %arg13[%swap3A, %swap3A_49], %add3A_48 {strides = array<i32>} : memref<2000x4xf32, #tpu.memory_space<vmem>>, vector<2000x4xf32>,
    %get3A_51 = arith.constant 0 : index
    %get3A_52 = arith.constant 0 : index
    %get3A_53 = vector.load %arg10[%get3A_51, %get3A_52] : memref<128x128xf32, #tpu.memory_space<vmem>>, vector<128x128xf32>
    %dot_general3A_54 = arith.constant dense<0.000000e+00> : vector<2000x128xf32>
    %dot_general3A_55 = tpu.matmul %add3A_39, %get3A_53, %dot_general3A_54 {dimension_numbers = #tpu.dot_dimension_numbers<[1], [0], [0], [1], [0, 0, 1, 1], [], []>, precision = #tpu.contract_precision<fp32>, transpose_lhs_hint = false} : vector<2000x128xf32>, vector<128x128xf32>, vector<2000x128xf32> -> vector<2000x128xf32>
    %get3A_56 = arith.constant 0 : index
    %get3A_57 = arith.constant 0 : index
    %get3A_58 = vector.load %arg11[%get3A_56, %get3A_57] : memref<4x128xf32, #tpu.memory_space<vmem>>, vector<4x128xf32>
    %dot_general3A_59 = arith.constant dense<0.000000e+00> : vector<2000x128xf32>
    %dot_general3A_60 = tpu.matmul %dot_general3A_44, %get3A_58, %dot_general3A_59 {dimension_numbers = #tpu.dot_dimension_numbers<[1], [0], [0], [1], [0, 0, 1, 1], [], []>, precision = #tpu.contract_precision<fp32>, transpose_lhs_hint = false} : vector<2000x4xf32>, vector<4x128xf32>, vector<2000x128xf32> -> vector<2000x128xf32>
    %sub3A = arith.subf %dot_general3A_55, %dot_general3A_60 : vector<2000x128xf32>
    %swap3A_61 = arith.constant 0 : index
    %swap3A_62 = arith.constant 0 : index
    %swap3A_63 = vector.load %arg12[%swap3A_61, %swap3A_62] : memref<2000x128xf32, #tpu.memory_space<vmem>>, vector<2000x128xf32>
    tpu.vector_store %arg12[%swap3A_61, %swap3A_62], %sub3A {strides = array<i32>} : memref<2000x128xf32, #tpu.memory_space<vmem>>, vector<2000x128xf32>,
    %mul3A = arith.mulf %dot_general3A_44, %dot_general3A_44 : vector<2000x4xf32>
    %reduce_sum3A = arith.constant dense<0.000000e+00> : vector<2000xf32>
    %reduce_sum3A_64 = vector.multi_reduction <add>, %mul3A, %reduce_sum3A [1] : vector<2000x4xf32> to vector<2000xf32>
    %broadcast_in_dim3A = vector.shape_cast %reduce_sum3A_64 : vector<2000xf32> to vector<2000x1xf32>
    %sqrt3A = math.sqrt %broadcast_in_dim3A : vector<2000x1xf32>
    %iota3A = tpu.iota {dimensions = array<i32: 1>} : vector<1x8xi32>
    %get3A_65 = arith.constant 0 : index
    %get3A_66 = arith.constant 0 : index
    %get3A_67 = vector.load %arg4[%get3A_65, %get3A_66] : memref<2000x1xi32, #tpu.memory_space<vmem>>, vector<2000x1xi32>
    %eq3A = vector.broadcast %get3A_67 : vector<2000x1xi32> to vector<2000x8xi32>
    %eq3A_68 = vector.broadcast %iota3A : vector<1x8xi32> to vector<2000x8xi32>
    %eq3A_69 = arith.cmpi eq, %eq3A, %eq3A_68 : vector<2000x8xi32>
    %jit3A = arith.constant 0xFF800000 : f32
    %broadcast_in_dim3A_70 = vector.shape_cast %sqrt3A : vector<2000x1xf32> to vector<2000x1xf32>
    %broadcast_in_dim3A_71 = vector.broadcast %broadcast_in_dim3A_70 : vector<2000x1xf32> to vector<2000x8xf32>
    %broadcast_in_dim3A_72 = vector.broadcast %jit3A : f32 to vector<2000x8xf32>
    %select_n3A = arith.select %eq3A_69, %broadcast_in_dim3A_71, %broadcast_in_dim3A_72 : vector<2000x8xi1>, vector<2000x8xf32>
    %reduce_max3A = arith.constant dense<0xFF800000> : vector<8xf32>
    %reduce_max3A_73 = vector.multi_reduction <maximumf>, %select_n3A, %reduce_max3A [0] : vector<2000x8xf32> to vector<8xf32>
    %broadcast_in_dim3A_74 = vector.shape_cast %reduce_max3A_73 : vector<8xf32> to vector<1x8xf32>
    %eq3A_75 = arith.constant 0 : i32
    %eq3A_76 = arith.cmpi eq, %arg0, %eq3A_75 : i32
    %convert_element_type3A = arith.extui %eq3A_76 : i1 to i32
    %cond3A = arith.constant 0 : i32
    %cond3A_77 = arith.cmpi ne, %convert_element_type3A, %cond3A : i32
    scf.if %cond3A_77 {
      %broadcast_in_dim3A_84 = arith.constant 0xFF800000 : f32
      %broadcast_in_dim3A_85 = vector.broadcast %broadcast_in_dim3A_84 : f32 to vector<1x8xf32>
      %swap3A_86 = arith.constant 0 : index
      %swap3A_87 = arith.constant 0 : index
      %swap3A_88 = vector.load %arg14[%swap3A_86, %swap3A_87] : memref<1x8xf32, #tpu.memory_space<vmem>>, vector<1x8xf32>
      tpu.vector_store %arg14[%swap3A_86, %swap3A_87], %broadcast_in_dim3A_85 {strides = array<i32>} : memref<1x8xf32, #tpu.memory_space<vmem>>, vector<1x8xf32>,
    } else {
    }
    %get3A_78 = arith.constant 0 : index
    %get3A_79 = arith.constant 0 : index
    %get3A_80 = vector.load %arg14[%get3A_78, %get3A_79] : memref<1x8xf32, #tpu.memory_space<vmem>>, vector<1x8xf32>
    %max3A = arith.maximumf %get3A_80, %broadcast_in_dim3A_74 : vector<1x8xf32>
    %swap3A_81 = arith.constant 0 : index
    %swap3A_82 = arith.constant 0 : index
    %swap3A_83 = vector.load %arg14[%swap3A_81, %swap3A_82] : memref<1x8xf32, #tpu.memory_space<vmem>>, vector<1x8xf32>
    tpu.vector_store %arg14[%swap3A_81, %swap3A_82], %max3A {strides = array<i32>} : memref<1x8xf32, #tpu.memory_space<vmem>>, vector<1x8xf32>,
    return
  }
  func.func @transform_0(%arg0: i32) -> (i32, i32, i32) {
    %c0_i32 = arith.constant 0 : i32
    %c0_i32_0 = arith.constant 0 : i32
    %c0_i32_1 = arith.constant 0 : i32
    return %c0_i32, %arg0, %c0_i32_0 : i32, i32, i32
  }
  func.func @transform_1(%arg0: i32) -> (i32, i32, i32) {
    %c0_i32 = arith.constant 0 : i32
    %c0_i32_0 = arith.constant 0 : i32
    %c0_i32_1 = arith.constant 0 : i32
    return %c0_i32, %arg0, %c0_i32_0 : i32, i32, i32
  }
  func.func @transform_2(%arg0: i32) -> (i32, i32) {
    %c0_i32 = arith.constant 0 : i32
    %c0_i32_0 = arith.constant 0 : i32
    return %arg0, %c0_i32 : i32, i32
  }
  func.func @transform_3(%arg0: i32) -> (i32, i32) {
    %c0_i32 = arith.constant 0 : i32
    %c0_i32_0 = arith.constant 0 : i32
    return %arg0, %c0_i32 : i32, i32
  }
  func.func @transform_4(%arg0: i32) -> (i32, i32) {
    %c0_i32 = arith.constant 0 : i32
    %c0_i32_0 = arith.constant 0 : i32
    %c0_i32_1 = arith.constant 0 : i32
    return %c0_i32, %c0_i32_0 : i32, i32
  }
  func.func @transform_5(%arg0: i32) -> (i32, i32) {
    %c0_i32 = arith.constant 0 : i32
    %c0_i32_0 = arith.constant 0 : i32
    %c0_i32_1 = arith.constant 0 : i32
    return %c0_i32, %c0_i32_0 : i32, i32
  }
  func.func @transform_6(%arg0: i32) -> (i32, i32) {
    %c0_i32 = arith.constant 0 : i32
    %c0_i32_0 = arith.constant 0 : i32
    %c0_i32_1 = arith.constant 0 : i32
    return %c0_i32, %c0_i32_0 : i32, i32
  }
  func.func @transform_7(%arg0: i32) -> (i32, i32) {
    %c0_i32 = arith.constant 0 : i32
    %c0_i32_0 = arith.constant 0 : i32
    %c0_i32_1 = arith.constant 0 : i32
    return %c0_i32, %c0_i32_0 : i32, i32
  }
  func.func @transform_8(%arg0: i32) -> (i32, i32) {
    %c0_i32 = arith.constant 0 : i32
    %c0_i32_0 = arith.constant 0 : i32
    %c0_i32_1 = arith.constant 0 : i32
    return %c0_i32, %c0_i32_0 : i32, i32
  }
  func.func @transform_9(%arg0: i32) -> (i32, i32) {
    %c0_i32 = arith.constant 0 : i32
    %c0_i32_0 = arith.constant 0 : i32
    %c0_i32_1 = arith.constant 0 : i32
    return %c0_i32, %c0_i32_0 : i32, i32
  }
  func.func @transform_10(%arg0: i32) -> (i32, i32) {
    %c0_i32 = arith.constant 0 : i32
    %c0_i32_0 = arith.constant 0 : i32
    %c0_i32_1 = arith.constant 0 : i32
    return %c0_i32, %c0_i32_0 : i32, i32
  }
  func.func @transform_11(%arg0: i32) -> (i32, i32) {
    %c0_i32 = arith.constant 0 : i32
    %c0_i32_0 = arith.constant 0 : i32
    return %arg0, %c0_i32 : i32, i32
  }
  func.func @transform_12(%arg0: i32) -> (i32, i32) {
    %c0_i32 = arith.constant 0 : i32
    %c0_i32_0 = arith.constant 0 : i32
    return %arg0, %c0_i32 : i32, i32
  }
  func.func @transform_13(%arg0: i32) -> (i32, i32) {
    %c0_i32 = arith.constant 0 : i32
    %c0_i32_0 = arith.constant 0 : i32
    %c0_i32_1 = arith.constant 0 : i32
    return %c0_i32, %c0_i32_0 : i32, i32
  }
}

</mosaic_0001>

<sc_bundles>
// kernel: kernel.12.cloned.1.call-start
scs
__scs_entry_jumppad:
0x0: {  	(pc) =	sbr.rel $0x88, $3  }
0x1: {  	(tag) =	ssettag $0x0;
	lr =	simm.s32 $0x1  }
0x2: {  	[smem:$0x3F99] =	sst lr;
	_ =	strace $0xD0000000  }
0x3: {  	_ = 	snop  }
0x4: {  	_ = 	snop  }
0x5: {  	_ = 	snop  }
0x6: {  	_ = 	snop  }
0x7: {  	_ = 	snop  }
__scs_overlays_trampoline_lowered:
0x8: {  	[smem:$0x3FA8] =	sst s0  }
0x9: {  	[smem:$0x3FA9] =	sst s1  }
0xa: {  	[smem:$0x3FAA] =	sst s2  }
0xb: {  	[smem:$0x3FAB] =	sst s3  }
0xc: {  	[smem:$0x3FAC] =	sst s4  }
0xd: {  	[smem:$0x3FAD] =	sst s5  }
0xe: {  	[smem:$0x3FAE] =	sst s6  }
0xf: {  	[smem:$0x3FAF] =	sst s7  }
0x10: {  	[smem:$0x3FB0] =	sst s8  }
0x11: {  	[smem:$0x3FB1] =	sst s9;
	s0 =	simm.s32 @!p0 $0x0  }
0x12: {  	s1 =	sld [smem:$0x3F97];
	s0 =	simm.s32 @p0 $0x1  }
0x13: {  	[smem:$0x3FB2] =	sst s0;
	s0 =	simm.s32 @!p1 $0x0  }
0x14: {  	s2 =	sld [smem:$0x3F96];
	s0 =	simm.s32 @p1 $0x1  }
0x15: {  	[smem:$0x3FB3] =	sst s0;
	s0 =	simm.s32 @!p2 $0x0  }
0x16: {  	s3 =	sld [smem:$0x3FDB];
	s0 =	simm.s32 @p2 $0x1  }
0x17: {  	s4 =	simm.s32 $0x1BF5;
	[smem:$0x3FB5] =	sst s0  }
0x18: {  	s0 =	sld [smem:$0x3F98];
	_ =	swait.ge [sflag:s4], $0x0  }
0x19: {  	s7 =	sld [smem:$0x3F99]  }
0x1a: {  	s8 =	sadd.s32 $0xFFFFE003, lr  }
0x1b: {  	s9 =	sadd.s32 $0xFFFFFEF7, lr;
	s5 =	simm.s32 $0xFFFFFFFF;
	p2 =	slt.u32 s8, $0xFFFFF086  }
0x1c: {  	p1 =	slt.u32 s9, $0xF7A;
	s5 =	simm.s32 @!p2 $0x0  }
0x1d: {  	s5 =	simm.s32 @p1 $0x1;
	p0 =	seq.s32 s7, s2  }
0x1e: {  	s7 =	smul.u32 @!p0 $0xF7A, s2;
	p2 =	seq.s32 @!p0 s5, $0x0  }
0x1f: {  	s9 =	smul.u32 $0xF7A, s1;
	s8 =	simm.s32 @!p0 $0x1BF5;
	p2 =	por !p2, p0  }
0x20: {  	[sflag:s8] =	ssyncset.s32 @!p0 $0xFFFFF086;
	s6 =	sadd.s32 @!p0 s3, s7;
	s7 =	simm.s32 @!p0 $0x108  }
0x21: {  	s3 =	sadd.s32 s3, s9;
	s6 =	sadd.s32 @!p0 $0x88, s6;
	s7 =	simm.s32 @p2 $0x1082  }
0x22: {  	[simem:s7], [sflag:s8] =	dma.local @!p0 [hbm:s6], $0xF7A  }
0x23: {  	s9 =	sor.u32 $0xD0000000, s2;
	s6 =	simm.s32 $0x108;
	_ =	swait.ge @!p0 [sflag:s8], $0x0  }
0x24: {  	s3 =	sadd.s32 $0x88, s3;
	s6 =	simm.s32 @!p1 $0x1082;
	[sflag:s4] =	ssyncset.s32 $0xFFFFF086  }
0x25: {  	[simem:s6], [sflag:s4] =	dma.local [hbm:s3], $0xF7A  }
0x26: {  	[smem:$0x3F99] =	sst s1;
	(tag) =	ssettag s2;
	_ =	strace s9  }
0x27: {  	s1 =	sld [smem:$0x3FA9]  }
0x28: {  	s2 =	sld [smem:$0x3FAA]  }
0x29: {  	s4 =	sld [smem:$0x3FAC]  }
0x2a: {  	p0 =	seq.s32 s5, $0x0;
	s5 =	sld [smem:$0x3FAD]  }
0x2b: {  	s6 =	sld [smem:$0x3FAE]  }
0x2c: {  	s7 =	sld [smem:$0x3FAF]  }
0x2d: {  	s3 =	simm.s32 $0x108;
	s8 =	sld [smem:$0x3FB0]  }
0x2e: {  	s3 =	simm.s32 @!p0 $0x1082;
	s9 =	sld [smem:$0x3FB1]  }
0x2f: {  	lr =	sadd.s32 s0, s3;
	s0 =	sld [smem:$0x3FA8]  }
0x30: {  	s3 =	sld [smem:$0x3FAB]  }
0x31: {  	[smem:$0x3FB4] =	sst s10  }
0x32: {  	s10 =	sld [smem:$0x3FB2];
	_ =	sdelay $0x3  }
0x33: {  	p0 =	seq.s32 s10, $0x1;
	s10 =	sld [smem:$0x3FB4];
	_ =	sdelay $0x3  }
0x34: {  	[smem:$0x3FB4] =	sst s10  }
0x35: {  	s10 =	sld [smem:$0x3FB3];
	_ =	sdelay $0x3  }
0x36: {  	p1 =	seq.s32 s10, $0x1;
	s10 =	sld [smem:$0x3FB4];
	_ =	sdelay $0x3  }
0x37: {  	[smem:$0x3FB4] =	sst s10  }
0x38: {  	s10 =	sld [smem:$0x3FB5]  }
0x39: {  	_ = 	snop;
	(pc) =	sbr.ind lr, $3  }
0x3a: {  	_ = 	snop  }
0x3b: {  	_ = 	snop  }
0x3c: {  	p2 =	seq.s32 s10, $0x1;
	s10 =	sld [smem:$0x3FB4]  }
0x3d: {  	_ =	shalt  }
0x3e: {  	_ =	shalt  }
0x3f: {  	_ =	shalt  }
0x40: {  	_ =	shalt  }
0x41: {  	_ =	shalt  }
0x42: {  	_ =	shalt  }
0x43: {  	_ =	shalt  }
0x44: {  	_ =	shalt  }
0x45: {  	_ =	shalt  }
0x46: {  	_ =	shalt  }
0x47: {  	_ =	shalt  }
0x48: {  	_ =	shalt  }
0x49: {  	_ =	shalt  }
0x4a: {  	_ =	shalt  }
0x4b: {  	_ =	shalt  }
0x4c: {  	_ =	shalt  }
0x4d: {  	_ =	shalt  }
0x4e: {  	_ =	shalt  }
0x4f: {  	_ =	shalt  }
0x50: {  	_ =	shalt  }
0x51: {  	_ =	shalt  }
0x52: {  	_ =	shalt  }
0x53: {  	_ =	shalt  }
0x54: {  	_ =	shalt  }
0x55: {  	_ =	shalt  }
0x56: {  	_ =	shalt  }
0x57: {  	_ =	shalt  }
0x58: {  	_ =	shalt  }
0x59: {  	_ =	shalt  }
0x5a: {  	_ =	shalt  }
0x5b: {  	_ =	shalt  }
0x5c: {  	_ =	shalt  }
0x5d: {  	_ =	shalt  }
0x5e: {  	_ =	shalt  }
0x5f: {  	_ =	shalt  }
0x60: {  	_ =	shalt  }
0x61: {  	_ =	shalt  }
0x62: {  	_ =	shalt  }
0x63: {  	_ =	shalt  }
0x64: {  	_ =	shalt  }
0x65: {  	_ =	shalt  }
0x66: {  	_ =	shalt  }
0x67: {  	_ =	shalt  }
0x68: {  	_ =	shalt  }
0x69: {  	_ =	shalt  }
0x6a: {  	_ =	shalt  }
0x6b: {  	_ =	shalt  }
0x6c: {  	_ =	shalt  }
0x6d: {  	_ =	shalt  }
0x6e: {  	_ =	shalt  }
0x6f: {  	_ =	shalt  }
0x70: {  	_ =	shalt  }
0x71: {  	_ =	shalt  }
0x72: {  	_ =	shalt  }
0x73: {  	_ =	shalt  }
0x74: {  	_ =	shalt  }
0x75: {  	_ =	shalt  }
0x76: {  	_ =	shalt  }
0x77: {  	_ =	shalt  }
0x78: {  	_ =	shalt  }
0x79: {  	_ =	shalt  }
0x7a: {  	_ =	shalt  }
0x7b: {  	_ =	shalt  }
0x7c: {  	_ =	shalt  }
0x7d: {  	_ =	shalt  }
0x7e: {  	_ =	shalt  }
0x7f: {  	_ =	shalt  }
0x80: {  	_ =	shalt  }
0x81: {  	_ =	shalt  }
0x82: {  	_ =	shalt  }
0x83: {  	_ =	shalt  }
0x84: {  	_ =	shalt  }
0x85: {  	_ =	shalt  }
0x86: {  	_ =	shalt  }
0x87: {  	_ =	shalt  }
.Lfunc_end0:
.L_simem_size_0:
called_computation.2_lowered:
.L_overlay_start_0:
0x88: {  	s2 =	sld [smem:$0x3FD9]  }
0x89: {  	s3 =	sld [smem:$0x3FFE];
	_ =	sdelay $0x1  }
0x8a: {  	s1 =	srdreg.scid  }
0x8b: {  	s0 =	sand.u32 $0x1, s1  }
0x8c: {  	s14 =	sshll.u32 s0, $0xA;
	s2 =	sadd.s32 s3, s2  }
0x8d: {  	s2 =	sadd.s32 s2, s14  }
0x8e: {  	[smem:$0x3FC0] =	sst s2  }
0x8f: {  	_ = 	snop  }
0x90: {  	s2 =	sld [smem:$0x3FD0];
	_ =	sdelay $0x2  }
0x91: {  	s15 =	simm.s32 $0xB;
	s4 =	simm.s32 $0x10  }
0x92: {  	[smem:s4], [sflag:s15] =	dma.local [hbm:s2], $0x1  }
0x93: {  	_ =	swait.eq [sflag:s15], $0x1  }
0x94: {  	[sflag:s15] =	ssyncset.done $0x0  }
0x95: {  	s16 =	sld [smem:$0x12];
	[sflag:s15] =	ssyncadd.s32 $0xFFFFFFFF  }
0x96: {  	s17 =	sld [smem:$0x13];
	(tm) =	ssettm $0x1  }
0x97: {  	s18 =	sld [smem:$0x3FFB];
	_ =	sdelay $0x3  }
0x98: {  	_ =	strace s18  }
0x99: {  	s4 =	sld [smem:$0x3FFC];
	_ =	sdelay $0x3  }
0x9a: {  	_ =	strace s4  }
0x9b: {  	s4 =	sld [smem:$0x3FFD];
	_ =	sdelay $0x3  }
0x9c: {  	_ =	strace s4  }
0x9d: {  	_ =	strace $0x8FFFFFFF  }
0x9e: {  	s19 =	sld [smem:$0x3FDB];
	_ =	sdelay $0x1  }
0x9f: {  	s5 =	simm.s32 $_scs_section_size  }
0xa0: {  	s6 =	simm.s32 $_size__tile_overlayer_lowered;
	s7 =	simm.s32 $_tile_overlayer_lowered  }
0xa1: {  	s22 =	simm.s32 $0x1BFF;
	s21 =	sshll.u32 s7, $0x1;
	s4 =	sadd.s32 s5, s19  }
0xa2: {  	s8 =	simm.s32 $0x0;
	s20 =	sshll.u32 s6, $0x1;
	s6 =	sadd.s32 s21, s4  }
0xa3: {  	[timem:s8], [sflag:s22] =	dma.local [hbm:s6], s20  }
0xa4: {  	_ =	swait.ge [sflag:s22], s20  }
0xa5: {  	s5 =	ssub.s32 $0x0, s20;
	[sflag:s22] =	ssyncset.done $0x0  }
0xa6: {  	[sflag:s22] =	ssyncadd.s32 s5;
	_ =	sdelay $0x1  }
0xa7: {  	s23 =	simm.s32 $0x1B8B  }
0xa8: {  	_ =	swait.ge [sflag:s23], $0x1  }
0xa9: {  	[sflag:s23] =	ssyncset.done $0x0  }
0xaa: {  	s25 =	simm.s32 $0x1B8E;
	s24 =	sld [smem:$0x3FFE];
	[sflag:s23] =	ssyncadd.s32 $0xFFFFFFFF  }
0xab: {  	s26 =	simm.s32 $execute0_lowered;
	[smem:$0x3FD2] =	sst s25  }
0xac: {  	s6 =	sshll.u32 s26, $0x1;
	_ =	strace $0x8000004C;
	[dreg:$0x1] =	wrdreg $0xFFFFFFFF  }
0xad: {  	s28 =	simm.s32 $_size_execute0_lowered;
	s4 =	sadd.s32 s4, s6;
	[dreg:$0x0] =	wrdreg $0x0  }
0xae: {  	s6 =	sshll.u32 s28, $0x1;
	[dreg:$0x2] =	wrdreg s4  }
0xaf: {  	[dreg:$0x3] =	wrdreg s6  }
0xb0: {  	[dreg:$0x4] =	wrdreg $0xC0  }
0xb1: {  	_ =	task [dreg:s8], $0x5FFFF  }
0xb2: {  	[dreg:$0x1] =	wrdreg $0xFFFFFFFF  }
0xb3: {  	[dreg:$0x0] =	wrdreg $0x60  }
0xb4: {  	[dreg:$0x2] =	wrdreg s24  }
0xb5: {  	[dreg:$0x3] =	wrdreg s16  }
0xb6: {  	[dreg:$0x4] =	wrdreg s17  }
0xb7: {  	[dreg:$0x5] =	wrdreg $0x9  }
0xb8: {  	_ =	task.clear_ibuf [dreg:s8], $0x6FFFF;
	_ =	strace $0x9000004C  }
0xb9: {  	s29 =	simm.s32 $0x9;
	_ =	strace $0x8000004E  }
0xba: {  	_ =	swait.ge [sflag:s29], $0x1  }
0xbb: {  	[sflag:s29] =	ssyncadd.s32 $0xFFFFFFFF  }
0xbc: {  	_ =	strace $0x9000004E  }
0xbd: {  	_ =	sfence  }
0xbe: {  	s30 =	sld [smem:$0x0];
	_ =	sdelay $0x2  }
0xbf: {  	s31 =	sshll.u32 s1, $0xD;
	s1 =	sshrl.u32 s1, $0x2  }
0xc0: {  	s3 =	sand.u32 $0x4000, s31;
	s1 =	sadd.s32 s1, s30  }
0xc1: {  	s0 =	sor.u32 s3, s0;
	s1 =	sshll.u32 s1, $0x11  }
0xc2: {  	s0 =	sor.u32 s1, s0  }
0xc3: {  	s0 =	sadd.s32 $0x8F2B, s0  }
0xc4: {  	[sflag:s0] =	ssyncadd.remote.s32 $0x1  }
0xc5: {  	_ =	sfence.sel $0xFFFF  }
0xc6: {  	[dreg:$0x0] =	wrdreg $0xFFFFFFFF;
	(pc) =	sbr.abs _section_cstart, $3  }
0xc7: {  	[dreg:$0x1] =	wrdreg $0xFFFFFFFF  }
0xc8: {  	_ =	task.clear_ibuf [dreg:s8], $0x2FFFF;
	_ =	strace $0x9FFFFFFF  }
0xc9: {  	(tm) =	ssettm $0x7FFFFFFF  }
tec
execute0_lowered:
.L_overlay_start_1:
0x0: {  	(tag) =	ssettag $0x1  }
0x1: {  	s4 =	rddreg [dreg:$0x0]  }
0x2: {  	s6 =	rddreg [dreg:$0x1];
	s1 =	srdreg.scid  }
0x3: {  	s0 =	stileid.u32;
	s7 =	rddreg [dreg:$0x2];
	s2 =	simm.s32 $0x0  }
0x4: {  	s11 =	simm.s32 $0x1;
	s12 =	simm.s32 $0xEC80;
	s13 =	simm.s32 $0x11480  }
0x5: {  	s14 =	simm.s32 $0x13C80;
	s3 =	sand.u32 $0x1, s1;
	s5 =	sshll.u32 s0, $0x1  }
0x6: {  	s15 =	simm.s32 $0x0;
	s1 =	rddreg [dreg:$0x3];
	s5 =	sor.u32 s3, s5  }
0x7: {  	[smem:$0x7FF] =	sst s2;
	s31 =	ssub.s32 $0x2, s3;
	s8 =	smul.u32 $0x500, s5  }
0x8: {  	_ =	strace $0x8000004D;
	s3 =	sadd.s32 $0x16000, s4;
	s9 =	sshrl.u32 s31, $0x1  }
0x9: {  	s9 =	ssub.s32 s31, s9;
	s10 =	sadd.s32 s8, s4;
	s6 =	sadd.s32 s6, s8  }
0xa: {  	s7 =	sadd.s32 s7, s8;
	s9 =	smax.u32 s9, $0x1;
	s4 =	sadd.s32 $0xC000, s10  }
0xb: {  	v0 =	vlaneseq.u32;
	s5 =	sadd.s32 $0x2000, s10;
	s8 =	sadd.s32 $0x17400, s10;
	s10 =	simm.s32 $0x5000  }
.LBB2_1:
0xc: {  	[tilespmem:s10], [sflag:$0x1] =	stream.linear.gather [hbm4b:s3+s2], $0x9C80, $0x38;
	[tilespmem:$0x16480] =	vst v63  }
0xd: {  	_ =	swait.ge [sflag:s11], $0x9C80  }
0xe: {  	[sflag:s11] =	ssyncset.done $0x0  }
0xf: {  	[sflag:s11] =	ssyncadd.s32 $0xFFFF6380  }
0x10: {  	[tilespmem:s2], [sflag:$0x1] =	stream.linear.gather [hbm4b:s4+s2], $0x2800, $0x38;
	[tilespmem:$0x16480] =	vst v63  }
0x11: {  	_ =	swait.ge [sflag:s11], $0x2800  }
0x12: {  	[sflag:s11] =	ssyncset.done $0x0  }
0x13: {  	s16 =	simm.s32 $0x2800;
	[sflag:s11] =	ssyncadd.s32 $0xFFFFD800  }
0x14: {  	[tilespmem:s16], [sflag:$0x1] =	stream.linear.gather [hbm4b:s5+s2], $0x2800, $0x38;
	[tilespmem:$0x16480] =	vst v63  }
0x15: {  	_ =	swait.ge [sflag:s11], $0x2800  }
0x16: {  	[sflag:s11] =	ssyncset.done $0x0  }
0x17: {  	[sflag:s11] =	ssyncadd.s32 $0xFFFFD800  }
0x18: {  	v1 =	vld [tilespmem:s2+$0x0]  }
0x19: {  	v2 =	vld [tilespmem:s16+$0x0];
	_ =	sdelay $0x3  }
0x1a: {  	v3 =	vshll.u32 v1, $0x2  }
0x1b: {  	v2 =	vshll.u32 v2, $0x2;
	_ =	sdelay $0x3  }
0x1c: {  	v4 =	vld.idx.msk [tilespmem:v3+s10+$0x0], $0xffff  }
0x1d: {  	v5 =	vld.idx.msk [tilespmem:v2+s10+$0x0], $0xffff;
	_ =	sdelay $0x1  }
0x1e: {  	v1 =	vor.u32 s2, v0  }
0x1f: {  	v6 =	vor.u32 $0x1, v2  }
0x20: {  	v7 =	vor.u32 $0x1, v3  }
0x21: {  	v4 =	vsub.f32 v5, v4;
	_ =	sdelay $0x1  }
0x22: {  	[tilespmem:v1+s12+$0x0] =	vst.idx.msk $0xffff, v4  }
0x23: {  	v4 =	vld.idx.msk [tilespmem:v6+s10+$0x0], $0xffff  }
0x24: {  	v5 =	vld.idx.msk [tilespmem:v7+s10+$0x0], $0xffff;
	_ =	sdelay $0x2  }
0x25: {  	v3 =	vor.u32 $0x2, v3  }
0x26: {  	v63 =	vor.u32 $0x2, v2  }
0x27: {  	v2 =	vsub.f32 v4, v5;
	_ =	sdelay $0x1  }
0x28: {  	[tilespmem:v1+s13+$0x0] =	vst.idx.msk $0xffff, v2  }
0x29: {  	v2 =	vld.idx.msk [tilespmem:v3+s10+$0x0], $0xffff  }
0x2a: {  	s17 =	simm.s32 $0x10;
	s18 =	simm.s32 $0x0;
	v3 =	vld.idx.msk [tilespmem:v63+s10+$0x0], $0xffff  }
.LBB2_2:
0x2b: {  	_ =	sdelay $0x3  }
0x2c: {  	p0 =	sne.s32 s17, $0x27F0;
	s18 =	sadd.s32 $0x10, s18;
	s16 =	sadd.s32 $0x10, s16;
	v2 =	vsub.f32 v3, v2  }
0x2d: {  	s19 =	smov.u32 s17;
	s17 =	sadd.s32 $0x10, s17  }
0x2e: {  	[tilespmem:v1+s14+$0x0] =	vst.idx.msk $0xffff, v2  }
0x2f: {  	v1 =	vld [tilespmem:s18+$0x0]  }
0x30: {  	v2 =	vld [tilespmem:s16+$0x0];
	_ =	sdelay $0x3  }
0x31: {  	v3 =	vshll.u32 v1, $0x2  }
0x32: {  	v2 =	vshll.u32 v2, $0x2;
	_ =	sdelay $0x3  }
0x33: {  	v4 =	vld.idx.msk [tilespmem:v3+s10+$0x0], $0xffff  }
0x34: {  	v5 =	vld.idx.msk [tilespmem:v2+s10+$0x0], $0xffff;
	_ =	sdelay $0x2  }
0x35: {  	v1 =	vor.u32 s19, v0  }
0x36: {  	v6 =	vor.u32 $0x1, v3;
	v7 =	vor.u32 $0x1, v2;
	_ =	sdelay $0x1  }
0x37: {  	v4 =	vsub.f32 v5, v4;
	_ =	sdelay $0x1  }
0x38: {  	[tilespmem:v1+s12+$0x0] =	vst.idx.msk $0xffff, v4  }
0x39: {  	v4 =	vld.idx.msk [tilespmem:v7+s10+$0x0], $0xffff  }
0x3a: {  	v5 =	vld.idx.msk [tilespmem:v6+s10+$0x0], $0xffff;
	_ =	sdelay $0x3  }
0x3b: {  	v3 =	vor.u32 $0x2, v3;
	v6 =	vor.u32 $0x2, v2;
	_ =	sdelay $0x1  }
.Ltmp0:
0x3c: {  	v2 =	vsub.f32 v4, v5;
	(pc) =	sbr.rel @p0 .LBB2_2-.Ltmp0, $4  }
0x3d: {  	_ = 	snop  }
0x3e: {  	[tilespmem:v1+s13+$0x0] =	vst.idx.msk $0xffff, v2  }
0x3f: {  	v2 =	vld.idx.msk [tilespmem:v3+s10+$0x0], $0xffff  }
0x40: {  	v3 =	vld.idx.msk [tilespmem:v6+s10+$0x0], $0xffff  }
0x41: {  	_ =	sdelay $0x3  }
0x42: {  	v2 =	vsub.f32 v3, v2;
	_ =	sdelay $0x1  }
0x43: {  	[tilespmem:v1+s14+$0x0] =	vst.idx.msk $0xffff, v2  }
0x44: {  	[hbm4b:s6+s2] =	stream.linear.scatter [tilespmem:s12], [sflag:$0x1], $0x2800, $0x38;
	[tilespmem:$0x16480] =	vst v63  }
0x45: {  	_ =	swait.ge [sflag:s11], $0x2800  }
0x46: {  	[sflag:s11] =	ssyncset.done $0x0  }
0x47: {  	[sflag:s11] =	ssyncadd.s32 $0xFFFFD800  }
0x48: {  	[hbm4b:s7+s2] =	stream.linear.scatter [tilespmem:s13], [sflag:$0x1], $0x2800, $0x38;
	[tilespmem:$0x16480] =	vst v63  }
0x49: {  	s15 =	sadd.s32 $0x1, s15;
	_ =	swait.ge [sflag:s11], $0x2800  }
0x4a: {  	p0 =	sne.s32 s15, s9;
	[sflag:s11] =	ssyncset.done $0x0  }
.Ltmp1:
0x4b: {  	[sflag:s11] =	ssyncadd.s32 $0xFFFFD800;
	(pc) =	sbr.rel @p0 .LBB2_1-.Ltmp1, $4  }
0x4c: {  	[hbm4b:s8+s2] =	stream.linear.scatter [tilespmem:s14], [sflag:$0x1], $0x2800, $0x38;
	[tilespmem:$0x16480] =	vst v63  }
0x4d: {  	_ =	swait.ge [sflag:s11], $0x2800  }
0x4e: {  	[sflag:s11] =	ssyncset.done $0x0  }
0x4f: {  	[sflag:s11] =	ssyncadd.s32 $0xFFFFD800  }
0x50: {  	_ =	sfence.sel $0x180000  }
0x51: {  	[bflag:$0x0] =	sbarrier.arrive $0xFFFF  }
0x52: {  	p0 =	sne.s32 s0, $0x0;
	_ =	strace $0x9000004D  }
0x53: {  	s0 =	sadd.s32 @!p0 $0x100000, s1;
	[bflag:$0x2] =	sbarrier.arrive $0xFFFF  }
0x54: {  	[sflag:s0] =	ssyncadd.tile.s32 @!p0 $0x1;
	_ =	shalt  }
.Lfunc_end2:
_tile_overlayer_lowered:
.L_overlay_start_2:
0x55: {  	(tag) =	ssettag $0x2  }
0x56: {  	s0 =	rddreg [dreg:$0x0];
	s2 =	stileid.u32  }
0x57: {  	s1 =	rddreg [dreg:$0x1];
	p0 =	sne.s32 s2, $0x0  }
0x58: {  	s3 =	rddreg [dreg:$0x2];
	[bflag:$0x3] =	sbarrier.arrive $0xFFFF;
	s2 =	simm.s32 @!p0 $0x1C01  }
0x59: {  	[timem:s3], [sflag:s2] =	dma.local @!p0 [hbm:s0], s1  }
0x5a: {  	s0 =	simm.s32 @!p0 $0x1  }
0x5b: {  	_ =	swait.ge @!p0 [sflag:s0], s1  }
0x5c: {  	s1 =	ssub.s32 @!p0 $0x0, s1;
	[sflag:s0] =	ssyncset.done @!p0 $0x0  }
0x5d: {  	[sflag:s0] =	ssyncadd.s32 @!p0 s1  }
0x5e: {  	[bflag:$0x3] =	sbarrier.arrive $0xFFFF  }
0x5f: {  	_ =	shalt  }

// kernel: kernel.6.cloned.1.call-start
scs
__scs_entry_jumppad:
0x0: {  	(pc) =	sbr.rel $0x88, $3  }
0x1: {  	(tag) =	ssettag $0x0;
	lr =	simm.s32 $0x1  }
0x2: {  	[smem:$0x3F99] =	sst lr;
	_ =	strace $0xD0000000  }
0x3: {  	_ = 	snop  }
0x4: {  	_ = 	snop  }
0x5: {  	_ = 	snop  }
0x6: {  	_ = 	snop  }
0x7: {  	_ = 	snop  }
__scs_overlays_trampoline_lowered:
0x8: {  	[smem:$0x3FA8] =	sst s0  }
0x9: {  	[smem:$0x3FA9] =	sst s1  }
0xa: {  	[smem:$0x3FAA] =	sst s2  }
0xb: {  	[smem:$0x3FAB] =	sst s3  }
0xc: {  	[smem:$0x3FAC] =	sst s4  }
0xd: {  	[smem:$0x3FAD] =	sst s5  }
0xe: {  	[smem:$0x3FAE] =	sst s6  }
0xf: {  	[smem:$0x3FAF] =	sst s7  }
0x10: {  	[smem:$0x3FB0] =	sst s8  }
0x11: {  	[smem:$0x3FB1] =	sst s9;
	s0 =	simm.s32 @!p0 $0x0  }
0x12: {  	s1 =	sld [smem:$0x3F97];
	s0 =	simm.s32 @p0 $0x1  }
0x13: {  	[smem:$0x3FB2] =	sst s0;
	s0 =	simm.s32 @!p1 $0x0  }
0x14: {  	s2 =	sld [smem:$0x3F96];
	s0 =	simm.s32 @p1 $0x1  }
0x15: {  	[smem:$0x3FB3] =	sst s0;
	s0 =	simm.s32 @!p2 $0x0  }
0x16: {  	s3 =	sld [smem:$0x3FDB];
	s0 =	simm.s32 @p2 $0x1  }
0x17: {  	s4 =	simm.s32 $0x1BF5;
	[smem:$0x3FB5] =	sst s0  }
0x18: {  	s0 =	sld [smem:$0x3F98];
	_ =	swait.ge [sflag:s4], $0x0  }
0x19: {  	s7 =	sld [smem:$0x3F99]  }
0x1a: {  	s8 =	sadd.s32 $0xFFFFE003, lr  }
0x1b: {  	s9 =	sadd.s32 $0xFFFFFEF7, lr;
	s5 =	simm.s32 $0xFFFFFFFF;
	p2 =	slt.u32 s8, $0xFFFFF086  }
0x1c: {  	p1 =	slt.u32 s9, $0xF7A;
	s5 =	simm.s32 @!p2 $0x0  }
0x1d: {  	s5 =	simm.s32 @p1 $0x1;
	p0 =	seq.s32 s7, s2  }
0x1e: {  	s7 =	smul.u32 @!p0 $0xF7A, s2;
	p2 =	seq.s32 @!p0 s5, $0x0  }
0x1f: {  	s9 =	smul.u32 $0xF7A, s1;
	s8 =	simm.s32 @!p0 $0x1BF5;
	p2 =	por !p2, p0  }
0x20: {  	[sflag:s8] =	ssyncset.s32 @!p0 $0xFFFFF086;
	s6 =	sadd.s32 @!p0 s3, s7;
	s7 =	simm.s32 @!p0 $0x108  }
0x21: {  	s3 =	sadd.s32 s3, s9;
	s6 =	sadd.s32 @!p0 $0x88, s6;
	s7 =	simm.s32 @p2 $0x1082  }
0x22: {  	[simem:s7], [sflag:s8] =	dma.local @!p0 [hbm:s6], $0xF7A  }
0x23: {  	s9 =	sor.u32 $0xD0000000, s2;
	s6 =	simm.s32 $0x108;
	_ =	swait.ge @!p0 [sflag:s8], $0x0  }
0x24: {  	s3 =	sadd.s32 $0x88, s3;
	s6 =	simm.s32 @!p1 $0x1082;
	[sflag:s4] =	ssyncset.s32 $0xFFFFF086  }
0x25: {  	[simem:s6], [sflag:s4] =	dma.local [hbm:s3], $0xF7A  }
0x26: {  	[smem:$0x3F99] =	sst s1;
	(tag) =	ssettag s2;
	_ =	strace s9  }
0x27: {  	s1 =	sld [smem:$0x3FA9]  }
0x28: {  	s2 =	sld [smem:$0x3FAA]  }
0x29: {  	s4 =	sld [smem:$0x3FAC]  }
0x2a: {  	p0 =	seq.s32 s5, $0x0;
	s5 =	sld [smem:$0x3FAD]  }
0x2b: {  	s6 =	sld [smem:$0x3FAE]  }
0x2c: {  	s7 =	sld [smem:$0x3FAF]  }
0x2d: {  	s3 =	simm.s32 $0x108;
	s8 =	sld [smem:$0x3FB0]  }
0x2e: {  	s3 =	simm.s32 @!p0 $0x1082;
	s9 =	sld [smem:$0x3FB1]  }
0x2f: {  	lr =	sadd.s32 s0, s3;
	s0 =	sld [smem:$0x3FA8]  }
0x30: {  	s3 =	sld [smem:$0x3FAB]  }
0x31: {  	[smem:$0x3FB4] =	sst s10  }
0x32: {  	s10 =	sld [smem:$0x3FB2];
	_ =	sdelay $0x3  }
0x33: {  	p0 =	seq.s32 s10, $0x1;
	s10 =	sld [smem:$0x3FB4];
	_ =	sdelay $0x3  }
0x34: {  	[smem:$0x3FB4] =	sst s10  }
0x35: {  	s10 =	sld [smem:$0x3FB3];
	_ =	sdelay $0x3  }
0x36: {  	p1 =	seq.s32 s10, $0x1;
	s10 =	sld [smem:$0x3FB4];
	_ =	sdelay $0x3  }
0x37: {  	[smem:$0x3FB4] =	sst s10  }
0x38: {  	s10 =	sld [smem:$0x3FB5]  }
0x39: {  	_ = 	snop;
	(pc) =	sbr.ind lr, $3  }
0x3a: {  	_ = 	snop  }
0x3b: {  	_ = 	snop  }
0x3c: {  	p2 =	seq.s32 s10, $0x1;
	s10 =	sld [smem:$0x3FB4]  }
0x3d: {  	_ =	shalt  }
0x3e: {  	_ =	shalt  }
0x3f: {  	_ =	shalt  }
0x40: {  	_ =	shalt  }
0x41: {  	_ =	shalt  }
0x42: {  	_ =	shalt  }
0x43: {  	_ =	shalt  }
0x44: {  	_ =	shalt  }
0x45: {  	_ =	shalt  }
0x46: {  	_ =	shalt  }
0x47: {  	_ =	shalt  }
0x48: {  	_ =	shalt  }
0x49: {  	_ =	shalt  }
0x4a: {  	_ =	shalt  }
0x4b: {  	_ =	shalt  }
0x4c: {  	_ =	shalt  }
0x4d: {  	_ =	shalt  }
0x4e: {  	_ =	shalt  }
0x4f: {  	_ =	shalt  }
0x50: {  	_ =	shalt  }
0x51: {  	_ =	shalt  }
0x52: {  	_ =	shalt  }
0x53: {  	_ =	shalt  }
0x54: {  	_ =	shalt  }
0x55: {  	_ =	shalt  }
0x56: {  	_ =	shalt  }
0x57: {  	_ =	shalt  }
0x58: {  	_ =	shalt  }
0x59: {  	_ =	shalt  }
0x5a: {  	_ =	shalt  }
0x5b: {  	_ =	shalt  }
0x5c: {  	_ =	shalt  }
0x5d: {  	_ =	shalt  }
0x5e: {  	_ =	shalt  }
0x5f: {  	_ =	shalt  }
0x60: {  	_ =	shalt  }
0x61: {  	_ =	shalt  }
0x62: {  	_ =	shalt  }
0x63: {  	_ =	shalt  }
0x64: {  	_ =	shalt  }
0x65: {  	_ =	shalt  }
0x66: {  	_ =	shalt  }
0x67: {  	_ =	shalt  }
0x68: {  	_ =	shalt  }
0x69: {  	_ =	shalt  }
0x6a: {  	_ =	shalt  }
0x6b: {  	_ =	shalt  }
0x6c: {  	_ =	shalt  }
0x6d: {  	_ =	shalt  }
0x6e: {  	_ =	shalt  }
0x6f: {  	_ =	shalt  }
0x70: {  	_ =	shalt  }
0x71: {  	_ =	shalt  }
0x72: {  	_ =	shalt  }
0x73: {  	_ =	shalt  }
0x74: {  	_ =	shalt  }
0x75: {  	_ =	shalt  }
0x76: {  	_ =	shalt  }
0x77: {  	_ =	shalt  }
0x78: {  	_ =	shalt  }
0x79: {  	_ =	shalt  }
0x7a: {  	_ =	shalt  }
0x7b: {  	_ =	shalt  }
0x7c: {  	_ =	shalt  }
0x7d: {  	_ =	shalt  }
0x7e: {  	_ =	shalt  }
0x7f: {  	_ =	shalt  }
0x80: {  	_ =	shalt  }
0x81: {  	_ =	shalt  }
0x82: {  	_ =	shalt  }
0x83: {  	_ =	shalt  }
0x84: {  	_ =	shalt  }
0x85: {  	_ =	shalt  }
0x86: {  	_ =	shalt  }
0x87: {  	_ =	shalt  }
.Lfunc_end0:
.L_simem_size_0:
called_computation_lowered:
.L_overlay_start_0:
0x88: {  	s2 =	sld [smem:$0x3FD9]  }
0x89: {  	s3 =	sld [smem:$0x3FFE];
	_ =	sdelay $0x1  }
0x8a: {  	s1 =	srdreg.scid  }
0x8b: {  	s0 =	sand.u32 $0x1, s1  }
0x8c: {  	s14 =	sshll.u32 s0, $0xA;
	s2 =	sadd.s32 s3, s2  }
0x8d: {  	s2 =	sadd.s32 s2, s14  }
0x8e: {  	[smem:$0x3FC0] =	sst s2  }
0x8f: {  	_ = 	snop  }
0x90: {  	s2 =	sld [smem:$0x3FD0];
	_ =	sdelay $0x2  }
0x91: {  	s15 =	simm.s32 $0xB;
	s4 =	simm.s32 $0x10  }
0x92: {  	[smem:s4], [sflag:s15] =	dma.local [hbm:s2], $0x1  }
0x93: {  	_ =	swait.eq [sflag:s15], $0x1  }
0x94: {  	[sflag:s15] =	ssyncset.done $0x0  }
0x95: {  	s16 =	sld [smem:$0x12];
	[sflag:s15] =	ssyncadd.s32 $0xFFFFFFFF  }
0x96: {  	s17 =	sld [smem:$0x13];
	(tm) =	ssettm $0x1  }
0x97: {  	s18 =	sld [smem:$0x3FFB];
	_ =	sdelay $0x3  }
0x98: {  	_ =	strace s18  }
0x99: {  	s4 =	sld [smem:$0x3FFC];
	_ =	sdelay $0x3  }
0x9a: {  	_ =	strace s4  }
0x9b: {  	s4 =	sld [smem:$0x3FFD];
	_ =	sdelay $0x3  }
0x9c: {  	_ =	strace s4  }
0x9d: {  	_ =	strace $0x8FFFFFFF  }
0x9e: {  	s19 =	sld [smem:$0x3FDB];
	_ =	sdelay $0x1  }
0x9f: {  	s5 =	simm.s32 $_scs_section_size  }
0xa0: {  	s6 =	simm.s32 $_size__tile_overlayer_lowered;
	s7 =	simm.s32 $_tile_overlayer_lowered  }
0xa1: {  	s22 =	simm.s32 $0x1BFF;
	s21 =	sshll.u32 s7, $0x1;
	s4 =	sadd.s32 s5, s19  }
0xa2: {  	s8 =	simm.s32 $0x0;
	s20 =	sshll.u32 s6, $0x1;
	s6 =	sadd.s32 s21, s4  }
0xa3: {  	[timem:s8], [sflag:s22] =	dma.local [hbm:s6], s20  }
0xa4: {  	_ =	swait.ge [sflag:s22], s20  }
0xa5: {  	s5 =	ssub.s32 $0x0, s20;
	[sflag:s22] =	ssyncset.done $0x0  }
0xa6: {  	[sflag:s22] =	ssyncadd.s32 s5;
	_ =	sdelay $0x1  }
0xa7: {  	s23 =	simm.s32 $0x1B8B  }
0xa8: {  	_ =	swait.ge [sflag:s23], $0x1  }
0xa9: {  	[sflag:s23] =	ssyncset.done $0x0  }
0xaa: {  	s25 =	simm.s32 $0x1B8E;
	s24 =	sld [smem:$0x3FFE];
	[sflag:s23] =	ssyncadd.s32 $0xFFFFFFFF  }
0xab: {  	s26 =	simm.s32 $execute0_lowered;
	[smem:$0x3FD2] =	sst s25  }
0xac: {  	s6 =	sshll.u32 s26, $0x1;
	_ =	strace $0x80000046;
	[dreg:$0x1] =	wrdreg $0xFFFFFFFF  }
0xad: {  	s28 =	simm.s32 $_size_execute0_lowered;
	s4 =	sadd.s32 s4, s6;
	[dreg:$0x0] =	wrdreg $0x0  }
0xae: {  	s6 =	sshll.u32 s28, $0x1;
	[dreg:$0x2] =	wrdreg s4  }
0xaf: {  	[dreg:$0x3] =	wrdreg s6  }
0xb0: {  	[dreg:$0x4] =	wrdreg $0xC0  }
0xb1: {  	_ =	task [dreg:s8], $0x5FFFF  }
0xb2: {  	[dreg:$0x1] =	wrdreg $0xFFFFFFFF  }
0xb3: {  	[dreg:$0x0] =	wrdreg $0x60  }
0xb4: {  	[dreg:$0x2] =	wrdreg s16  }
0xb5: {  	[dreg:$0x3] =	wrdreg s17  }
0xb6: {  	[dreg:$0x4] =	wrdreg s24  }
0xb7: {  	[dreg:$0x5] =	wrdreg $0xE2000  }
0xb8: {  	[dreg:$0x6] =	wrdreg $0x9  }
0xb9: {  	_ =	task.clear_ibuf [dreg:s8], $0x7FFFF;
	_ =	strace $0x90000046  }
0xba: {  	s29 =	simm.s32 $0x9;
	_ =	strace $0x80000048  }
0xbb: {  	_ =	swait.ge [sflag:s29], $0x1  }
0xbc: {  	[sflag:s29] =	ssyncadd.s32 $0xFFFFFFFF  }
0xbd: {  	_ =	strace $0x90000048  }
0xbe: {  	_ =	sfence  }
0xbf: {  	s30 =	sld [smem:$0x0];
	_ =	sdelay $0x2  }
0xc0: {  	s31 =	sshll.u32 s1, $0xD;
	s1 =	sshrl.u32 s1, $0x2  }
0xc1: {  	s3 =	sand.u32 $0x4000, s31;
	s1 =	sadd.s32 s1, s30  }
0xc2: {  	s0 =	sor.u32 s3, s0;
	s1 =	sshll.u32 s1, $0x11  }
0xc3: {  	s0 =	sor.u32 s1, s0  }
0xc4: {  	s0 =	sadd.s32 $0x8F2B, s0  }
0xc5: {  	[sflag:s0] =	ssyncadd.remote.s32 $0x1  }
0xc6: {  	_ =	sfence.sel $0xFFFF  }
0xc7: {  	[dreg:$0x0] =	wrdreg $0xFFFFFFFF;
	(pc) =	sbr.abs _section_cstart, $3  }
0xc8: {  	[dreg:$0x1] =	wrdreg $0xFFFFFFFF  }
0xc9: {  	_ =	task.clear_ibuf [dreg:s8], $0x2FFFF;
	_ =	strace $0x9FFFFFFF  }
0xca: {  	(tm) =	ssettm $0x7FFFFFFF  }
0xcb: {  	_ =	shalt  }
tec
execute0_lowered:
.L_overlay_start_1:
0x0: {  	(tag) =	ssettag $0x1  }
0x1: {  	s1 =	rddreg [dreg:$0x0]  }
0x2: {  	s3 =	rddreg [dreg:$0x1]  }
0x3: {  	s6 =	rddreg [dreg:$0x2]  }
0x4: {  	s4 =	rddreg [dreg:$0x3]  }
0x5: {  	s2 =	stileid.u32;
	s8 =	srdreg.scid  }
0x6: {  	s5 =	simm.s32 $0x0;
	s16 =	simm.s32 $0x3;
	s17 =	simm.s32 $0x4200  }
0x7: {  	s18 =	simm.s32 $0x9200;
	s19 =	simm.s32 $0x80;
	s20 =	simm.s32 $0x100  }
0x8: {  	s21 =	simm.s32 $0x2200;
	s22 =	simm.s32 $0x1;
	s7 =	smul.u32 $0xA00, s2  }
0x9: {  	s23 =	simm.s32 $0x2;
	s24 =	simm.s32 $0x180;
	s29 =	smul.u32 $0xA000, s2  }
0xa: {  	s13 =	sand.u32 $0x1, s8;
	[smem:$0x7FF] =	sst s5;
	s10 =	smul.u32 $0x28000, s2  }
0xb: {  	s25 =	simm.s32 $0x0;
	s9 =	smul.u32 $0xA0000, s13;
	_ =	strace $0x80000047  }
0xc: {  	s31 =	ssub.s32 $0x2, s13;
	p0 =	seq.s32 s13, $0x1;
	s12 =	sadd.s32 s7, s6  }
0xd: {  	s11 =	sshrl.u32 s31, $0x1;
	s10 =	sshrl.u32 s10, $0x2;
	s30 =	sadd.s32 s29, s9  }
.Ltmp0:
0xe: {  	s15 =	ssub.s32 s31, s11;
	s10 =	sadd.s32 s10, s4;
	(pc) =	sbr.rel .LBB2_1-.Ltmp0, $4  }
0xf: {  	s11 =	sadd.s32 $0xC000, s12;
	s12 =	sadd.s32 $0x2000, s12;
	s7 =	sshrl.u32 s30, $0x3  }
0x10: {  	s8 =	sadd.s32 $0x4000, s10;
	s9 =	sadd.s32 $0x6000, s10;
	s14 =	sadd.s32 s7, s6  }
0x11: {  	s6 =	sadd.s32 s29, s4;
	s7 =	sadd.s32 $0x2000, s10;
	s10 =	sadd.s32 $0x8000, s10  }
0x12: {  	v0 =	vimm.f32 $0.0e+00;
	s13 =	sadd.s32 $0x16000, s14;
	s14 =	smax.u32 s15, $0x1;
	s15 =	simm.s32 $0x200  }
.LBB2_6:
0x13: {  	s28 =	sshra.s32 s26, $0x2;
	[sflag:s16] =	ssyncadd.s32 $0xFFFFE000  }
0x14: {  	v1 =	vld [tilespmem:s28+$0x4280];
	_ =	sdelay $0x4  }
0x15: {  	[tilespmem:$0x100] =	vst v1  }
0x16: {  	v1 =	vld [tilespmem:s28+$0x4290];
	_ =	sdelay $0x4  }
0x17: {  	[tilespmem:$0x110] =	vst v1  }
0x18: {  	v1 =	vld [tilespmem:s28+$0x42A0];
	_ =	sdelay $0x4  }
0x19: {  	[tilespmem:$0x120] =	vst v1  }
0x1a: {  	v1 =	vld [tilespmem:s28+$0x42B0];
	_ =	sdelay $0x4  }
0x1b: {  	[tilespmem:$0x130] =	vst v1  }
0x1c: {  	v1 =	vld [tilespmem:s28+$0x42C0];
	_ =	sdelay $0x4  }
0x1d: {  	[tilespmem:$0x140] =	vst v1  }
0x1e: {  	v1 =	vld [tilespmem:s28+$0x42D0];
	_ =	sdelay $0x4  }
0x1f: {  	[tilespmem:$0x150] =	vst v1  }
0x20: {  	v1 =	vld [tilespmem:s28+$0x42E0];
	_ =	sdelay $0x4  }
0x21: {  	[tilespmem:$0x160] =	vst v1  }
0x22: {  	v1 =	vld [tilespmem:s28+$0x42F0];
	_ =	sdelay $0x4  }
0x23: {  	[tilespmem:$0x170] =	vst v1  }
0x24: {  	[tilespmem:s21], [sflag:$0x2] =	stream.indirect.gather [hbm4b:s1+s19], $0x40, s20, s19, $0xb8;
	[tilespmem:$0x18200] =	vst v63  }
0x25: {  	v1 =	vld [tilespmem:s28+$0x9200];
	_ =	sdelay $0x4  }
0x26: {  	[tilespmem:$0x80] =	vst v1  }
0x27: {  	v1 =	vld [tilespmem:s28+$0x9210];
	_ =	sdelay $0x4  }
0x28: {  	[tilespmem:$0x90] =	vst v1  }
0x29: {  	v1 =	vld [tilespmem:s28+$0x9220];
	_ =	sdelay $0x4  }
0x2a: {  	[tilespmem:$0xA0] =	vst v1  }
0x2b: {  	v1 =	vld [tilespmem:s28+$0x9230];
	_ =	sdelay $0x4  }
0x2c: {  	[tilespmem:$0xB0] =	vst v1  }
0x2d: {  	v1 =	vld [tilespmem:s28+$0x9240];
	_ =	sdelay $0x4  }
0x2e: {  	[tilespmem:$0xC0] =	vst v1  }
0x2f: {  	v1 =	vld [tilespmem:s28+$0x9250];
	_ =	sdelay $0x4  }
0x30: {  	[tilespmem:$0xD0] =	vst v1  }
0x31: {  	v1 =	vld [tilespmem:s28+$0x9260];
	_ =	sdelay $0x4  }
0x32: {  	[tilespmem:$0xE0] =	vst v1  }
0x33: {  	v1 =	vld [tilespmem:s28+$0x9270];
	_ =	sdelay $0x4  }
0x34: {  	[tilespmem:$0xF0] =	vst v1  }
0x35: {  	_ =	swait.ge [sflag:s22], $0x2000  }
0x36: {  	[sflag:s22] =	ssyncset.done $0x0  }
0x37: {  	[sflag:s22] =	ssyncadd.s32 $0xFFFFE000  }
0x38: {  	[spmem:s4] =	stream.indirect.scatter.add.f32 [tilespmem:s15], [sflag:$0x3], $0x40, s19, s19, $0xb8;
	[tilespmem:$0x18200] =	vst v63  }
0x39: {  	_ =	swait.ge [sflag:s16], $0x2000  }
0x3a: {  	p1 =	seq.s32 s26, $0x13C00;
	[sflag:s16] =	ssyncset.done $0x0  }
0x3b: {  	s0 =	sshra.s32 @!p1 s26, $0x2;
	[sflag:s16] =	ssyncadd.s32 $0xFFFFE000  }
0x3c: {  	v1 =	vld @!p1 [tilespmem:s0+$0x4300];
	_ =	sdelay $0x4  }
0x3d: {  	[tilespmem:$0x0] =	vst @!p1 v1  }
0x3e: {  	v1 =	vld @!p1 [tilespmem:s0+$0x4310];
	_ =	sdelay $0x4  }
0x3f: {  	[tilespmem:$0x10] =	vst @!p1 v1  }
0x40: {  	v1 =	vld @!p1 [tilespmem:s0+$0x4320];
	_ =	sdelay $0x4  }
0x41: {  	[tilespmem:$0x20] =	vst @!p1 v1  }
0x42: {  	v1 =	vld @!p1 [tilespmem:s0+$0x4330];
	_ =	sdelay $0x4  }
0x43: {  	[tilespmem:$0x30] =	vst @!p1 v1  }
0x44: {  	v1 =	vld @!p1 [tilespmem:s0+$0x4340];
	_ =	sdelay $0x4  }
0x45: {  	[tilespmem:$0x40] =	vst @!p1 v1  }
0x46: {  	v1 =	vld @!p1 [tilespmem:s0+$0x4350];
	_ =	sdelay $0x4  }
0x47: {  	[tilespmem:$0x50] =	vst @!p1 v1  }
0x48: {  	v1 =	vld @!p1 [tilespmem:s0+$0x4360];
	_ =	sdelay $0x4  }
0x49: {  	[tilespmem:$0x60] =	vst @!p1 v1  }
0x4a: {  	v1 =	vld @!p1 [tilespmem:s0+$0x4370];
	_ =	sdelay $0x4  }
0x4b: {  	s26 =	simm.s32 @!p1 $0x0;
	s29 =	simm.s32 @!p1 $0x200;
	s0 =	simm.s32 @!p1 $0x80;
	[tilespmem:$0x70] =	vst @!p1 v1  }
0x4c: {  	[tilespmem:s29], [sflag:$0x1] =	stream.indirect.gather @!p1 [hbm4b:s1+s0], $0x40, s26, s0, $0xb8;
	[tilespmem:$0x18200] =	vst v63  }
0x4d: {  	v1 =	vld [tilespmem:s28+$0x9280];
	_ =	sdelay $0x4  }
0x4e: {  	[tilespmem:$0x180] =	vst v1  }
0x4f: {  	v1 =	vld [tilespmem:s28+$0x9290];
	_ =	sdelay $0x4  }
0x50: {  	[tilespmem:$0x190] =	vst v1  }
0x51: {  	v1 =	vld [tilespmem:s28+$0x92A0];
	_ =	sdelay $0x4  }
0x52: {  	[tilespmem:$0x1A0] =	vst v1  }
0x53: {  	v1 =	vld [tilespmem:s28+$0x92B0];
	_ =	sdelay $0x4  }
0x54: {  	[tilespmem:$0x1B0] =	vst v1  }
0x55: {  	v1 =	vld [tilespmem:s28+$0x92C0];
	_ =	sdelay $0x4  }
0x56: {  	[tilespmem:$0x1C0] =	vst v1  }
0x57: {  	v1 =	vld [tilespmem:s28+$0x92D0];
	_ =	sdelay $0x4  }
0x58: {  	[tilespmem:$0x1D0] =	vst v1  }
0x59: {  	v1 =	vld [tilespmem:s28+$0x92E0];
	_ =	sdelay $0x4  }
0x5a: {  	[tilespmem:$0x1E0] =	vst v1  }
0x5b: {  	v1 =	vld [tilespmem:s28+$0x92F0];
	_ =	sdelay $0x4  }
0x5c: {  	[tilespmem:$0x1F0] =	vst v1  }
0x5d: {  	_ =	swait.ge [sflag:s23], $0x2000  }
0x5e: {  	[sflag:s23] =	ssyncset.done $0x0  }
0x5f: {  	[sflag:s23] =	ssyncadd.s32 $0xFFFFE000  }
0x60: {  	[spmem:s4] =	stream.indirect.scatter.add.f32 [tilespmem:s21], [sflag:$0x3], $0x40, s24, s19, $0xb8;
	[tilespmem:$0x18200] =	vst v63  }
0x61: {  	_ =	swait.ge [sflag:s16], $0x2000  }
0x62: {  	[sflag:s16] =	ssyncset.done $0x0  }
0x63: {  	[sflag:s16] =	ssyncadd.s32 $0xFFFFE000  }
.LBB2_10:
0x64: {  	s25 =	sadd.s32 $0x1, s25  }
0x65: {  	s0 =	sshll.u32 s2, $0x6;
	[bflag:$0x0] =	sbarrier.arrive $0xFFFF;
	p1 =	sne.s32 s25, s14  }
.Ltmp1:
0x66: {  	s26 =	sshrl.u32 s6, $0x3;
	s0 =	sor.u32 $0x1C03, s0;
	(pc) =	sbr.rel @!p1 .LBB2_11-.Ltmp1, $4  }
0x67: {  	[hbm:s13], [sflag:s0] =	dma.local [spmem:s26], $0x1400  }
0x68: {  	_ =	swait.ge [sflag:s16], $0x1400  }
0x69: {  	[sflag:s16] =	ssyncset.done $0x0  }
0x6a: {  	[sflag:s16] =	ssyncadd.s32 $0xFFFFEC00  }
.LBB2_1:
0x6b: {  	s28 =	simm.s32 $0x100;
	s26 =	simm.s32 $0x0  }
.LBB2_2:
0x6c: {  	p1 =	sne.s32 s28, $0x7F00;
	[tilespmem:s26+$0x230] =	vst v0;
	s29 =	smov.u32 s28;
	s28 =	sadd.s32 $0x100, s28  }
.Ltmp2:
0x6d: {  	[tilespmem:s26+$0x220] =	vst v0;
	(pc) =	sbr.rel @p1 .LBB2_2-.Ltmp2, $3  }
0x6e: {  	[tilespmem:s26+$0x200] =	vst v0  }
0x6f: {  	[tilespmem:s26+$0x210] =	vst v0;
	_ =	sdelay $0x1  }
0x70: {  	s26 =	sshra.s32 s29, $0x2  }
0x71: {  	[tilespmem:s26+$0x230] =	vst v0  }
0x72: {  	[tilespmem:s26+$0x220] =	vst v0  }
0x73: {  	[tilespmem:s26+$0x200] =	vst v0  }
0x74: {  	[tilespmem:s26+$0x210] =	vst v0  }
0x75: {  	[spmem:s6] =	stream.linear.scatter [tilespmem:s15], [sflag:$0x3], $0x2000, $0x38;
	[tilespmem:$0x18200] =	vst v63  }
0x76: {  	_ =	swait.ge [sflag:s16], $0x2000  }
0x77: {  	[sflag:s16] =	ssyncset.done $0x0  }
0x78: {  	[sflag:s16] =	ssyncadd.s32 $0xFFFFE000  }
0x79: {  	[spmem:s7] =	stream.linear.scatter [tilespmem:s15], [sflag:$0x3], $0x2000, $0x38;
	[tilespmem:$0x18200] =	vst v63  }
0x7a: {  	_ =	swait.ge [sflag:s16], $0x2000  }
0x7b: {  	[sflag:s16] =	ssyncset.done $0x0  }
0x7c: {  	[sflag:s16] =	ssyncadd.s32 $0xFFFFE000  }
0x7d: {  	[spmem:s8] =	stream.linear.scatter [tilespmem:s15], [sflag:$0x3], $0x2000, $0x38;
	[tilespmem:$0x18200] =	vst v63  }
0x7e: {  	_ =	swait.ge [sflag:s16], $0x2000  }
0x7f: {  	[sflag:s16] =	ssyncset.done $0x0  }
0x80: {  	[sflag:s16] =	ssyncadd.s32 $0xFFFFE000  }
0x81: {  	[spmem:s9] =	stream.linear.scatter [tilespmem:s15], [sflag:$0x3], $0x2000, $0x38;
	[tilespmem:$0x18200] =	vst v63  }
0x82: {  	_ =	swait.ge [sflag:s16], $0x2000  }
0x83: {  	[sflag:s16] =	ssyncset.done $0x0  }
0x84: {  	[sflag:s16] =	ssyncadd.s32 $0xFFFFE000  }
0x85: {  	[spmem:s10] =	stream.linear.scatter [tilespmem:s15], [sflag:$0x3], $0x2000, $0x38;
	[tilespmem:$0x18200] =	vst v63  }
0x86: {  	_ =	swait.ge [sflag:s16], $0x2000  }
0x87: {  	[sflag:s16] =	ssyncset.done $0x0  }
0x88: {  	[sflag:s16] =	ssyncadd.s32 $0xFFFFE000  }
0x89: {  	[bflag:$0x0] =	sbarrier.arrive $0xFFFF  }
0x8a: {  	[tilespmem:s17], [sflag:$0x3] =	stream.linear.gather [hbm4b:s11+s5], $0x5000, $0x38;
	[tilespmem:$0x18200] =	vst v63  }
0x8b: {  	_ =	swait.ge [sflag:s16], $0x5000  }
0x8c: {  	[sflag:s16] =	ssyncset.done $0x0  }
0x8d: {  	[sflag:s16] =	ssyncadd.s32 $0xFFFFB000  }
0x8e: {  	[tilespmem:s18], [sflag:$0x3] =	stream.linear.gather [hbm4b:s12+s5], $0x5000, $0x38;
	[tilespmem:$0x18200] =	vst v63  }
0x8f: {  	_ =	swait.ge [sflag:s16], $0x5000  }
0x90: {  	[sflag:s16] =	ssyncset.done $0x0  }
0x91: {  	[sflag:s16] =	ssyncadd.s32 $0xFFFFB000  }
0x92: {  	v1 =	vld [tilespmem:$0x4200]  }
0x93: {  	v2 =	vld [tilespmem:$0x4210]  }
0x94: {  	v3 =	vld [tilespmem:$0x4220]  }
0x95: {  	v4 =	vld [tilespmem:$0x4230]  }
0x96: {  	v5 =	vld [tilespmem:$0x4240]  }
0x97: {  	[tilespmem:$0x0] =	vst v1;
	v1 =	vld [tilespmem:$0x4250]  }
0x98: {  	[tilespmem:$0x10] =	vst v2;
	v2 =	vld [tilespmem:$0x4260]  }
0x99: {  	[tilespmem:$0x20] =	vst v3;
	v3 =	vld [tilespmem:$0x4270]  }
.Ltmp3:
0x9a: {  	[tilespmem:$0x30] =	vst v4;
	(pc) =	sbr.rel @!p0 .LBB2_4-.Ltmp3, $4  }
0x9b: {  	[tilespmem:$0x40] =	vst v5  }
0x9c: {  	[tilespmem:$0x50] =	vst v1  }
0x9d: {  	[tilespmem:$0x60] =	vst v2  }
0x9e: {  	[tilespmem:$0x70] =	vst v3  }
0x9f: {  	s0 =	simm.s32 $0x0;
	s26 =	simm.s32 $0x0  }
0xa0: {  	[tilespmem:s15], [sflag:$0x1] =	stream.indirect.gather [hbm4b:s3+s19], $0x40, s0, s19, $0xb8;
	[tilespmem:$0x18200] =	vst v63  }
0xa1: {  	v1 =	vld [tilespmem:s26+$0x4280];
	_ =	sdelay $0x4  }
0xa2: {  	[tilespmem:$0x100] =	vst v1  }
0xa3: {  	v1 =	vld [tilespmem:s26+$0x4290];
	_ =	sdelay $0x4  }
0xa4: {  	[tilespmem:$0x110] =	vst v1  }
0xa5: {  	v1 =	vld [tilespmem:s26+$0x42A0];
	_ =	sdelay $0x4  }
0xa6: {  	[tilespmem:$0x120] =	vst v1  }
0xa7: {  	v1 =	vld [tilespmem:s26+$0x42B0];
	_ =	sdelay $0x4  }
0xa8: {  	[tilespmem:$0x130] =	vst v1  }
0xa9: {  	v1 =	vld [tilespmem:s26+$0x42C0];
	_ =	sdelay $0x4  }
0xaa: {  	[tilespmem:$0x140] =	vst v1  }
0xab: {  	v1 =	vld [tilespmem:s26+$0x42D0];
	_ =	sdelay $0x4  }
0xac: {  	[tilespmem:$0x150] =	vst v1  }
0xad: {  	v1 =	vld [tilespmem:s26+$0x42E0];
	_ =	sdelay $0x4  }
0xae: {  	[tilespmem:$0x160] =	vst v1  }
0xaf: {  	v1 =	vld [tilespmem:s26+$0x42F0];
	_ =	sdelay $0x4  }
0xb0: {  	[tilespmem:$0x170] =	vst v1  }
0xb1: {  	[tilespmem:s21], [sflag:$0x2] =	stream.indirect.gather [hbm4b:s3+s19], $0x40, s20, s19, $0xb8;
	[tilespmem:$0x18200] =	vst v63  }
0xb2: {  	v1 =	vld [tilespmem:s26+$0x9200];
	_ =	sdelay $0x4  }
0xb3: {  	[tilespmem:$0x80] =	vst v1  }
0xb4: {  	v1 =	vld [tilespmem:s26+$0x9210];
	_ =	sdelay $0x4  }
0xb5: {  	[tilespmem:$0x90] =	vst v1  }
0xb6: {  	v1 =	vld [tilespmem:s26+$0x9220];
	_ =	sdelay $0x4  }
0xb7: {  	[tilespmem:$0xA0] =	vst v1  }
0xb8: {  	v1 =	vld [tilespmem:s26+$0x9230];
	_ =	sdelay $0x4  }
0xb9: {  	[tilespmem:$0xB0] =	vst v1  }
0xba: {  	v1 =	vld [tilespmem:s26+$0x9240];
	_ =	sdelay $0x4  }
0xbb: {  	[tilespmem:$0xC0] =	vst v1  }
0xbc: {  	v1 =	vld [tilespmem:s26+$0x9250];
	_ =	sdelay $0x4  }
0xbd: {  	[tilespmem:$0xD0] =	vst v1  }
0xbe: {  	v1 =	vld [tilespmem:s26+$0x9260];
	_ =	sdelay $0x4  }
0xbf: {  	[tilespmem:$0xE0] =	vst v1  }
0xc0: {  	v1 =	vld [tilespmem:s26+$0x9270];
	_ =	sdelay $0x4  }
0xc1: {  	[tilespmem:$0xF0] =	vst v1  }
0xc2: {  	_ =	swait.ge [sflag:s22], $0x2000  }
0xc3: {  	[sflag:s22] =	ssyncset.done $0x0  }
0xc4: {  	[sflag:s22] =	ssyncadd.s32 $0xFFFFE000  }
0xc5: {  	[spmem:s4] =	stream.indirect.scatter.add.f32 [tilespmem:s15], [sflag:$0x3], $0x40, s19, s19, $0xb8;
	[tilespmem:$0x18200] =	vst v63  }
0xc6: {  	_ =	swait.ge [sflag:s16], $0x2000  }
0xc7: {  	p1 =	por $0x0, $0x0;
	[sflag:s16] =	ssyncset.done $0x0  }
0xc8: {  	s0 =	simm.s32 @!p1 $0x0;
	[sflag:s16] =	ssyncadd.s32 $0xFFFFE000  }
0xc9: {  	v1 =	vld @!p1 [tilespmem:s0+$0x4300];
	_ =	sdelay $0x4  }
0xca: {  	[tilespmem:$0x0] =	vst @!p1 v1  }
0xcb: {  	v1 =	vld @!p1 [tilespmem:s0+$0x4310];
	_ =	sdelay $0x4  }
0xcc: {  	[tilespmem:$0x10] =	vst @!p1 v1  }
0xcd: {  	v1 =	vld @!p1 [tilespmem:s0+$0x4320];
	_ =	sdelay $0x4  }
0xce: {  	[tilespmem:$0x20] =	vst @!p1 v1  }
0xcf: {  	v1 =	vld @!p1 [tilespmem:s0+$0x4330];
	_ =	sdelay $0x4  }
0xd0: {  	[tilespmem:$0x30] =	vst @!p1 v1  }
0xd1: {  	v1 =	vld @!p1 [tilespmem:s0+$0x4340];
	_ =	sdelay $0x4  }
0xd2: {  	[tilespmem:$0x40] =	vst @!p1 v1  }
0xd3: {  	v1 =	vld @!p1 [tilespmem:s0+$0x4350];
	_ =	sdelay $0x4  }
0xd4: {  	[tilespmem:$0x50] =	vst @!p1 v1  }
0xd5: {  	v1 =	vld @!p1 [tilespmem:s0+$0x4360];
	_ =	sdelay $0x4  }
0xd6: {  	[tilespmem:$0x60] =	vst @!p1 v1  }
0xd7: {  	v1 =	vld @!p1 [tilespmem:s0+$0x4370];
	_ =	sdelay $0x4  }
0xd8: {  	s28 =	simm.s32 @!p1 $0x0;
	s29 =	simm.s32 @!p1 $0x200;
	s0 =	simm.s32 @!p1 $0x80;
	[tilespmem:$0x70] =	vst @!p1 v1  }
0xd9: {  	[tilespmem:s29], [sflag:$0x1] =	stream.indirect.gather @!p1 [hbm4b:s3+s0], $0x40, s28, s0, $0xb8;
	[tilespmem:$0x18200] =	vst v63  }
0xda: {  	v1 =	vld [tilespmem:s26+$0x9280];
	_ =	sdelay $0x4  }
0xdb: {  	[tilespmem:$0x180] =	vst v1  }
0xdc: {  	v1 =	vld [tilespmem:s26+$0x9290];
	_ =	sdelay $0x4  }
0xdd: {  	[tilespmem:$0x190] =	vst v1  }
0xde: {  	v1 =	vld [tilespmem:s26+$0x92A0];
	_ =	sdelay $0x4  }
0xdf: {  	[tilespmem:$0x1A0] =	vst v1  }
0xe0: {  	v1 =	vld [tilespmem:s26+$0x92B0];
	_ =	sdelay $0x4  }
0xe1: {  	[tilespmem:$0x1B0] =	vst v1  }
0xe2: {  	v1 =	vld [tilespmem:s26+$0x92C0];
	_ =	sdelay $0x4  }
0xe3: {  	[tilespmem:$0x1C0] =	vst v1  }
0xe4: {  	v1 =	vld [tilespmem:s26+$0x92D0];
	_ =	sdelay $0x4  }
0xe5: {  	[tilespmem:$0x1D0] =	vst v1  }
0xe6: {  	v1 =	vld [tilespmem:s26+$0x92E0];
	_ =	sdelay $0x4  }
0xe7: {  	[tilespmem:$0x1E0] =	vst v1  }
0xe8: {  	v1 =	vld [tilespmem:s26+$0x92F0];
	_ =	sdelay $0x4  }
0xe9: {  	[tilespmem:$0x1F0] =	vst v1  }
0xea: {  	_ =	swait.ge [sflag:s23], $0x2000  }
0xeb: {  	[sflag:s23] =	ssyncset.done $0x0  }
0xec: {  	[sflag:s23] =	ssyncadd.s32 $0xFFFFE000  }
0xed: {  	[spmem:s4] =	stream.indirect.scatter.add.f32 [tilespmem:s21], [sflag:$0x3], $0x40, s24, s19, $0xb8;
	[tilespmem:$0x18200] =	vst v63  }
0xee: {  	_ =	swait.ge [sflag:s16], $0x2000  }
0xef: {  	s28 =	simm.s32 $0x800;
	s26 =	simm.s32 $0x400;
	[sflag:s16] =	ssyncset.done $0x0  }
.LBB2_8:
0xf0: {  	s29 =	sshra.s32 s26, $0x2  }
0xf1: {  	[sflag:s16] =	ssyncadd.s32 $0xFFFFE000;
	s30 =	smov.u32 s28;
	s28 =	sadd.s32 $0x400, s28  }
0xf2: {  	p1 =	sne.s32 s28, $0x14000;
	v1 =	vld [tilespmem:s29+$0x4280];
	_ =	sdelay $0x4  }
0xf3: {  	[tilespmem:$0x100] =	vst v1  }
0xf4: {  	v1 =	vld [tilespmem:s29+$0x4290];
	_ =	sdelay $0x4  }
0xf5: {  	[tilespmem:$0x110] =	vst v1  }
0xf6: {  	v1 =	vld [tilespmem:s29+$0x42A0];
	_ =	sdelay $0x4  }
0xf7: {  	[tilespmem:$0x120] =	vst v1  }
0xf8: {  	v1 =	vld [tilespmem:s29+$0x42B0];
	_ =	sdelay $0x4  }
0xf9: {  	[tilespmem:$0x130] =	vst v1  }
0xfa: {  	v1 =	vld [tilespmem:s29+$0x42C0];
	_ =	sdelay $0x4  }
0xfb: {  	[tilespmem:$0x140] =	vst v1  }
0xfc: {  	v1 =	vld [tilespmem:s29+$0x42D0];
	_ =	sdelay $0x4  }
0xfd: {  	[tilespmem:$0x150] =	vst v1  }
0xfe: {  	v1 =	vld [tilespmem:s29+$0x42E0];
	_ =	sdelay $0x4  }
0xff: {  	[tilespmem:$0x160] =	vst v1  }
0x100: {  	v1 =	vld [tilespmem:s29+$0x42F0];
	_ =	sdelay $0x4  }
0x101: {  	[tilespmem:$0x170] =	vst v1  }
0x102: {  	[tilespmem:s21], [sflag:$0x2] =	stream.indirect.gather [hbm4b:s3+s19], $0x40, s20, s19, $0xb8;
	[tilespmem:$0x18200] =	vst v63  }
0x103: {  	v1 =	vld [tilespmem:s29+$0x9200];
	_ =	sdelay $0x4  }
0x104: {  	[tilespmem:$0x80] =	vst v1  }
0x105: {  	v1 =	vld [tilespmem:s29+$0x9210];
	_ =	sdelay $0x4  }
0x106: {  	[tilespmem:$0x90] =	vst v1  }
0x107: {  	v1 =	vld [tilespmem:s29+$0x9220];
	_ =	sdelay $0x4  }
0x108: {  	[tilespmem:$0xA0] =	vst v1  }
0x109: {  	v1 =	vld [tilespmem:s29+$0x9230];
	_ =	sdelay $0x4  }
0x10a: {  	[tilespmem:$0xB0] =	vst v1  }
0x10b: {  	v1 =	vld [tilespmem:s29+$0x9240];
	_ =	sdelay $0x4  }
0x10c: {  	[tilespmem:$0xC0] =	vst v1  }
0x10d: {  	v1 =	vld [tilespmem:s29+$0x9250];
	_ =	sdelay $0x4  }
0x10e: {  	[tilespmem:$0xD0] =	vst v1  }
0x10f: {  	v1 =	vld [tilespmem:s29+$0x9260];
	_ =	sdelay $0x4  }
0x110: {  	[tilespmem:$0xE0] =	vst v1  }
0x111: {  	v1 =	vld [tilespmem:s29+$0x9270];
	_ =	sdelay $0x4  }
0x112: {  	[tilespmem:$0xF0] =	vst v1  }
0x113: {  	_ =	swait.ge [sflag:s22], $0x2000  }
0x114: {  	[sflag:s22] =	ssyncset.done $0x0  }
0x115: {  	[sflag:s22] =	ssyncadd.s32 $0xFFFFE000  }
0x116: {  	[spmem:s4] =	stream.indirect.scatter.add.f32 [tilespmem:s15], [sflag:$0x3], $0x40, s19, s19, $0xb8;
	[tilespmem:$0x18200] =	vst v63  }
0x117: {  	_ =	swait.ge [sflag:s16], $0x2000  }
0x118: {  	p2 =	seq.s32 s26, $0x13C00;
	[sflag:s16] =	ssyncset.done $0x0  }
0x119: {  	s0 =	sshra.s32 @!p2 s26, $0x2;
	s26 =	smov.u32 s30;
	[sflag:s16] =	ssyncadd.s32 $0xFFFFE000  }
0x11a: {  	v1 =	vld @!p2 [tilespmem:s0+$0x4300];
	_ =	sdelay $0x4  }
0x11b: {  	[tilespmem:$0x0] =	vst @!p2 v1  }
0x11c: {  	v1 =	vld @!p2 [tilespmem:s0+$0x4310];
	_ =	sdelay $0x4  }
0x11d: {  	[tilespmem:$0x10] =	vst @!p2 v1  }
0x11e: {  	v1 =	vld @!p2 [tilespmem:s0+$0x4320];
	_ =	sdelay $0x4  }
0x11f: {  	[tilespmem:$0x20] =	vst @!p2 v1  }
0x120: {  	v1 =	vld @!p2 [tilespmem:s0+$0x4330];
	_ =	sdelay $0x4  }
0x121: {  	[tilespmem:$0x30] =	vst @!p2 v1  }
0x122: {  	v1 =	vld @!p2 [tilespmem:s0+$0x4340];
	_ =	sdelay $0x4  }
0x123: {  	[tilespmem:$0x40] =	vst @!p2 v1  }
0x124: {  	v1 =	vld @!p2 [tilespmem:s0+$0x4350];
	_ =	sdelay $0x4  }
0x125: {  	[tilespmem:$0x50] =	vst @!p2 v1  }
0x126: {  	v1 =	vld @!p2 [tilespmem:s0+$0x4360];
	_ =	sdelay $0x4  }
0x127: {  	[tilespmem:$0x60] =	vst @!p2 v1  }
0x128: {  	v1 =	vld @!p2 [tilespmem:s0+$0x4370];
	_ =	sdelay $0x4  }
0x129: {  	s30 =	simm.s32 @!p2 $0x0;
	s31 =	simm.s32 @!p2 $0x200;
	s0 =	simm.s32 @!p2 $0x80;
	[tilespmem:$0x70] =	vst @!p2 v1  }
0x12a: {  	[tilespmem:s31], [sflag:$0x1] =	stream.indirect.gather @!p2 [hbm4b:s3+s0], $0x40, s30, s0, $0xb8;
	[tilespmem:$0x18200] =	vst v63  }
0x12b: {  	v1 =	vld [tilespmem:s29+$0x9280];
	_ =	sdelay $0x4  }
0x12c: {  	[tilespmem:$0x180] =	vst v1  }
0x12d: {  	v1 =	vld [tilespmem:s29+$0x9290];
	_ =	sdelay $0x4  }
0x12e: {  	[tilespmem:$0x190] =	vst v1  }
0x12f: {  	v1 =	vld [tilespmem:s29+$0x92A0];
	_ =	sdelay $0x4  }
0x130: {  	[tilespmem:$0x1A0] =	vst v1  }
0x131: {  	v1 =	vld [tilespmem:s29+$0x92B0];
	_ =	sdelay $0x4  }
0x132: {  	[tilespmem:$0x1B0] =	vst v1  }
0x133: {  	v1 =	vld [tilespmem:s29+$0x92C0];
	_ =	sdelay $0x4  }
0x134: {  	[tilespmem:$0x1C0] =	vst v1  }
0x135: {  	v1 =	vld [tilespmem:s29+$0x92D0];
	_ =	sdelay $0x4  }
0x136: {  	[tilespmem:$0x1D0] =	vst v1  }
0x137: {  	v1 =	vld [tilespmem:s29+$0x92E0];
	_ =	sdelay $0x4  }
0x138: {  	[tilespmem:$0x1E0] =	vst v1  }
0x139: {  	v1 =	vld [tilespmem:s29+$0x92F0];
	_ =	sdelay $0x4  }
0x13a: {  	[tilespmem:$0x1F0] =	vst v1  }
0x13b: {  	_ =	swait.ge [sflag:s23], $0x2000  }
.Ltmp4:
0x13c: {  	[sflag:s23] =	ssyncset.done $0x0;
	(pc) =	sbr.rel @p1 .LBB2_8-.Ltmp4, $4  }
0x13d: {  	[sflag:s23] =	ssyncadd.s32 $0xFFFFE000  }
0x13e: {  	[spmem:s4] =	stream.indirect.scatter.add.f32 [tilespmem:s21], [sflag:$0x3], $0x40, s24, s19, $0xb8;
	[tilespmem:$0x18200] =	vst v63  }
0x13f: {  	_ =	swait.ge [sflag:s16], $0x2000  }
0x140: {  	[sflag:s16] =	ssyncset.done $0x0  }
0x141: {  	s28 =	sshra.s32 s26, $0x2;
	[sflag:s16] =	ssyncadd.s32 $0xFFFFE000  }
0x142: {  	v1 =	vld [tilespmem:s28+$0x4280];
	_ =	sdelay $0x4  }
0x143: {  	[tilespmem:$0x100] =	vst v1  }
0x144: {  	v1 =	vld [tilespmem:s28+$0x4290];
	_ =	sdelay $0x4  }
0x145: {  	[tilespmem:$0x110] =	vst v1  }
0x146: {  	v1 =	vld [tilespmem:s28+$0x42A0];
	_ =	sdelay $0x4  }
0x147: {  	[tilespmem:$0x120] =	vst v1  }
0x148: {  	v1 =	vld [tilespmem:s28+$0x42B0];
	_ =	sdelay $0x4  }
0x149: {  	[tilespmem:$0x130] =	vst v1  }
0x14a: {  	v1 =	vld [tilespmem:s28+$0x42C0];
	_ =	sdelay $0x4  }
0x14b: {  	[tilespmem:$0x140] =	vst v1  }
0x14c: {  	v1 =	vld [tilespmem:s28+$0x42D0];
	_ =	sdelay $0x4  }
0x14d: {  	[tilespmem:$0x150] =	vst v1  }
0x14e: {  	v1 =	vld [tilespmem:s28+$0x42E0];
	_ =	sdelay $0x4  }
0x14f: {  	[tilespmem:$0x160] =	vst v1  }
0x150: {  	v1 =	vld [tilespmem:s28+$0x42F0];
	_ =	sdelay $0x4  }
0x151: {  	[tilespmem:$0x170] =	vst v1  }
0x152: {  	[tilespmem:s21], [sflag:$0x2] =	stream.indirect.gather [hbm4b:s3+s19], $0x40, s20, s19, $0xb8;
	[tilespmem:$0x18200] =	vst v63  }
0x153: {  	v1 =	vld [tilespmem:s28+$0x9200];
	_ =	sdelay $0x4  }
0x154: {  	[tilespmem:$0x80] =	vst v1  }
0x155: {  	v1 =	vld [tilespmem:s28+$0x9210];
	_ =	sdelay $0x4  }
0x156: {  	[tilespmem:$0x90] =	vst v1  }
0x157: {  	v1 =	vld [tilespmem:s28+$0x9220];
	_ =	sdelay $0x4  }
0x158: {  	[tilespmem:$0xA0] =	vst v1  }
0x159: {  	v1 =	vld [tilespmem:s28+$0x9230];
	_ =	sdelay $0x4  }
0x15a: {  	[tilespmem:$0xB0] =	vst v1  }
0x15b: {  	v1 =	vld [tilespmem:s28+$0x9240];
	_ =	sdelay $0x4  }
0x15c: {  	[tilespmem:$0xC0] =	vst v1  }
0x15d: {  	v1 =	vld [tilespmem:s28+$0x9250];
	_ =	sdelay $0x4  }
0x15e: {  	[tilespmem:$0xD0] =	vst v1  }
0x15f: {  	v1 =	vld [tilespmem:s28+$0x9260];
	_ =	sdelay $0x4  }
0x160: {  	[tilespmem:$0xE0] =	vst v1  }
0x161: {  	v1 =	vld [tilespmem:s28+$0x9270];
	_ =	sdelay $0x4  }
0x162: {  	[tilespmem:$0xF0] =	vst v1  }
0x163: {  	_ =	swait.ge [sflag:s22], $0x2000  }
0x164: {  	[sflag:s22] =	ssyncset.done $0x0  }
0x165: {  	[sflag:s22] =	ssyncadd.s32 $0xFFFFE000  }
0x166: {  	[spmem:s4] =	stream.indirect.scatter.add.f32 [tilespmem:s15], [sflag:$0x3], $0x40, s19, s19, $0xb8;
	[tilespmem:$0x18200] =	vst v63  }
0x167: {  	_ =	swait.ge [sflag:s16], $0x2000  }
0x168: {  	p1 =	seq.s32 s26, $0x13C00;
	[sflag:s16] =	ssyncset.done $0x0  }
0x169: {  	s0 =	sshra.s32 @!p1 s26, $0x2;
	[sflag:s16] =	ssyncadd.s32 $0xFFFFE000  }
0x16a: {  	v1 =	vld @!p1 [tilespmem:s0+$0x4300];
	_ =	sdelay $0x4  }
0x16b: {  	[tilespmem:$0x0] =	vst @!p1 v1  }
0x16c: {  	v1 =	vld @!p1 [tilespmem:s0+$0x4310];
	_ =	sdelay $0x4  }
0x16d: {  	[tilespmem:$0x10] =	vst @!p1 v1  }
0x16e: {  	v1 =	vld @!p1 [tilespmem:s0+$0x4320];
	_ =	sdelay $0x4  }
0x16f: {  	[tilespmem:$0x20] =	vst @!p1 v1  }
0x170: {  	v1 =	vld @!p1 [tilespmem:s0+$0x4330];
	_ =	sdelay $0x4  }
0x171: {  	[tilespmem:$0x30] =	vst @!p1 v1  }
0x172: {  	v1 =	vld @!p1 [tilespmem:s0+$0x4340];
	_ =	sdelay $0x4  }
0x173: {  	[tilespmem:$0x40] =	vst @!p1 v1  }
0x174: {  	v1 =	vld @!p1 [tilespmem:s0+$0x4350];
	_ =	sdelay $0x4  }
0x175: {  	[tilespmem:$0x50] =	vst @!p1 v1  }
0x176: {  	v1 =	vld @!p1 [tilespmem:s0+$0x4360];
	_ =	sdelay $0x4  }
0x177: {  	[tilespmem:$0x60] =	vst @!p1 v1  }
0x178: {  	v1 =	vld @!p1 [tilespmem:s0+$0x4370];
	_ =	sdelay $0x4  }
0x179: {  	s26 =	simm.s32 @!p1 $0x0;
	s29 =	simm.s32 @!p1 $0x200;
	s0 =	simm.s32 @!p1 $0x80;
	[tilespmem:$0x70] =	vst @!p1 v1  }
0x17a: {  	[tilespmem:s29], [sflag:$0x1] =	stream.indirect.gather @!p1 [hbm4b:s3+s0], $0x40, s26, s0, $0xb8;
	[tilespmem:$0x18200] =	vst v63  }
0x17b: {  	v1 =	vld [tilespmem:s28+$0x9280];
	_ =	sdelay $0x4  }
0x17c: {  	[tilespmem:$0x180] =	vst v1  }
0x17d: {  	v1 =	vld [tilespmem:s28+$0x9290];
	_ =	sdelay $0x4  }
0x17e: {  	[tilespmem:$0x190] =	vst v1  }
0x17f: {  	v1 =	vld [tilespmem:s28+$0x92A0];
	_ =	sdelay $0x4  }
0x180: {  	[tilespmem:$0x1A0] =	vst v1  }
0x181: {  	v1 =	vld [tilespmem:s28+$0x92B0];
	_ =	sdelay $0x4  }
0x182: {  	[tilespmem:$0x1B0] =	vst v1  }
0x183: {  	v1 =	vld [tilespmem:s28+$0x92C0];
	_ =	sdelay $0x4  }
0x184: {  	[tilespmem:$0x1C0] =	vst v1  }
0x185: {  	v1 =	vld [tilespmem:s28+$0x92D0];
	_ =	sdelay $0x4  }
0x186: {  	[tilespmem:$0x1D0] =	vst v1  }
0x187: {  	v1 =	vld [tilespmem:s28+$0x92E0];
	_ =	sdelay $0x4  }
0x188: {  	[tilespmem:$0x1E0] =	vst v1  }
0x189: {  	v1 =	vld [tilespmem:s28+$0x92F0];
	_ =	sdelay $0x4  }
0x18a: {  	[tilespmem:$0x1F0] =	vst v1  }
0x18b: {  	_ =	swait.ge [sflag:s23], $0x2000  }
0x18c: {  	[sflag:s23] =	ssyncset.done $0x0  }
.Ltmp5:
0x18d: {  	[sflag:s23] =	ssyncadd.s32 $0xFFFFE000;
	(pc) =	sbr.rel .LBB2_10-.Ltmp5, $4  }
0x18e: {  	[spmem:s4] =	stream.indirect.scatter.add.f32 [tilespmem:s21], [sflag:$0x3], $0x40, s24, s19, $0xb8;
	[tilespmem:$0x18200] =	vst v63  }
0x18f: {  	_ =	swait.ge [sflag:s16], $0x2000  }
0x190: {  	[sflag:s16] =	ssyncset.done $0x0  }
0x191: {  	[sflag:s16] =	ssyncadd.s32 $0xFFFFE000  }
.LBB2_4:
0x192: {  	s26 =	simm.s32 $0x0;
	s31 =	simm.s32 $0x0  }
0x193: {  	[tilespmem:s15], [sflag:$0x1] =	stream.indirect.gather [hbm4b:s1+s19], $0x40, s26, s19, $0xb8;
	[tilespmem:$0x18200] =	vst v63  }
0x194: {  	v1 =	vld [tilespmem:s31+$0x4280];
	_ =	sdelay $0x4  }
0x195: {  	[tilespmem:$0x100] =	vst v1  }
0x196: {  	v1 =	vld [tilespmem:s31+$0x4290];
	_ =	sdelay $0x4  }
0x197: {  	[tilespmem:$0x110] =	vst v1  }
0x198: {  	v1 =	vld [tilespmem:s31+$0x42A0];
	_ =	sdelay $0x4  }
0x199: {  	[tilespmem:$0x120] =	vst v1  }
0x19a: {  	v1 =	vld [tilespmem:s31+$0x42B0];
	_ =	sdelay $0x4  }
0x19b: {  	[tilespmem:$0x130] =	vst v1  }
0x19c: {  	v1 =	vld [tilespmem:s31+$0x42C0];
	_ =	sdelay $0x4  }
0x19d: {  	[tilespmem:$0x140] =	vst v1  }
0x19e: {  	v1 =	vld [tilespmem:s31+$0x42D0];
	_ =	sdelay $0x4  }
0x19f: {  	[tilespmem:$0x150] =	vst v1  }
0x1a0: {  	v1 =	vld [tilespmem:s31+$0x42E0];
	_ =	sdelay $0x4  }
0x1a1: {  	[tilespmem:$0x160] =	vst v1  }
0x1a2: {  	v1 =	vld [tilespmem:s31+$0x42F0];
	_ =	sdelay $0x4  }
0x1a3: {  	[tilespmem:$0x170] =	vst v1  }
0x1a4: {  	[tilespmem:s21], [sflag:$0x2] =	stream.indirect.gather [hbm4b:s1+s19], $0x40, s20, s19, $0xb8;
	[tilespmem:$0x18200] =	vst v63  }
0x1a5: {  	v1 =	vld [tilespmem:s31+$0x9200];
	_ =	sdelay $0x4  }
0x1a6: {  	[tilespmem:$0x80] =	vst v1  }
0x1a7: {  	v1 =	vld [tilespmem:s31+$0x9210];
	_ =	sdelay $0x4  }
0x1a8: {  	[tilespmem:$0x90] =	vst v1  }
0x1a9: {  	v1 =	vld [tilespmem:s31+$0x9220];
	_ =	sdelay $0x4  }
0x1aa: {  	[tilespmem:$0xA0] =	vst v1  }
0x1ab: {  	v1 =	vld [tilespmem:s31+$0x9230];
	_ =	sdelay $0x4  }
0x1ac: {  	[tilespmem:$0xB0] =	vst v1  }
0x1ad: {  	v1 =	vld [tilespmem:s31+$0x9240];
	_ =	sdelay $0x4  }
0x1ae: {  	[tilespmem:$0xC0] =	vst v1  }
0x1af: {  	v1 =	vld [tilespmem:s31+$0x9250];
	_ =	sdelay $0x4  }
0x1b0: {  	[tilespmem:$0xD0] =	vst v1  }
0x1b1: {  	v1 =	vld [tilespmem:s31+$0x9260];
	_ =	sdelay $0x4  }
0x1b2: {  	[tilespmem:$0xE0] =	vst v1  }
0x1b3: {  	v1 =	vld [tilespmem:s31+$0x9270];
	_ =	sdelay $0x4  }
0x1b4: {  	[tilespmem:$0xF0] =	vst v1  }
0x1b5: {  	_ =	swait.ge [sflag:s22], $0x2000  }
0x1b6: {  	[sflag:s22] =	ssyncset.done $0x0  }
0x1b7: {  	[sflag:s22] =	ssyncadd.s32 $0xFFFFE000  }
0x1b8: {  	[spmem:s4] =	stream.indirect.scatter.add.f32 [tilespmem:s15], [sflag:$0x3], $0x40, s19, s19, $0xb8;
	[tilespmem:$0x18200] =	vst v63  }
0x1b9: {  	_ =	swait.ge [sflag:s16], $0x2000  }
0x1ba: {  	p1 =	por $0x0, $0x0;
	[sflag:s16] =	ssyncset.done $0x0  }
0x1bb: {  	s28 =	simm.s32 @!p1 $0x0;
	[sflag:s16] =	ssyncadd.s32 $0xFFFFE000  }
0x1bc: {  	v1 =	vld @!p1 [tilespmem:s28+$0x4300];
	_ =	sdelay $0x4  }
0x1bd: {  	[tilespmem:$0x0] =	vst @!p1 v1  }
0x1be: {  	v1 =	vld @!p1 [tilespmem:s28+$0x4310];
	_ =	sdelay $0x4  }
0x1bf: {  	[tilespmem:$0x10] =	vst @!p1 v1  }
0x1c0: {  	v1 =	vld @!p1 [tilespmem:s28+$0x4320];
	_ =	sdelay $0x4  }
0x1c1: {  	[tilespmem:$0x20] =	vst @!p1 v1  }
0x1c2: {  	v1 =	vld @!p1 [tilespmem:s28+$0x4330];
	_ =	sdelay $0x4  }
0x1c3: {  	[tilespmem:$0x30] =	vst @!p1 v1  }
0x1c4: {  	v1 =	vld @!p1 [tilespmem:s28+$0x4340];
	_ =	sdelay $0x4  }
0x1c5: {  	[tilespmem:$0x40] =	vst @!p1 v1  }
0x1c6: {  	v1 =	vld @!p1 [tilespmem:s28+$0x4350];
	_ =	sdelay $0x4  }
0x1c7: {  	[tilespmem:$0x50] =	vst @!p1 v1  }
0x1c8: {  	v1 =	vld @!p1 [tilespmem:s28+$0x4360];
	_ =	sdelay $0x4  }
0x1c9: {  	[tilespmem:$0x60] =	vst @!p1 v1  }
0x1ca: {  	v1 =	vld @!p1 [tilespmem:s28+$0x4370];
	_ =	sdelay $0x4  }
0x1cb: {  	s29 =	simm.s32 @!p1 $0x0;
	s30 =	simm.s32 @!p1 $0x200;
	s28 =	simm.s32 @!p1 $0x80;
	[tilespmem:$0x70] =	vst @!p1 v1  }
0x1cc: {  	[tilespmem:s30], [sflag:$0x1] =	stream.indirect.gather @!p1 [hbm4b:s1+s28], $0x40, s29, s28, $0xb8;
	[tilespmem:$0x18200] =	vst v63  }
0x1cd: {  	v1 =	vld [tilespmem:s31+$0x9280];
	_ =	sdelay $0x4  }
0x1ce: {  	[tilespmem:$0x180] =	vst v1  }
0x1cf: {  	v1 =	vld [tilespmem:s31+$0x9290];
	_ =	sdelay $0x4  }
0x1d0: {  	[tilespmem:$0x190] =	vst v1  }
0x1d1: {  	v1 =	vld [tilespmem:s31+$0x92A0];
	_ =	sdelay $0x4  }
0x1d2: {  	[tilespmem:$0x1A0] =	vst v1  }
0x1d3: {  	v1 =	vld [tilespmem:s31+$0x92B0];
	_ =	sdelay $0x4  }
0x1d4: {  	[tilespmem:$0x1B0] =	vst v1  }
0x1d5: {  	v1 =	vld [tilespmem:s31+$0x92C0];
	_ =	sdelay $0x4  }
0x1d6: {  	[tilespmem:$0x1C0] =	vst v1  }
0x1d7: {  	v1 =	vld [tilespmem:s31+$0x92D0];
	_ =	sdelay $0x4  }
0x1d8: {  	[tilespmem:$0x1D0] =	vst v1  }
0x1d9: {  	v1 =	vld [tilespmem:s31+$0x92E0];
	_ =	sdelay $0x4  }
0x1da: {  	[tilespmem:$0x1E0] =	vst v1  }
0x1db: {  	v1 =	vld [tilespmem:s31+$0x92F0];
	_ =	sdelay $0x4  }
0x1dc: {  	[tilespmem:$0x1F0] =	vst v1  }
0x1dd: {  	_ =	swait.ge [sflag:s23], $0x2000  }
0x1de: {  	[sflag:s23] =	ssyncset.done $0x0  }
0x1df: {  	[sflag:s23] =	ssyncadd.s32 $0xFFFFE000  }
0x1e0: {  	[spmem:s4] =	stream.indirect.scatter.add.f32 [tilespmem:s21], [sflag:$0x3], $0x40, s24, s19, $0xb8;
	[tilespmem:$0x18200] =	vst v63  }
0x1e1: {  	_ =	swait.ge [sflag:s16], $0x2000  }
0x1e2: {  	s26 =	simm.s32 $0x400;
	s28 =	simm.s32 $0x800;
	[sflag:s16] =	ssyncset.done $0x0  }
.LBB2_5:
0x1e3: {  	s29 =	sshra.s32 s26, $0x2  }
0x1e4: {  	[sflag:s16] =	ssyncadd.s32 $0xFFFFE000;
	s30 =	smov.u32 s28;
	s28 =	sadd.s32 $0x400, s28  }
0x1e5: {  	p1 =	seq.s32 s28, $0x14000;
	v1 =	vld [tilespmem:s29+$0x4280];
	_ =	sdelay $0x4  }
0x1e6: {  	[tilespmem:$0x100] =	vst v1  }
0x1e7: {  	v1 =	vld [tilespmem:s29+$0x4290];
	_ =	sdelay $0x4  }
0x1e8: {  	[tilespmem:$0x110] =	vst v1  }
0x1e9: {  	v1 =	vld [tilespmem:s29+$0x42A0];
	_ =	sdelay $0x4  }
0x1ea: {  	[tilespmem:$0x120] =	vst v1  }
0x1eb: {  	v1 =	vld [tilespmem:s29+$0x42B0];
	_ =	sdelay $0x4  }
0x1ec: {  	[tilespmem:$0x130] =	vst v1  }
0x1ed: {  	v1 =	vld [tilespmem:s29+$0x42C0];
	_ =	sdelay $0x4  }
0x1ee: {  	[tilespmem:$0x140] =	vst v1  }
0x1ef: {  	v1 =	vld [tilespmem:s29+$0x42D0];
	_ =	sdelay $0x4  }
0x1f0: {  	[tilespmem:$0x150] =	vst v1  }
0x1f1: {  	v1 =	vld [tilespmem:s29+$0x42E0];
	_ =	sdelay $0x4  }
0x1f2: {  	[tilespmem:$0x160] =	vst v1  }
0x1f3: {  	v1 =	vld [tilespmem:s29+$0x42F0];
	_ =	sdelay $0x4  }
0x1f4: {  	[tilespmem:$0x170] =	vst v1  }
0x1f5: {  	[tilespmem:s21], [sflag:$0x2] =	stream.indirect.gather [hbm4b:s1+s19], $0x40, s20, s19, $0xb8;
	[tilespmem:$0x18200] =	vst v63  }
0x1f6: {  	v1 =	vld [tilespmem:s29+$0x9200];
	_ =	sdelay $0x4  }
0x1f7: {  	[tilespmem:$0x80] =	vst v1  }
0x1f8: {  	v1 =	vld [tilespmem:s29+$0x9210];
	_ =	sdelay $0x4  }
0x1f9: {  	[tilespmem:$0x90] =	vst v1  }
0x1fa: {  	v1 =	vld [tilespmem:s29+$0x9220];
	_ =	sdelay $0x4  }
0x1fb: {  	[tilespmem:$0xA0] =	vst v1  }
0x1fc: {  	v1 =	vld [tilespmem:s29+$0x9230];
	_ =	sdelay $0x4  }
0x1fd: {  	[tilespmem:$0xB0] =	vst v1  }
0x1fe: {  	v1 =	vld [tilespmem:s29+$0x9240];
	_ =	sdelay $0x4  }
0x1ff: {  	[tilespmem:$0xC0] =	vst v1  }
0x200: {  	v1 =	vld [tilespmem:s29+$0x9250];
	_ =	sdelay $0x4  }
0x201: {  	[tilespmem:$0xD0] =	vst v1  }
0x202: {  	v1 =	vld [tilespmem:s29+$0x9260];
	_ =	sdelay $0x4  }
0x203: {  	[tilespmem:$0xE0] =	vst v1  }
0x204: {  	v1 =	vld [tilespmem:s29+$0x9270];
	_ =	sdelay $0x4  }
0x205: {  	[tilespmem:$0xF0] =	vst v1  }
0x206: {  	_ =	swait.ge [sflag:s22], $0x2000  }
0x207: {  	[sflag:s22] =	ssyncset.done $0x0  }
0x208: {  	[sflag:s22] =	ssyncadd.s32 $0xFFFFE000  }
0x209: {  	[spmem:s4] =	stream.indirect.scatter.add.f32 [tilespmem:s15], [sflag:$0x3], $0x40, s19, s19, $0xb8;
	[tilespmem:$0x18200] =	vst v63  }
0x20a: {  	_ =	swait.ge [sflag:s16], $0x2000  }
0x20b: {  	p2 =	seq.s32 s26, $0x13C00;
	[sflag:s16] =	ssyncset.done $0x0  }
0x20c: {  	s31 =	sshra.s32 @!p2 s26, $0x2;
	s26 =	smov.u32 s30;
	[sflag:s16] =	ssyncadd.s32 $0xFFFFE000  }
0x20d: {  	v1 =	vld @!p2 [tilespmem:s31+$0x4300];
	_ =	sdelay $0x4  }
0x20e: {  	[tilespmem:$0x0] =	vst @!p2 v1  }
0x20f: {  	v1 =	vld @!p2 [tilespmem:s31+$0x4310];
	_ =	sdelay $0x4  }
0x210: {  	[tilespmem:$0x10] =	vst @!p2 v1  }
0x211: {  	v1 =	vld @!p2 [tilespmem:s31+$0x4320];
	_ =	sdelay $0x4  }
0x212: {  	[tilespmem:$0x20] =	vst @!p2 v1  }
0x213: {  	v1 =	vld @!p2 [tilespmem:s31+$0x4330];
	_ =	sdelay $0x4  }
0x214: {  	[tilespmem:$0x30] =	vst @!p2 v1  }
0x215: {  	v1 =	vld @!p2 [tilespmem:s31+$0x4340];
	_ =	sdelay $0x4  }
0x216: {  	[tilespmem:$0x40] =	vst @!p2 v1  }
0x217: {  	v1 =	vld @!p2 [tilespmem:s31+$0x4350];
	_ =	sdelay $0x4  }
0x218: {  	[tilespmem:$0x50] =	vst @!p2 v1  }
0x219: {  	v1 =	vld @!p2 [tilespmem:s31+$0x4360];
	_ =	sdelay $0x4  }
0x21a: {  	[tilespmem:$0x60] =	vst @!p2 v1  }
0x21b: {  	v1 =	vld @!p2 [tilespmem:s31+$0x4370];
	_ =	sdelay $0x4  }
0x21c: {  	s30 =	simm.s32 @!p2 $0x80;
	s0 =	simm.s32 @!p2 $0x200;
	s31 =	simm.s32 @!p2 $0x0;
	[tilespmem:$0x70] =	vst @!p2 v1  }
0x21d: {  	[tilespmem:s0], [sflag:$0x1] =	stream.indirect.gather @!p2 [hbm4b:s1+s30], $0x40, s31, s30, $0xb8;
	[tilespmem:$0x18200] =	vst v63  }
0x21e: {  	v1 =	vld [tilespmem:s29+$0x9280];
	_ =	sdelay $0x4  }
0x21f: {  	[tilespmem:$0x180] =	vst v1  }
0x220: {  	v1 =	vld [tilespmem:s29+$0x9290];
	_ =	sdelay $0x4  }
0x221: {  	[tilespmem:$0x190] =	vst v1  }
0x222: {  	v1 =	vld [tilespmem:s29+$0x92A0];
	_ =	sdelay $0x4  }
0x223: {  	[tilespmem:$0x1A0] =	vst v1  }
0x224: {  	v1 =	vld [tilespmem:s29+$0x92B0];
	_ =	sdelay $0x4  }
0x225: {  	[tilespmem:$0x1B0] =	vst v1  }
0x226: {  	v1 =	vld [tilespmem:s29+$0x92C0];
	_ =	sdelay $0x4  }
0x227: {  	[tilespmem:$0x1C0] =	vst v1  }
0x228: {  	v1 =	vld [tilespmem:s29+$0x92D0];
	_ =	sdelay $0x4  }
0x229: {  	[tilespmem:$0x1D0] =	vst v1  }
0x22a: {  	v1 =	vld [tilespmem:s29+$0x92E0];
	_ =	sdelay $0x4  }
0x22b: {  	[tilespmem:$0x1E0] =	vst v1  }
0x22c: {  	v1 =	vld [tilespmem:s29+$0x92F0];
	_ =	sdelay $0x4  }
0x22d: {  	[tilespmem:$0x1F0] =	vst v1  }
0x22e: {  	_ =	swait.ge [sflag:s23], $0x2000  }
.Ltmp6:
0x22f: {  	[sflag:s23] =	ssyncset.done $0x0;
	(pc) =	sbr.rel @!p1 .LBB2_5-.Ltmp6, $4  }
0x230: {  	[sflag:s23] =	ssyncadd.s32 $0xFFFFE000  }
0x231: {  	[spmem:s4] =	stream.indirect.scatter.add.f32 [tilespmem:s21], [sflag:$0x3], $0x40, s24, s19, $0xb8;
	[tilespmem:$0x18200] =	vst v63  }
0x232: {  	_ =	swait.ge [sflag:s16], $0x2000  }
0x233: {  	[sflag:s16] =	ssyncset.done $0x0  }
.Ltmp7:
0x234: {  	_ = 	snop;
	(pc) =	sbr.rel .LBB2_6-.Ltmp7, $1  }
0x235: {  	_ =	sdelay $0x3  }
.LBB2_11:
0x236: {  	_ =	sfence.sel $0x180000  }
0x237: {  	[bflag:$0x0] =	sbarrier.arrive $0xFFFF  }
0x238: {  	_ =	strace $0x90000047  }
0x239: {  	[bflag:$0x2] =	sbarrier.arrive $0xFFFF  }
0x23a: {  	p0 =	sne.s32 s2, $0x0;
	s0 =	rddreg [dreg:$0x4]  }
0x23b: {  	s0 =	sadd.s32 @!p0 $0x100000, s0  }
0x23c: {  	[sflag:s0] =	ssyncadd.tile.s32 @!p0 $0x1;
	_ =	shalt  }
.Lfunc_end2:
_tile_overlayer_lowered:
.L_overlay_start_2:
0x23d: {  	(tag) =	ssettag $0x2  }
0x23e: {  	s0 =	rddreg [dreg:$0x0];
	s2 =	stileid.u32  }
0x23f: {  	s1 =	rddreg [dreg:$0x1];
	p0 =	sne.s32 s2, $0x0  }
0x240: {  	s3 =	rddreg [dreg:$0x2];
	[bflag:$0x3] =	sbarrier.arrive $0xFFFF;
	s2 =	simm.s32 @!p0 $0x1C03  }
0x241: {  	[timem:s3], [sflag:s2] =	dma.local @!p0 [hbm:s0], s1  }
0x242: {  	s0 =	simm.s32 @!p0 $0x3  }
0x243: {  	_ =	swait.ge @!p0 [sflag:s0], s1  }
0x244: {  	s1 =	ssub.s32 @!p0 $0x0, s1;
	[sflag:s0] =	ssyncset.done @!p0 $0x0  }
0x245: {  	[sflag:s0] =	ssyncadd.s32 @!p0 s1  }
0x246: {  	[bflag:$0x3] =	sbarrier.arrive $0xFFFF  }
0x247: {  	_ =	shalt  }

// kernel: kernel.9.cloned.1.call-start
scs
__scs_entry_jumppad:
0x0: {  	(pc) =	sbr.rel $0x88, $3  }
0x1: {  	(tag) =	ssettag $0x0;
	lr =	simm.s32 $0x1  }
0x2: {  	[smem:$0x3F99] =	sst lr;
	_ =	strace $0xD0000000  }
0x3: {  	_ = 	snop  }
0x4: {  	_ = 	snop  }
0x5: {  	_ = 	snop  }
0x6: {  	_ = 	snop  }
0x7: {  	_ = 	snop  }
__scs_overlays_trampoline_lowered:
0x8: {  	[smem:$0x3FA8] =	sst s0  }
0x9: {  	[smem:$0x3FA9] =	sst s1  }
0xa: {  	[smem:$0x3FAA] =	sst s2  }
0xb: {  	[smem:$0x3FAB] =	sst s3  }
0xc: {  	[smem:$0x3FAC] =	sst s4  }
0xd: {  	[smem:$0x3FAD] =	sst s5  }
0xe: {  	[smem:$0x3FAE] =	sst s6  }
0xf: {  	[smem:$0x3FAF] =	sst s7  }
0x10: {  	[smem:$0x3FB0] =	sst s8  }
0x11: {  	[smem:$0x3FB1] =	sst s9;
	s0 =	simm.s32 @!p0 $0x0  }
0x12: {  	s1 =	sld [smem:$0x3F97];
	s0 =	simm.s32 @p0 $0x1  }
0x13: {  	[smem:$0x3FB2] =	sst s0;
	s0 =	simm.s32 @!p1 $0x0  }
0x14: {  	s2 =	sld [smem:$0x3F96];
	s0 =	simm.s32 @p1 $0x1  }
0x15: {  	[smem:$0x3FB3] =	sst s0;
	s0 =	simm.s32 @!p2 $0x0  }
0x16: {  	s3 =	sld [smem:$0x3FDB];
	s0 =	simm.s32 @p2 $0x1  }
0x17: {  	s4 =	simm.s32 $0x1BF5;
	[smem:$0x3FB5] =	sst s0  }
0x18: {  	s0 =	sld [smem:$0x3F98];
	_ =	swait.ge [sflag:s4], $0x0  }
0x19: {  	s7 =	sld [smem:$0x3F99]  }
0x1a: {  	s8 =	sadd.s32 $0xFFFFE003, lr  }
0x1b: {  	s9 =	sadd.s32 $0xFFFFFEF7, lr;
	s5 =	simm.s32 $0xFFFFFFFF;
	p2 =	slt.u32 s8, $0xFFFFF086  }
0x1c: {  	p1 =	slt.u32 s9, $0xF7A;
	s5 =	simm.s32 @!p2 $0x0  }
0x1d: {  	s5 =	simm.s32 @p1 $0x1;
	p0 =	seq.s32 s7, s2  }
0x1e: {  	s7 =	smul.u32 @!p0 $0xF7A, s2;
	p2 =	seq.s32 @!p0 s5, $0x0  }
0x1f: {  	s9 =	smul.u32 $0xF7A, s1;
	s8 =	simm.s32 @!p0 $0x1BF5;
	p2 =	por !p2, p0  }
0x20: {  	[sflag:s8] =	ssyncset.s32 @!p0 $0xFFFFF086;
	s6 =	sadd.s32 @!p0 s3, s7;
	s7 =	simm.s32 @!p0 $0x108  }
0x21: {  	s3 =	sadd.s32 s3, s9;
	s6 =	sadd.s32 @!p0 $0x88, s6;
	s7 =	simm.s32 @p2 $0x1082  }
0x22: {  	[simem:s7], [sflag:s8] =	dma.local @!p0 [hbm:s6], $0xF7A  }
0x23: {  	s9 =	sor.u32 $0xD0000000, s2;
	s6 =	simm.s32 $0x108;
	_ =	swait.ge @!p0 [sflag:s8], $0x0  }
0x24: {  	s3 =	sadd.s32 $0x88, s3;
	s6 =	simm.s32 @!p1 $0x1082;
	[sflag:s4] =	ssyncset.s32 $0xFFFFF086  }
0x25: {  	[simem:s6], [sflag:s4] =	dma.local [hbm:s3], $0xF7A  }
0x26: {  	[smem:$0x3F99] =	sst s1;
	(tag) =	ssettag s2;
	_ =	strace s9  }
0x27: {  	s1 =	sld [smem:$0x3FA9]  }
0x28: {  	s2 =	sld [smem:$0x3FAA]  }
0x29: {  	s4 =	sld [smem:$0x3FAC]  }
0x2a: {  	p0 =	seq.s32 s5, $0x0;
	s5 =	sld [smem:$0x3FAD]  }
0x2b: {  	s6 =	sld [smem:$0x3FAE]  }
0x2c: {  	s7 =	sld [smem:$0x3FAF]  }
0x2d: {  	s3 =	simm.s32 $0x108;
	s8 =	sld [smem:$0x3FB0]  }
0x2e: {  	s3 =	simm.s32 @!p0 $0x1082;
	s9 =	sld [smem:$0x3FB1]  }
0x2f: {  	lr =	sadd.s32 s0, s3;
	s0 =	sld [smem:$0x3FA8]  }
0x30: {  	s3 =	sld [smem:$0x3FAB]  }
0x31: {  	[smem:$0x3FB4] =	sst s10  }
0x32: {  	s10 =	sld [smem:$0x3FB2];
	_ =	sdelay $0x3  }
0x33: {  	p0 =	seq.s32 s10, $0x1;
	s10 =	sld [smem:$0x3FB4];
	_ =	sdelay $0x3  }
0x34: {  	[smem:$0x3FB4] =	sst s10  }
0x35: {  	s10 =	sld [smem:$0x3FB3];
	_ =	sdelay $0x3  }
0x36: {  	p1 =	seq.s32 s10, $0x1;
	s10 =	sld [smem:$0x3FB4];
	_ =	sdelay $0x3  }
0x37: {  	[smem:$0x3FB4] =	sst s10  }
0x38: {  	s10 =	sld [smem:$0x3FB5]  }
0x39: {  	_ = 	snop;
	(pc) =	sbr.ind lr, $3  }
0x3a: {  	_ = 	snop  }
0x3b: {  	_ = 	snop  }
0x3c: {  	p2 =	seq.s32 s10, $0x1;
	s10 =	sld [smem:$0x3FB4]  }
0x3d: {  	_ =	shalt  }
0x3e: {  	_ =	shalt  }
0x3f: {  	_ =	shalt  }
0x40: {  	_ =	shalt  }
0x41: {  	_ =	shalt  }
0x42: {  	_ =	shalt  }
0x43: {  	_ =	shalt  }
0x44: {  	_ =	shalt  }
0x45: {  	_ =	shalt  }
0x46: {  	_ =	shalt  }
0x47: {  	_ =	shalt  }
0x48: {  	_ =	shalt  }
0x49: {  	_ =	shalt  }
0x4a: {  	_ =	shalt  }
0x4b: {  	_ =	shalt  }
0x4c: {  	_ =	shalt  }
0x4d: {  	_ =	shalt  }
0x4e: {  	_ =	shalt  }
0x4f: {  	_ =	shalt  }
0x50: {  	_ =	shalt  }
0x51: {  	_ =	shalt  }
0x52: {  	_ =	shalt  }
0x53: {  	_ =	shalt  }
0x54: {  	_ =	shalt  }
0x55: {  	_ =	shalt  }
0x56: {  	_ =	shalt  }
0x57: {  	_ =	shalt  }
0x58: {  	_ =	shalt  }
0x59: {  	_ =	shalt  }
0x5a: {  	_ =	shalt  }
0x5b: {  	_ =	shalt  }
0x5c: {  	_ =	shalt  }
0x5d: {  	_ =	shalt  }
0x5e: {  	_ =	shalt  }
0x5f: {  	_ =	shalt  }
0x60: {  	_ =	shalt  }
0x61: {  	_ =	shalt  }
0x62: {  	_ =	shalt  }
0x63: {  	_ =	shalt  }
0x64: {  	_ =	shalt  }
0x65: {  	_ =	shalt  }
0x66: {  	_ =	shalt  }
0x67: {  	_ =	shalt  }
0x68: {  	_ =	shalt  }
0x69: {  	_ =	shalt  }
0x6a: {  	_ =	shalt  }
0x6b: {  	_ =	shalt  }
0x6c: {  	_ =	shalt  }
0x6d: {  	_ =	shalt  }
0x6e: {  	_ =	shalt  }
0x6f: {  	_ =	shalt  }
0x70: {  	_ =	shalt  }
0x71: {  	_ =	shalt  }
0x72: {  	_ =	shalt  }
0x73: {  	_ =	shalt  }
0x74: {  	_ =	shalt  }
0x75: {  	_ =	shalt  }
0x76: {  	_ =	shalt  }
0x77: {  	_ =	shalt  }
0x78: {  	_ =	shalt  }
0x79: {  	_ =	shalt  }
0x7a: {  	_ =	shalt  }
0x7b: {  	_ =	shalt  }
0x7c: {  	_ =	shalt  }
0x7d: {  	_ =	shalt  }
0x7e: {  	_ =	shalt  }
0x7f: {  	_ =	shalt  }
0x80: {  	_ =	shalt  }
0x81: {  	_ =	shalt  }
0x82: {  	_ =	shalt  }
0x83: {  	_ =	shalt  }
0x84: {  	_ =	shalt  }
0x85: {  	_ =	shalt  }
0x86: {  	_ =	shalt  }
0x87: {  	_ =	shalt  }
.Lfunc_end0:
.L_simem_size_0:
called_computation.1_lowered:
.L_overlay_start_0:
0x88: {  	s2 =	sld [smem:$0x3FD9]  }
0x89: {  	s3 =	sld [smem:$0x3FFE];
	_ =	sdelay $0x1  }
0x8a: {  	s1 =	srdreg.scid  }
0x8b: {  	s0 =	sand.u32 $0x1, s1  }
0x8c: {  	s15 =	sshll.u32 s0, $0xA;
	s2 =	sadd.s32 s3, s2  }
0x8d: {  	s2 =	sadd.s32 s2, s15  }
0x8e: {  	[smem:$0x3FC0] =	sst s2  }
0x8f: {  	_ = 	snop  }
0x90: {  	s2 =	sld [smem:$0x3FD0];
	_ =	sdelay $0x2  }
0x91: {  	s16 =	simm.s32 $0xB;
	s4 =	simm.s32 $0x10  }
0x92: {  	[smem:s4], [sflag:s16] =	dma.local [hbm:s2], $0x1  }
0x93: {  	_ =	swait.eq [sflag:s16], $0x1  }
0x94: {  	[sflag:s16] =	ssyncset.done $0x0  }
0x95: {  	[sflag:s16] =	ssyncadd.s32 $0xFFFFFFFF  }
0x96: {  	s17 =	sld [smem:$0x10];
	(tm) =	ssettm $0x1  }
0x97: {  	s18 =	sld [smem:$0x3FFB];
	_ =	sdelay $0x3  }
0x98: {  	_ =	strace s18  }
0x99: {  	s2 =	sld [smem:$0x3FFC];
	_ =	sdelay $0x3  }
0x9a: {  	_ =	strace s2  }
0x9b: {  	s2 =	sld [smem:$0x3FFD];
	_ =	sdelay $0x3  }
0x9c: {  	_ =	strace s2  }
0x9d: {  	_ =	strace $0x8FFFFFFF  }
0x9e: {  	s19 =	sld [smem:$0x3FDB];
	_ =	sdelay $0x1  }
0x9f: {  	s20 =	simm.s32 $_scs_section_size  }
0xa0: {  	s5 =	simm.s32 $_size__tile_overlayer_lowered;
	s6 =	simm.s32 $_tile_overlayer_lowered  }
0xa1: {  	s7 =	simm.s32 $0x1BFF;
	s21 =	sshll.u32 s6, $0x1;
	s4 =	sadd.s32 s20, s19  }
0xa2: {  	s22 =	simm.s32 $0x0;
	s5 =	sshll.u32 s5, $0x1;
	s6 =	sadd.s32 s21, s4  }
0xa3: {  	[timem:s22], [sflag:s7] =	dma.local [hbm:s6], s5  }
0xa4: {  	_ =	swait.ge [sflag:s7], s5  }
0xa5: {  	s5 =	ssub.s32 $0x0, s5;
	[sflag:s7] =	ssyncset.done $0x0  }
0xa6: {  	[sflag:s7] =	ssyncadd.s32 s5;
	_ =	sdelay $0x1  }
0xa7: {  	s23 =	simm.s32 $0x1B8B  }
0xa8: {  	_ =	swait.ge [sflag:s23], $0x1  }
0xa9: {  	[sflag:s23] =	ssyncset.done $0x0  }
0xaa: {  	[sflag:s23] =	ssyncadd.s32 $0xFFFFFFFF  }
0xab: {  	s5 =	sld [smem:$0x0]  }
0xac: {  	s6 =	sand.u32 $0xFFFFFFFE, s1  }
0xad: {  	p0 =	sne.s32 s1, s6  }
0xae: {  	s6 =	sshll.u32 @p0 s6, $0xE  }
0xaf: {  	s6 =	sadd.s32 @p0 $0x11B8D, s6;
	s7 =	sshll.u32 @p0 s5, $0x11  }
0xb0: {  	s6 =	sor.u32 @p0 s7, s6  }
0xb1: {  	[sflag:s6] =	ssyncadd.remote.s32 @p0 $0x1;
	_ =	sdelay $0x1  }
0xb2: {  	s6 =	simm.s32 @p0 $0x1B8D  }
0xb3: {  	_ =	swait.eq @p0 [sflag:s6], $0x1  }
0xb4: {  	[sflag:s6] =	ssyncadd.s32 @p0 $0xFFFFFFFF  }
0xb5: {  	s7 =	sshll.u32 @!p0 s1, $0xE  }
0xb6: {  	s7 =	sor.u32 @!p0 $0x4000, s7;
	s6 =	simm.s32 @!p0 $0x1B8D  }
0xb7: {  	s5 =	sshll.u32 @!p0 s5, $0x11;
	s7 =	sadd.s32 @!p0 $0x11B8D, s7;
	_ =	swait.eq @!p0 [sflag:s6], $0x1  }
0xb8: {  	s5 =	sor.u32 @!p0 s5, s7;
	[sflag:s6] =	ssyncadd.s32 @!p0 $0xFFFFFFFF  }
0xb9: {  	s25 =	simm.s32 $0x1B8E;
	s24 =	sld [smem:$0x3FFE];
	[sflag:s5] =	ssyncadd.remote.s32 @!p0 $0x1  }
0xba: {  	s26 =	simm.s32 $execute0_lowered;
	[smem:$0x3FD2] =	sst s25  }
0xbb: {  	s6 =	sshll.u32 s26, $0x1;
	_ =	strace $0x80000049;
	[dreg:$0x1] =	wrdreg $0xFFFFFFFF  }
0xbc: {  	s28 =	simm.s32 $_size_execute0_lowered;
	s4 =	sadd.s32 s4, s6;
	[dreg:$0x0] =	wrdreg $0x0  }
0xbd: {  	s6 =	sshll.u32 s28, $0x1;
	[dreg:$0x2] =	wrdreg s4  }
0xbe: {  	[dreg:$0x3] =	wrdreg s6  }
0xbf: {  	[dreg:$0x4] =	wrdreg $0xC0  }
0xc0: {  	_ =	task [dreg:s22], $0x5FFFF  }
0xc1: {  	[dreg:$0x1] =	wrdreg $0xFFFFFFFF  }
0xc2: {  	[dreg:$0x0] =	wrdreg $0x60  }
0xc3: {  	[dreg:$0x2] =	wrdreg s24  }
0xc4: {  	[dreg:$0x3] =	wrdreg s17  }
0xc5: {  	[dreg:$0x4] =	wrdreg $0xD0800  }
0xc6: {  	[dreg:$0x5] =	wrdreg $0xA  }
0xc7: {  	_ =	task.clear_ibuf [dreg:s22], $0x6FFFF;
	_ =	strace $0x90000049  }
0xc8: {  	s29 =	simm.s32 $0xA;
	_ =	strace $0x8000004B  }
0xc9: {  	_ =	swait.ge [sflag:s29], $0x1  }
0xca: {  	[sflag:s29] =	ssyncadd.s32 $0xFFFFFFFF  }
0xcb: {  	_ =	strace $0x9000004B  }
0xcc: {  	_ =	sfence  }
0xcd: {  	s30 =	sld [smem:$0x0];
	_ =	sdelay $0x2  }
0xce: {  	s31 =	sshll.u32 s1, $0xD;
	s1 =	sshrl.u32 s1, $0x2  }
0xcf: {  	s4 =	sand.u32 $0x4000, s31;
	s1 =	sadd.s32 s1, s30  }
0xd0: {  	s0 =	sor.u32 s4, s0;
	s1 =	sshll.u32 s1, $0x11  }
0xd1: {  	s0 =	sor.u32 s1, s0  }
0xd2: {  	s0 =	sadd.s32 $0x8F2B, s0  }
0xd3: {  	[sflag:s0] =	ssyncadd.remote.s32 $0x1  }
0xd4: {  	_ =	sfence.sel $0xFFFF  }
0xd5: {  	[dreg:$0x0] =	wrdreg $0xFFFFFFFF;
	(pc) =	sbr.abs _section_cstart, $3  }
0xd6: {  	[dreg:$0x1] =	wrdreg $0xFFFFFFFF  }
0xd7: {  	_ =	task.clear_ibuf [dreg:s22], $0x2FFFF;
	_ =	strace $0x9FFFFFFF  }
0xd8: {  	(tm) =	ssettm $0x7FFFFFFF  }
0xd9: {  	_ =	shalt  }
tec
execute0_lowered:
.L_overlay_start_1:
0x0: {  	(tag) =	ssettag $0x1  }
0x1: {  	s4 =	rddreg [dreg:$0x0]  }
0x2: {  	s1 =	srdreg.scid;
	s11 =	rddreg [dreg:$0x1]  }
0x3: {  	s0 =	stileid.u32;
	s2 =	rddreg [dreg:$0x2]  }
0x4: {  	s15 =	simm.s32 $0xA880;
	s17 =	simm.s32 $0x0;
	s6 =	smul.u32 $0x5000, s0  }
0x5: {  	s5 =	sand.u32 $0x1, s1;
	s3 =	sshll.u32 s0, $0x1;
	s28 =	smul.u32 $0xA000, s0  }
0x6: {  	s1 =	rddreg [dreg:$0x3];
	s12 =	smul.u32 $0x2800, s0;
	s16 =	sshll.u32 s0, $0x6  }
0x7: {  	s7 =	smul.u32 $0x2800, s5;
	s8 =	sor.u32 s5, s3;
	s3 =	simm.s32 $0x0  }
0x8: {  	s29 =	ssub.s32 $0x2, s5;
	s13 =	smul.u32 $0x28000, s5;
	s16 =	sor.u32 $0x1C01, s16  }
0x9: {  	s26 =	smul.u32 $0x1400, s8;
	[smem:$0x7FF] =	sst s3;
	s30 =	sshrl.u32 s28, $0x2  }
0xa: {  	s31 =	sshrl.u32 s29, $0x1;
	s6 =	sadd.s32 s7, s6;
	_ =	strace $0x8000004A  }
0xb: {  	s8 =	sadd.s32 s30, s2;
	s14 =	ssub.s32 s29, s31;
	s6 =	sshrl.u32 s6, $0x3  }
0xc: {  	s9 =	sadd.s32 s26, s4;
	s5 =	sadd.s32 $0x800, s8;
	s7 =	sadd.s32 $0x1800, s8  }
0xd: {  	s10 =	sadd.s32 s6, s4;
	s4 =	sadd.s32 s12, s2;
	s6 =	sadd.s32 $0x1000, s8  }
0xe: {  	s12 =	sadd.s32 s12, s13;
	s8 =	sadd.s32 $0x2000, s8;
	s9 =	sadd.s32 $0x3E000, s9  }
0xf: {  	v2 =	vlaneseq.u32;
	s13 =	simm.s32 $0x80;
	s12 =	sshrl.u32 s12, $0x3;
	s10 =	sadd.s32 $0x2000, s10  }
0x10: {  	v0 =	vimm.f32 $0.0e+00;
	v1 =	vmul.u32 $0x4, v2;
	v2 =	vand.u32 $0x3, v2;
	s11 =	sadd.s32 s11, s12;
	s12 =	smax.u32 s14, $0x1;
	s14 =	simm.s32 $0x1  }
.LBB2_1:
0x11: {  	s18 =	simm.s32 $0x40;
	s19 =	simm.s32 $0x0  }
.LBB2_2:
0x12: {  	p0 =	sne.s32 s18, $0x1FC0;
	[tilespmem:s19+$0x80] =	vst v0;
	s19 =	smov.u32 s18;
	s18 =	sadd.s32 $0x40, s18  }
.Ltmp0:
0x13: {  	(pc) =	sbr.rel @p0 .LBB2_2-.Ltmp0, $2  }
0x14: {  	_ =	sdelay $0x2  }
0x15: {  	s19 =	sshra.s32 s19, $0x2  }
0x16: {  	[tilespmem:s19+$0x80] =	vst v0  }
0x17: {  	[spmem:s4] =	stream.linear.scatter [tilespmem:s13], [sflag:$0x1], $0x800, $0x38;
	[tilespmem:$0xF880] =	vst v63  }
0x18: {  	_ =	swait.ge [sflag:s14], $0x800  }
0x19: {  	[sflag:s14] =	ssyncset.done $0x0  }
0x1a: {  	[sflag:s14] =	ssyncadd.s32 $0xFFFFF800  }
0x1b: {  	[spmem:s5] =	stream.linear.scatter [tilespmem:s13], [sflag:$0x1], $0x800, $0x38;
	[tilespmem:$0xF880] =	vst v63  }
0x1c: {  	_ =	swait.ge [sflag:s14], $0x800  }
0x1d: {  	[sflag:s14] =	ssyncset.done $0x0  }
0x1e: {  	[sflag:s14] =	ssyncadd.s32 $0xFFFFF800  }
0x1f: {  	[spmem:s6] =	stream.linear.scatter [tilespmem:s13], [sflag:$0x1], $0x800, $0x38;
	[tilespmem:$0xF880] =	vst v63  }
0x20: {  	_ =	swait.ge [sflag:s14], $0x800  }
0x21: {  	[sflag:s14] =	ssyncset.done $0x0  }
0x22: {  	[sflag:s14] =	ssyncadd.s32 $0xFFFFF800  }
0x23: {  	[spmem:s7] =	stream.linear.scatter [tilespmem:s13], [sflag:$0x1], $0x800, $0x38;
	[tilespmem:$0xF880] =	vst v63  }
0x24: {  	_ =	swait.ge [sflag:s14], $0x800  }
0x25: {  	[sflag:s14] =	ssyncset.done $0x0  }
0x26: {  	[sflag:s14] =	ssyncadd.s32 $0xFFFFF800  }
0x27: {  	[spmem:s8] =	stream.linear.scatter [tilespmem:s13], [sflag:$0x1], $0x800, $0x38;
	[tilespmem:$0xF880] =	vst v63  }
0x28: {  	_ =	swait.ge [sflag:s14], $0x800  }
0x29: {  	[sflag:s14] =	ssyncset.done $0x0  }
0x2a: {  	[sflag:s14] =	ssyncadd.s32 $0xFFFFF800  }
0x2b: {  	s18 =	simm.s32 $0x0;
	s19 =	simm.s32 $0x880;
	[bflag:$0x0] =	sbarrier.arrive $0xFFFF  }
0x2c: {  	[tilespmem:s19], [sflag:$0x1] =	stream.linear.gather [hbm4b:s9+s18], $0xA000, $0x38;
	[tilespmem:$0xF880] =	vst v63  }
0x2d: {  	_ =	swait.ge [sflag:s14], $0xA000  }
0x2e: {  	[sflag:s14] =	ssyncset.done $0x0  }
0x2f: {  	[sflag:s14] =	ssyncadd.s32 $0xFFFF6000  }
0x30: {  	[tilespmem:s15], [sflag:$0x1] =	stream.linear.gather [hbm4b:s10+s18], $0x2800, $0x38;
	[tilespmem:$0xF880] =	vst v63  }
0x31: {  	_ =	swait.ge [sflag:s14], $0x2800  }
0x32: {  	[sflag:s14] =	ssyncset.done $0x0  }
0x33: {  	s20 =	simm.s32 $0x0;
	[sflag:s14] =	ssyncadd.s32 $0xFFFFD800  }
.LBB2_4:
0x34: {  	s21 =	sshll.u32 s20, $0x7  }
0x35: {  	s21 =	sand.u32 $0x3FFFFF80, s21  }
0x36: {  	v3 =	vld [tilespmem:s21+$0xA880];
	_ =	sdelay $0x4  }
0x37: {  	[tilespmem:$0x0] =	vst v3  }
0x38: {  	v3 =	vld [tilespmem:s21+$0xA890];
	_ =	sdelay $0x4  }
0x39: {  	[tilespmem:$0x10] =	vst v3  }
0x3a: {  	v3 =	vld [tilespmem:s21+$0xA8A0];
	_ =	sdelay $0x4  }
0x3b: {  	[tilespmem:$0x20] =	vst v3  }
0x3c: {  	v3 =	vld [tilespmem:s21+$0xA8B0];
	_ =	sdelay $0x4  }
0x3d: {  	[tilespmem:$0x30] =	vst v3  }
0x3e: {  	v3 =	vld [tilespmem:s21+$0xA8C0];
	_ =	sdelay $0x4  }
0x3f: {  	[tilespmem:$0x40] =	vst v3  }
0x40: {  	v3 =	vld [tilespmem:s21+$0xA8D0];
	_ =	sdelay $0x4  }
0x41: {  	[tilespmem:$0x50] =	vst v3  }
0x42: {  	v3 =	vld [tilespmem:s21+$0xA8E0];
	_ =	sdelay $0x4  }
0x43: {  	[tilespmem:$0x60] =	vst v3  }
0x44: {  	v3 =	vld [tilespmem:s21+$0xA8F0];
	_ =	sdelay $0x1  }
0x45: {  	v4 =	vmov s18  }
0x46: {  	v4 =	vshll.u32 v4, $0x2  }
0x47: {  	v4 =	vor.u32 v1, v4  }
0x48: {  	v4 =	vand.u32 $0x7F0, v4;
	[tilespmem:$0x70] =	vst v3  }
0x49: {  	s22 =	smov.u32 s19;
	v4 =	vor.u32 v2, v4;
	s21 =	simm.s32 $0x10;
	v3 =	vld [tilespmem:s19+$0x0]  }
.LBB2_5:
0x4a: {  	p0 =	sne.s32 s21, $0x1F0  }
.Ltmp1:
0x4b: {  	v5 =	vmov s21;
	s21 =	sadd.s32 $0x10, s21;
	(pc) =	sbr.rel @p0 .LBB2_5-.Ltmp1, $4  }
0x4c: {  	v5 =	vshll.u32 v5, $0x2  }
0x4d: {  	v5 =	vor.u32 v1, v5  }
0x4e: {  	s22 =	sadd.s32 $0x10, s22;
	v5 =	vand.u32 $0x7F0, v5;
	[tilespmem:v4+s13+$0x0] =	vst.idx.msk $0xffff, v3  }
0x4f: {  	v4 =	vor.u32 v2, v5;
	v3 =	vld [tilespmem:s22+$0x0]  }
0x50: {  	_ =	sdelay $0x1  }
0x51: {  	s20 =	sadd.s32 $0x1, s20  }
0x52: {  	p0 =	sne.s32 s20, $0x50  }
.Ltmp2:
0x53: {  	[tilespmem:v4+s13+$0x0] =	vst.idx.msk $0xffff, v3;
	(pc) =	sbr.rel @p0 .LBB2_4-.Ltmp2, $4  }
0x54: {  	[spmem:s2] =	stream.indirect.scatter.add.f32 [tilespmem:s13], [sflag:$0x1], $0x10, s3, s13, $0xb8;
	[tilespmem:$0xF880] =	vst v63  }
0x55: {  	_ =	swait.ge [sflag:s14], $0x800  }
0x56: {  	[sflag:s14] =	ssyncset.done $0x0  }
0x57: {  	s19 =	sadd.s32 $0x200, s19;
	[sflag:s14] =	ssyncadd.s32 $0xFFFFF800  }
0x58: {  	s17 =	sadd.s32 $0x1, s17  }
0x59: {  	p0 =	sne.s32 s17, s12  }
.Ltmp3:
0x5a: {  	[bflag:$0x0] =	sbarrier.arrive $0xFFFF;
	s18 =	sshrl.u32 s4, $0x3;
	(pc) =	sbr.rel @p0 .LBB2_1-.Ltmp3, $4  }
0x5b: {  	[hbm:s11], [sflag:s16] =	dma.local [spmem:s18], $0x500  }
0x5c: {  	_ =	swait.ge [sflag:s14], $0x500  }
0x5d: {  	[sflag:s14] =	ssyncset.done $0x0  }
0x5e: {  	[sflag:s14] =	ssyncadd.s32 $0xFFFFFB00  }
0x5f: {  	_ =	sfence.sel $0x180000  }
0x60: {  	[bflag:$0x0] =	sbarrier.arrive $0xFFFF  }
0x61: {  	p0 =	sne.s32 s0, $0x0;
	_ =	strace $0x9000004A  }
0x62: {  	s0 =	sadd.s32 @!p0 $0x100000, s1;
	[bflag:$0x2] =	sbarrier.arrive $0xFFFF  }
0x63: {  	[sflag:s0] =	ssyncadd.tile.s32 @!p0 $0x1;
	_ =	shalt  }
.Lfunc_end2:
_tile_overlayer_lowered:
.L_overlay_start_2:
0x64: {  	(tag) =	ssettag $0x2  }
0x65: {  	s0 =	rddreg [dreg:$0x0];
	s2 =	stileid.u32  }
0x66: {  	s1 =	rddreg [dreg:$0x1];
	p0 =	sne.s32 s2, $0x0  }
0x67: {  	s3 =	rddreg [dreg:$0x2];
	[bflag:$0x3] =	sbarrier.arrive $0xFFFF;
	s2 =	simm.s32 @!p0 $0x1C01  }
0x68: {  	[timem:s3], [sflag:s2] =	dma.local @!p0 [hbm:s0], s1  }
0x69: {  	s0 =	simm.s32 @!p0 $0x1  }
0x6a: {  	_ =	swait.ge @!p0 [sflag:s0], s1  }
0x6b: {  	s1 =	ssub.s32 @!p0 $0x0, s1;
	[sflag:s0] =	ssyncset.done @!p0 $0x0  }
0x6c: {  	[sflag:s0] =	ssyncadd.s32 @!p0 s1  }
0x6d: {  	[bflag:$0x3] =	sbarrier.arrive $0xFFFF  }
0x6e: {  	_ =	shalt  }

</sc_bundles>
